<compile_context>
chip_gen: v7x
topology: tpu7x:2x2x1
jax: 0.10.2.dev20260603
libtpu: 0.0.44.dev20260713+nightly
codegen_flags: <defaults>
</compile_context>

<pallas_src>
import functools
import math

import jax
import jax.numpy as jnp
from jax import lax
from jax.experimental import pallas as pl
from jax.experimental.pallas import tpu as pltpu
from jax.experimental.pallas import tpu_sc as plsc

IGNORE_INDEX = -100
CE_W = 1.0
KD_W = 1.0

B, S = 2, 2048
VS, VT = 32000, 32768
S_SIZE = (1024, 1100)
T_SIZE = (948, 1048)
PAIR0 = min(S_SIZE[0], T_SIZE[0])
PAIR1 = min(S_SIZE[1], T_SIZE[1])
P_TOTAL = PAIR0 + PAIR1

NC, NS, L = 2, 16, 16
NW = NC * NS

K = 4096
T_LO = -23.0
T_HI = 0.0
H = (T_HI - T_LO) / K
INVH = 1.0 / H
EH1 = math.expm1(H)
LN2 = 0.6931471805599453
SQRT2 = 1.4142135623730951
C0 = float(VS - VT)

UZ = 16
UM = 4

_BASE_PAIRS = P_TOTAL // NW
_EXTRA = P_TOTAL - _BASE_PAIRS * NW


def _vlog(zv):
    bits = plsc.bitcast(zv, jnp.int32)
    e = ((bits >> 23) & 0xFF) - 127
    m = plsc.bitcast((bits & 0x7FFFFF) | 0x3F800000, jnp.float32)
    big = m > SQRT2
    m = jnp.where(big, m * 0.5, m)
    e = e + jnp.where(big, 1, 0)
    s = (m - 1.0) / (m + 1.0)
    s2 = s * s
    lnm = 2.0 * s * (1.0 + s2 * (1.0 / 3.0 + s2 * (0.2 + s2 * (1.0 / 7.0))))
    return e.astype(jnp.float32) * LN2 + lnm


def _body(s_hbm, t_hbm, st_hbm, out_hbm,
          buf_a, buf_b, dcnt, dsum, st_v, acc_v, sem_a, sem_b):
    cid = lax.axis_index("c")
    sid = lax.axis_index("s")
    wid = sid * NC + cid

    pltpu.sync_copy(st_hbm, st_v)
    sv = st_v[...]
    lanes = lax.iota(jnp.int32, L)

    def pick(j):
        svf = sv.astype(jnp.float32)
        return jnp.sum(jnp.where(lanes == j, svf, 0.0)).astype(jnp.int32)

    ss0, ss1, ts0, ts1 = pick(0), pick(1), pick(2), pick(3)

    zero16 = jnp.zeros((L,), jnp.float32)
    iota_h = lanes.astype(jnp.float32) * H

    def zero_body(m, carry):
        o = m * (L * UM)
        for u in range(UM):
            dcnt[pl.ds(o + u * L, L)] = zero16
            dsum[pl.ds(o + u * L, L)] = zero16
        return carry

    lax.fori_loop(0, K // (L * UM), zero_body, 0)

    def do_row(buf, n, sgn):
        sgn16 = jnp.full((L,), sgn, jnp.float32)

        def z_body(j, accs):
            o = j * (L * UZ)
            return tuple(a + jnp.exp(buf[pl.ds(o + u * L, L)])
                         for u, a in enumerate(accs))

        accs = lax.fori_loop(0, n // (L * UZ), z_body,
                             tuple(jnp.zeros((L,), jnp.float32)
                                   for _ in range(UZ)))
        zacc = accs[0]
        for u in range(1, UZ):
            zacc = zacc + accs[u]
        c = _vlog(jnp.full((L,), jnp.sum(zacc), jnp.float32))
        k0 = (c + T_LO) * INVH

        @plsc.parallel_loop(0, n // L, 1, unroll=UZ)
        def s_body(j):
            x = buf[pl.ds(j * L, L)]
            v = jnp.exp(x - c) * sgn
            uu = jnp.clip(x * INVH - k0, 0.0, K - 0.5)
            idx = uu.astype(jnp.int32)
            plsc.addupdate_scatter(dcnt, [idx], sgn16)
            plsc.addupdate_scatter(dsum, [idx], v)

    def merge():
        def m_body(m, carry):
            d_tot, acc = carry
            o = m * (L * UM)
            dcs = []
            dss = []
            for u in range(UM):
                dcs.append(dcnt[pl.ds(o + u * L, L)])
                dss.append(dsum[pl.ds(o + u * L, L)])
                dcnt[pl.ds(o + u * L, L)] = zero16
                dsum[pl.ds(o + u * L, L)] = zero16
            pds = [plsc.cumsum(dc) for dc in dcs]
            tots = [jnp.sum(dc) for dc in dcs]
            t0 = T_LO + m.astype(jnp.float32) * (L * UM * H)
            run = d_tot
            for u in range(UM):
                rd = (C0 - run) - pds[u]
                v_lo = jnp.exp((t0 + u * (L * H)) + iota_h)
                acc = acc + jnp.abs(v_lo * (EH1 * rd - dcs[u]) + dss[u])
                run = run + tots[u]
            return (run, acc)

        init = (jnp.float32(0.0), jnp.zeros((L,), jnp.float32))
        _, acc = lax.fori_loop(0, K // (L * UM), m_body, init)
        return acc

    n_pairs = _BASE_PAIRS + jnp.where(wid < _EXTRA, 1, 0)
    w0 = jnp.float32(0.5 / PAIR0)
    w1 = jnp.float32(0.5 / PAIR1)

    def rows_of(p):
        p = jnp.minimum(p, P_TOTAL - 1)
        in1 = (p >= PAIR0).astype(jnp.int32)
        off = p - in1 * PAIR0
        srow = in1 * S + jnp.where(in1 == 0, ss0, ss1) + off
        trow = in1 * S + jnp.where(in1 == 0, ts0, ts1) + off
        return in1, srow, trow

    _, srow0, _ = rows_of(wid)
    pltpu.async_copy(s_hbm.at[srow0], buf_a, sem_a)

    def pair_body(k, acc):
        p = wid + k * NW
        in1, _, trow = rows_of(p)
        pltpu.async_copy(t_hbm.at[trow], buf_b, sem_b)
        pltpu.make_async_copy(s_hbm.at[0], buf_a, sem_a).wait()
        do_row(buf_a, VS, 1.0)
        _, srow_n, _ = rows_of(p + NW)
        pltpu.async_copy(s_hbm.at[srow_n], buf_a, sem_a)
        pltpu.make_async_copy(t_hbm.at[0], buf_b, sem_b).wait()
        do_row(buf_b, VT, -1.0)
        pair_acc = merge()
        w = jnp.where(in1 == 0, w0, w1)
        return acc + pair_acc * w

    acc = lax.fori_loop(0, n_pairs, pair_body, jnp.zeros((L,), jnp.float32))
    pltpu.make_async_copy(s_hbm.at[0], buf_a, sem_a).wait()
    acc_v[...] = acc
    pltpu.sync_copy(acc_v, out_hbm.at[pl.ds(wid * L, L)])


@jax.jit
def _distill(s2d, t2d, st16):
    mesh = plsc.VectorSubcoreMesh(
        core_axis_name="c", subcore_axis_name="s",
        num_cores=NC, num_subcores=NS)
    f = pl.kernel(
        _body,
        out_type=jax.ShapeDtypeStruct((NW * L,), jnp.float32),
        mesh=mesh,
        compiler_params=pltpu.CompilerParams(needs_layout_passes=False),
        scratch_types=[
            pltpu.VMEM((VS,), jnp.float32),
            pltpu.VMEM((VT,), jnp.float32),
            pltpu.VMEM((K,), jnp.float32),
            pltpu.VMEM((K,), jnp.float32),
            pltpu.VMEM((L,), jnp.int32),
            pltpu.VMEM((L,), jnp.float32),
            pltpu.SemaphoreType.DMA,
            pltpu.SemaphoreType.DMA,
        ],
    )
    return f(s2d, t2d, st16)


def kernel(student_logits, teacher_logits, student_loss,
           student_targets, teacher_targets):
    s_start = jnp.argmax(student_targets != IGNORE_INDEX, axis=1).astype(jnp.int32)
    t_start = jnp.argmax(teacher_targets != IGNORE_INDEX, axis=1).astype(jnp.int32)
    st16 = jnp.zeros((L,), jnp.int32)
    st16 = st16.at[0].set(s_start[0]).at[1].set(s_start[1])
    st16 = st16.at[2].set(t_start[0]).at[3].set(t_start[1])
    out = _distill(student_logits.reshape(B * S, VS),
                   teacher_logits.reshape(B * S, VT), st16)
    kd = KD_W * jnp.sum(out)
    ce = CE_W * student_loss
    return (ce + kd, ce, kd)

# --- scband reference (transcript-rebuilt; emitter-appended) ---
"""Pipeline reference for scband-distillation-loss-75436805587351 (READ-ONLY COPY).

The authoritative reference and input builder live on the scoring server;
editing this copy changes nothing except your own understanding.
"""

import jax, jax.numpy as jnp
import numpy as np

IGNORE_INDEX = -100
CE_W = 1.0
KD_W = 1.0
T_S = 1.0
T_T = 1.0


def _starts_sizes(targets):
    t = np.asarray(targets)
    starts, sizes = [], []
    for row in t:
        mask = row != IGNORE_INDEX
        starts.append(int(np.argmax(mask)) if mask.any() else 0)
        sizes.append(int(mask.sum()))
    return starts, sizes


def setup_inputs(seed: int = 0):
    key = jax.random.key(seed)
    B, S = 2, 2048
    VS, VT = 32000, 32768
    k1, k2, k3, k4, k5 = jax.random.split(key, 5)
    student_logits = jax.random.normal(k1, (B, S, VS), dtype=jnp.float32)
    teacher_logits = jax.random.normal(k2, (B, S, VT), dtype=jnp.float32)
    s_prompt = [1024, 948]
    t_prompt = [1100, 1000]
    st = jax.random.randint(k3, (B, S), 0, VS)
    tt = jax.random.randint(k4, (B, S), 0, VT)
    for i in range(B):
        st = st.at[i, :s_prompt[i]].set(IGNORE_INDEX)
        tt = tt.at[i, :t_prompt[i]].set(IGNORE_INDEX)
    student_loss = jax.random.uniform(k5, (), dtype=jnp.float32) + 1.0
    return {"student_logits": student_logits, "teacher_logits": teacher_logits,
            "student_loss": student_loss, "student_targets": st, "teacher_targets": tt}


def reference(student_logits, teacher_logits, student_loss, student_targets, teacher_targets):
    B, S, VS = student_logits.shape
    VT = teacher_logits.shape[2]
    s_start = jnp.argmax(student_targets != IGNORE_INDEX, axis=1)
    t_start = jnp.argmax(teacher_targets != IGNORE_INDEX, axis=1)
    S_PROMPT = (1024, 948)
    T_PROMPT = (1100, 1000)
    s_size = [S - p for p in S_PROMPT]
    t_size = [S - p for p in T_PROMPT]
    s_rows = []
    for i in range(B):
        sz = s_size[i]
        sliced = jax.lax.dynamic_slice_in_dim(student_logits[i], s_start[i], sz, axis=0)
        soft = jax.nn.softmax(sliced / T_S, axis=-1)
        s_rows.append(jnp.concatenate([soft, jnp.zeros((S - sz, VS), dtype=student_logits.dtype)], axis=0))
    student = jnp.stack(s_rows, axis=0)
    t_rows = []
    for i in range(B):
        sz = t_size[i]
        sliced = jax.lax.dynamic_slice_in_dim(teacher_logits[i], t_start[i], sz, axis=0)
        soft = jax.nn.softmax(sliced / T_T, axis=-1)
        t_rows.append(jnp.concatenate([soft, jnp.zeros((S - sz, VT), dtype=teacher_logits.dtype)], axis=0))
    teacher = jnp.stack(t_rows, axis=0)
    mex_length = max(max(s_size), max(t_size))
    student = student[:, :mex_length, :]
    teacher = teacher[:, :mex_length, :]
    student = -jnp.sort(-student, axis=-1)
    teacher = -jnp.sort(-teacher, axis=-1)
    diff = VS - VT
    if diff > 0:
        teacher = jnp.pad(teacher, ((0, 0), (0, 0), (0, diff)))
    elif diff < 0:
        student = jnp.pad(student, ((0, 0), (0, 0), (0, -diff)))
    crossentropy_loss = CE_W * student_loss
    dl = []
    for i in range(B):
        sz = min(s_size[i], t_size[i])
        dl.append(jnp.abs(student[i, :sz] - teacher[i, :sz]).sum(-1).mean(-1))
    distillation_loss = KD_W * jnp.stack(dl).mean()
    return (crossentropy_loss + distillation_loss, crossentropy_loss, distillation_loss)

if __name__ == "__main__":
    import jax
    _d = setup_inputs()
    print(jax.jit(kernel)(*tuple(_d.values())))

</pallas_src>

<mosaic_0001>
#map = affine_map<(d0, d1) -> (0, 0)>
#map1 = affine_map<(d0, d1) -> (0)>
module attributes {stable_mosaic.version = 14 : i64} {
  func.func @_body(%arg0: i32, %arg1: i32, %arg2: memref<4096x32000xf32, #tpu.memory_space<hbm>>, %arg3: memref<4096x32768xf32, #tpu.memory_space<hbm>>, %arg4: memref<16xi32, #tpu.memory_space<hbm>>, %arg5: memref<512xf32, #tpu.memory_space<hbm>>, %arg6: memref<32000xf32, #tpu.memory_space<vmem>>, %arg7: memref<32768xf32, #tpu.memory_space<vmem>>, %arg8: memref<4096xf32, #tpu.memory_space<vmem>>, %arg9: memref<4096xf32, #tpu.memory_space<vmem>>, %arg10: memref<16xi32, #tpu.memory_space<vmem>>, %arg11: memref<16xf32, #tpu.memory_space<vmem>>, %arg12: memref<!tpu.dma_semaphore, #tpu.memory_space<semaphore_mem>>, %arg13: memref<!tpu.dma_semaphore, #tpu.memory_space<semaphore_mem>>) attributes {dimension_semantics = [#tpu.dimension_semantics<core_parallel>, #tpu.dimension_semantics<subcore_parallel>], iteration_bounds = array<i64: 2, 16>, scalar_prefetch = 0 : i64, scratch_operands = 8 : i64, tpu.core_type = #tpu.core_type<sc_vector_subcore>, window_params = [{transform_indices = #map}, {transform_indices = #map}, {transform_indices = #map1}, {transform_indices = #map1}]} {
    %mul3A = arith.constant 2 : i32
    %mul3A_0 = arith.muli %arg1, %mul3A : i32
    %add3A = arith.addi %mul3A_0, %arg0 : i32
    "tpu.region"() ({
      %run_scoped3A = tpu.sem_alloc : memref<!tpu.dma_semaphore, #tpu.memory_space<semaphore_mem>>
      tpu.enqueue_dma source(%arg4 : memref<16xi32, #tpu.memory_space<hbm>>) target(%arg10 : memref<16xi32, #tpu.memory_space<vmem>>) target_semaphore(%run_scoped3A : memref<!tpu.dma_semaphore, #tpu.memory_space<semaphore_mem>>)
      tpu.wait_dma2 semaphore(%run_scoped3A : memref<!tpu.dma_semaphore, #tpu.memory_space<semaphore_mem>>) src(%arg4 : memref<16xi32, #tpu.memory_space<hbm>>) dst(%arg10 : memref<16xi32, #tpu.memory_space<vmem>>)
      tpu.yield
    }) : () -> ()
    %get3A = arith.constant 0 : index
    %get3A_1 = tpu.vector_load %arg10[%get3A] {strides = array<i32>} : memref<16xi32, #tpu.memory_space<vmem>>, vector<16xi32>,
    %iota3A = tpu.iota {dimensions = array<i32: 0>} : vector<16xi32>
    %convert_element_type3A = arith.sitofp %get3A_1 : vector<16xi32> to vector<16xf32>
    %eq3A = arith.constant 0 : i32
    %eq3A_2 = vector.broadcast %eq3A : i32 to vector<16xi32>
    %eq3A_3 = arith.cmpi eq, %iota3A, %eq3A_2 : vector<16xi32>
    %jit3A = arith.constant 0.000000e+00 : f32
    %broadcast_in_dim3A = vector.broadcast %jit3A : f32 to vector<16xf32>
    %select_n3A = arith.select %eq3A_3, %convert_element_type3A, %broadcast_in_dim3A : vector<16xi1>, vector<16xf32>
    %reduce_sum3A = arith.constant true
    %reduce_sum3A_4 = vector.broadcast %reduce_sum3A : i1 to vector<16xi1>
    %reduce_sum3A_5 = tpu.scan <sum>, %select_n3A masked %reduce_sum3A_4 : vector<16xf32>, vector<16xi1> -> vector<16xf32>
    %reduce_sum3A_6 = vector.extract %reduce_sum3A_5[15] : f32 from vector<16xf32>
    %convert_element_type3A_7 = arith.fptosi %reduce_sum3A_6 : f32 to i32
    %convert_element_type3A_8 = arith.sitofp %get3A_1 : vector<16xi32> to vector<16xf32>
    %eq3A_9 = arith.constant 1 : i32
    %eq3A_10 = vector.broadcast %eq3A_9 : i32 to vector<16xi32>
    %eq3A_11 = arith.cmpi eq, %iota3A, %eq3A_10 : vector<16xi32>
    %jit3A_12 = arith.constant 0.000000e+00 : f32
    %broadcast_in_dim3A_13 = vector.broadcast %jit3A_12 : f32 to vector<16xf32>
    %select_n3A_14 = arith.select %eq3A_11, %convert_element_type3A_8, %broadcast_in_dim3A_13 : vector<16xi1>, vector<16xf32>
    %reduce_sum3A_15 = arith.constant true
    %reduce_sum3A_16 = vector.broadcast %reduce_sum3A_15 : i1 to vector<16xi1>
    %reduce_sum3A_17 = tpu.scan <sum>, %select_n3A_14 masked %reduce_sum3A_16 : vector<16xf32>, vector<16xi1> -> vector<16xf32>
    %reduce_sum3A_18 = vector.extract %reduce_sum3A_17[15] : f32 from vector<16xf32>
    %convert_element_type3A_19 = arith.fptosi %reduce_sum3A_18 : f32 to i32
    %convert_element_type3A_20 = arith.sitofp %get3A_1 : vector<16xi32> to vector<16xf32>
    %eq3A_21 = arith.constant 2 : i32
    %eq3A_22 = vector.broadcast %eq3A_21 : i32 to vector<16xi32>
    %eq3A_23 = arith.cmpi eq, %iota3A, %eq3A_22 : vector<16xi32>
    %jit3A_24 = arith.constant 0.000000e+00 : f32
    %broadcast_in_dim3A_25 = vector.broadcast %jit3A_24 : f32 to vector<16xf32>
    %select_n3A_26 = arith.select %eq3A_23, %convert_element_type3A_20, %broadcast_in_dim3A_25 : vector<16xi1>, vector<16xf32>
    %reduce_sum3A_27 = arith.constant true
    %reduce_sum3A_28 = vector.broadcast %reduce_sum3A_27 : i1 to vector<16xi1>
    %reduce_sum3A_29 = tpu.scan <sum>, %select_n3A_26 masked %reduce_sum3A_28 : vector<16xf32>, vector<16xi1> -> vector<16xf32>
    %reduce_sum3A_30 = vector.extract %reduce_sum3A_29[15] : f32 from vector<16xf32>
    %convert_element_type3A_31 = arith.fptosi %reduce_sum3A_30 : f32 to i32
    %convert_element_type3A_32 = arith.sitofp %get3A_1 : vector<16xi32> to vector<16xf32>
    %eq3A_33 = arith.constant 3 : i32
    %eq3A_34 = vector.broadcast %eq3A_33 : i32 to vector<16xi32>
    %eq3A_35 = arith.cmpi eq, %iota3A, %eq3A_34 : vector<16xi32>
    %jit3A_36 = arith.constant 0.000000e+00 : f32
    %broadcast_in_dim3A_37 = vector.broadcast %jit3A_36 : f32 to vector<16xf32>
    %select_n3A_38 = arith.select %eq3A_35, %convert_element_type3A_32, %broadcast_in_dim3A_37 : vector<16xi1>, vector<16xf32>
    %reduce_sum3A_39 = arith.constant true
    %reduce_sum3A_40 = vector.broadcast %reduce_sum3A_39 : i1 to vector<16xi1>
    %reduce_sum3A_41 = tpu.scan <sum>, %select_n3A_38 masked %reduce_sum3A_40 : vector<16xf32>, vector<16xi1> -> vector<16xf32>
    %reduce_sum3A_42 = vector.extract %reduce_sum3A_41[15] : f32 from vector<16xf32>
    %convert_element_type3A_43 = arith.fptosi %reduce_sum3A_42 : f32 to i32
    %broadcast_in_dim3A_44 = arith.constant 0.000000e+00 : f32
    %broadcast_in_dim3A_45 = vector.broadcast %broadcast_in_dim3A_44 : f32 to vector<16xf32>
    %convert_element_type3A_46 = arith.sitofp %iota3A : vector<16xi32> to vector<16xf32>
    %mul3A_47 = arith.constant 0.00561523438 : f32
    %mul3A_48 = vector.broadcast %mul3A_47 : f32 to vector<16xf32>
    %mul3A_49 = arith.mulf %convert_element_type3A_46, %mul3A_48 : vector<16xf32>
    %scan3A = arith.constant 0 : i32
    %scan3A_50 = arith.constant 0 : i32
    %scan3A_51 = arith.constant 64 : i32
    %scan3A_52 = arith.addi %scan3A_50, %scan3A_51 : i32
    %scan3A_53 = arith.constant 1 : i32
    scf.for %scan3A_108 = %scan3A_50 to %scan3A_52 step %scan3A_53  : i32 {
      %mul3A_109 = arith.constant 64 : i32
      %mul3A_110 = arith.muli %scan3A_108, %mul3A_109 : i32
      %add3A_111 = arith.constant 0 : i32
      %add3A_112 = arith.addi %mul3A_110, %add3A_111 : i32
      %swap3A_113 = arith.index_cast %add3A_112 : i32 to index
      %swap3A_114 = tpu.vector_load %arg8[%swap3A_113] {strides = array<i32>} : memref<4096xf32, #tpu.memory_space<vmem>>, vector<16xf32>,
      tpu.vector_store %arg8[%swap3A_113], %broadcast_in_dim3A_45 {strides = array<i32>} : memref<4096xf32, #tpu.memory_space<vmem>>, vector<16xf32>,
      %add3A_115 = arith.constant 0 : i32
      %add3A_116 = arith.addi %mul3A_110, %add3A_115 : i32
      %swap3A_117 = arith.index_cast %add3A_116 : i32 to index
      %swap3A_118 = tpu.vector_load %arg9[%swap3A_117] {strides = array<i32>} : memref<4096xf32, #tpu.memory_space<vmem>>, vector<16xf32>,
      tpu.vector_store %arg9[%swap3A_117], %broadcast_in_dim3A_45 {strides = array<i32>} : memref<4096xf32, #tpu.memory_space<vmem>>, vector<16xf32>,
      %add3A_119 = arith.constant 16 : i32
      %add3A_120 = arith.addi %mul3A_110, %add3A_119 : i32
      %swap3A_121 = arith.index_cast %add3A_120 : i32 to index
      %swap3A_122 = tpu.vector_load %arg8[%swap3A_121] {strides = array<i32>} : memref<4096xf32, #tpu.memory_space<vmem>>, vector<16xf32>,
      tpu.vector_store %arg8[%swap3A_121], %broadcast_in_dim3A_45 {strides = array<i32>} : memref<4096xf32, #tpu.memory_space<vmem>>, vector<16xf32>,
      %add3A_123 = arith.constant 16 : i32
      %add3A_124 = arith.addi %mul3A_110, %add3A_123 : i32
      %swap3A_125 = arith.index_cast %add3A_124 : i32 to index
      %swap3A_126 = tpu.vector_load %arg9[%swap3A_125] {strides = array<i32>} : memref<4096xf32, #tpu.memory_space<vmem>>, vector<16xf32>,
      tpu.vector_store %arg9[%swap3A_125], %broadcast_in_dim3A_45 {strides = array<i32>} : memref<4096xf32, #tpu.memory_space<vmem>>, vector<16xf32>,
      %add3A_127 = arith.constant 32 : i32
      %add3A_128 = arith.addi %mul3A_110, %add3A_127 : i32
      %swap3A_129 = arith.index_cast %add3A_128 : i32 to index
      %swap3A_130 = tpu.vector_load %arg8[%swap3A_129] {strides = array<i32>} : memref<4096xf32, #tpu.memory_space<vmem>>, vector<16xf32>,
      tpu.vector_store %arg8[%swap3A_129], %broadcast_in_dim3A_45 {strides = array<i32>} : memref<4096xf32, #tpu.memory_space<vmem>>, vector<16xf32>,
      %add3A_131 = arith.constant 32 : i32
      %add3A_132 = arith.addi %mul3A_110, %add3A_131 : i32
      %swap3A_133 = arith.index_cast %add3A_132 : i32 to index
      %swap3A_134 = tpu.vector_load %arg9[%swap3A_133] {strides = array<i32>} : memref<4096xf32, #tpu.memory_space<vmem>>, vector<16xf32>,
      tpu.vector_store %arg9[%swap3A_133], %broadcast_in_dim3A_45 {strides = array<i32>} : memref<4096xf32, #tpu.memory_space<vmem>>, vector<16xf32>,
      %add3A_135 = arith.constant 48 : i32
      %add3A_136 = arith.addi %mul3A_110, %add3A_135 : i32
      %swap3A_137 = arith.index_cast %add3A_136 : i32 to index
      %swap3A_138 = tpu.vector_load %arg8[%swap3A_137] {strides = array<i32>} : memref<4096xf32, #tpu.memory_space<vmem>>, vector<16xf32>,
      tpu.vector_store %arg8[%swap3A_137], %broadcast_in_dim3A_45 {strides = array<i32>} : memref<4096xf32, #tpu.memory_space<vmem>>, vector<16xf32>,
      %add3A_139 = arith.constant 48 : i32
      %add3A_140 = arith.addi %mul3A_110, %add3A_139 : i32
      %swap3A_141 = arith.index_cast %add3A_140 : i32 to index
      %swap3A_142 = tpu.vector_load %arg9[%swap3A_141] {strides = array<i32>} : memref<4096xf32, #tpu.memory_space<vmem>>, vector<16xf32>,
      tpu.vector_store %arg9[%swap3A_141], %broadcast_in_dim3A_45 {strides = array<i32>} : memref<4096xf32, #tpu.memory_space<vmem>>, vector<16xf32>,
    }
    %scan3A_54 = arith.constant 64 : i32
    %lt3A = arith.constant 12 : i32
    %lt3A_55 = arith.cmpi slt, %add3A, %lt3A : i32
    %jit3A_56 = arith.constant 1 : i32
    %jit3A_57 = arith.constant 0 : i32
    %select_n3A_58 = arith.select %lt3A_55, %jit3A_56, %jit3A_57 : i32
    %add3A_59 = arith.constant 62 : i32
    %add3A_60 = arith.addi %add3A_59, %select_n3A_58 : i32
    %min3A = arith.constant 1995 : i32
    %min3A_61 = arith.minsi %add3A, %min3A : i32
    %ge3A = arith.constant 948 : i32
    %ge3A_62 = arith.cmpi sge, %min3A_61, %ge3A : i32
    %convert_element_type3A_63 = arith.extui %ge3A_62 : i1 to i32
    %mul3A_64 = arith.constant 948 : i32
    %mul3A_65 = arith.muli %convert_element_type3A_63, %mul3A_64 : i32
    %sub3A = arith.subi %min3A_61, %mul3A_65 : i32
    %mul3A_66 = arith.constant 2048 : i32
    %mul3A_67 = arith.muli %convert_element_type3A_63, %mul3A_66 : i32
    %eq3A_68 = arith.constant 0 : i32
    %eq3A_69 = arith.cmpi eq, %convert_element_type3A_63, %eq3A_68 : i32
    %select_n3A_70 = arith.select %eq3A_69, %convert_element_type3A_7, %convert_element_type3A_19 : i32
    %add3A_71 = arith.addi %mul3A_67, %select_n3A_70 : i32
    %add3A_72 = arith.addi %add3A_71, %sub3A : i32
    %mul3A_73 = arith.constant 2048 : i32
    %mul3A_74 = arith.muli %convert_element_type3A_63, %mul3A_73 : i32
    %eq3A_75 = arith.constant 0 : i32
    %eq3A_76 = arith.cmpi eq, %convert_element_type3A_63, %eq3A_75 : i32
    %select_n3A_77 = arith.select %eq3A_76, %convert_element_type3A_31, %convert_element_type3A_43 : i32
    %add3A_78 = arith.addi %mul3A_74, %select_n3A_77 : i32
    %add3A_79 = arith.addi %add3A_78, %sub3A : i32
    %dma_start3A = arith.constant 0 : i32
    %dma_start3A_80 = tpu.memref_slice %arg2[%add3A_72, %dma_start3A] : memref<4096x32000xf32, #tpu.memory_space<hbm>> -> memref<1x32000xf32, #tpu.memory_space<hbm>>
    %dma_start3A_81 = tpu.memref_squeeze %dma_start3A_80 : memref<1x32000xf32, #tpu.memory_space<hbm>> -> memref<32000xf32, #tpu.memory_space<hbm>>
    %dma_start3A_82 = arith.constant 0 : i32
    %dma_start3A_83 = tpu.memref_slice %arg2[%add3A_72, %dma_start3A_82] : memref<4096x32000xf32, #tpu.memory_space<hbm>> -> memref<1x32000xf32, #tpu.memory_space<hbm>>
    %dma_start3A_84 = tpu.memref_squeeze %dma_start3A_83 : memref<1x32000xf32, #tpu.memory_space<hbm>> -> memref<32000xf32, #tpu.memory_space<hbm>>
    tpu.enqueue_dma source(%dma_start3A_84 : memref<32000xf32, #tpu.memory_space<hbm>>) target(%arg6 : memref<32000xf32, #tpu.memory_space<vmem>>) target_semaphore(%arg12 : memref<!tpu.dma_semaphore, #tpu.memory_space<semaphore_mem>>)
    %broadcast_in_dim3A_85 = arith.constant 0.000000e+00 : f32
    %broadcast_in_dim3A_86 = vector.broadcast %broadcast_in_dim3A_85 : f32 to vector<16xf32>
    %while3A = arith.constant 5.27426135E-4 : f32
    %while3A_87 = arith.constant 4.77099238E-4 : f32
    %while3A_88 = arith.constant 0 : i32
    %while3A_89 = arith.subi %add3A_60, %while3A_88 : i32
    %while3A_90 = arith.addi %while3A_88, %while3A_89 : i32
    %while3A_91 = arith.constant 1 : i32
    %while3A_92 = arith.divsi %while3A_89, %while3A_91 : i32
    %while3A_93 = arith.muli %while3A_92, %while3A_91 : i32
    %while3A_94 = arith.addi %while3A_88, %while3A_93 : i32
    %while3A_95 = arith.constant 1 : i32
    %while3A_96 = scf.for %while3A_108 = %while3A_88 to %while3A_94 step %while3A_95 iter_args(%while3A_109 = %broadcast_in_dim3A_86) -> (vector<16xf32>)  : i32 {
      %mul3A_110 = arith.constant 32 : i32
      %mul3A_111 = arith.muli %while3A_108, %mul3A_110 : i32
      %add3A_112 = arith.addi %add3A, %mul3A_111 : i32
      %min3A_113 = arith.constant 1995 : i32
      %min3A_114 = arith.minsi %add3A_112, %min3A_113 : i32
      %ge3A_115 = arith.constant 948 : i32
      %ge3A_116 = arith.cmpi sge, %min3A_114, %ge3A_115 : i32
      %convert_element_type3A_117 = arith.extui %ge3A_116 : i1 to i32
      %mul3A_118 = arith.constant 948 : i32
      %mul3A_119 = arith.muli %convert_element_type3A_117, %mul3A_118 : i32
      %sub3A_120 = arith.subi %min3A_114, %mul3A_119 : i32
      %mul3A_121 = arith.constant 2048 : i32
      %mul3A_122 = arith.muli %convert_element_type3A_117, %mul3A_121 : i32
      %eq3A_123 = arith.constant 0 : i32
      %eq3A_124 = arith.cmpi eq, %convert_element_type3A_117, %eq3A_123 : i32
      %select_n3A_125 = arith.select %eq3A_124, %convert_element_type3A_7, %convert_element_type3A_19 : i32
      %add3A_126 = arith.addi %mul3A_122, %select_n3A_125 : i32
      %add3A_127 = arith.addi %add3A_126, %sub3A_120 : i32
      %mul3A_128 = arith.constant 2048 : i32
      %mul3A_129 = arith.muli %convert_element_type3A_117, %mul3A_128 : i32
      %eq3A_130 = arith.constant 0 : i32
      %eq3A_131 = arith.cmpi eq, %convert_element_type3A_117, %eq3A_130 : i32
      %select_n3A_132 = arith.select %eq3A_131, %convert_element_type3A_31, %convert_element_type3A_43 : i32
      %add3A_133 = arith.addi %mul3A_129, %select_n3A_132 : i32
      %add3A_134 = arith.addi %add3A_133, %sub3A_120 : i32
      %dma_start3A_135 = arith.constant 0 : i32
      %dma_start3A_136 = tpu.memref_slice %arg3[%add3A_134, %dma_start3A_135] : memref<4096x32768xf32, #tpu.memory_space<hbm>> -> memref<1x32768xf32, #tpu.memory_space<hbm>>
      %dma_start3A_137 = tpu.memref_squeeze %dma_start3A_136 : memref<1x32768xf32, #tpu.memory_space<hbm>> -> memref<32768xf32, #tpu.memory_space<hbm>>
      %dma_start3A_138 = arith.constant 0 : i32
      %dma_start3A_139 = tpu.memref_slice %arg3[%add3A_134, %dma_start3A_138] : memref<4096x32768xf32, #tpu.memory_space<hbm>> -> memref<1x32768xf32, #tpu.memory_space<hbm>>
      %dma_start3A_140 = tpu.memref_squeeze %dma_start3A_139 : memref<1x32768xf32, #tpu.memory_space<hbm>> -> memref<32768xf32, #tpu.memory_space<hbm>>
      tpu.enqueue_dma source(%dma_start3A_140 : memref<32768xf32, #tpu.memory_space<hbm>>) target(%arg7 : memref<32768xf32, #tpu.memory_space<vmem>>) target_semaphore(%arg13 : memref<!tpu.dma_semaphore, #tpu.memory_space<semaphore_mem>>)
      %dma_wait3A_141 = arith.constant 0 : i32
      %dma_wait3A_142 = arith.constant 0 : i32
      %dma_wait3A_143 = tpu.memref_slice %arg2[%dma_wait3A_141, %dma_wait3A_142] : memref<4096x32000xf32, #tpu.memory_space<hbm>> -> memref<1x32000xf32, #tpu.memory_space<hbm>>
      %dma_wait3A_144 = tpu.memref_squeeze %dma_wait3A_143 : memref<1x32000xf32, #tpu.memory_space<hbm>> -> memref<32000xf32, #tpu.memory_space<hbm>>
      %dma_wait3A_145 = arith.constant 0 : i32
      %dma_wait3A_146 = tpu.memref_slice %arg2[%dma_wait3A_141, %dma_wait3A_145] : memref<4096x32000xf32, #tpu.memory_space<hbm>> -> memref<1x32000xf32, #tpu.memory_space<hbm>>
      %dma_wait3A_147 = tpu.memref_squeeze %dma_wait3A_146 : memref<1x32000xf32, #tpu.memory_space<hbm>> -> memref<32000xf32, #tpu.memory_space<hbm>>
      tpu.wait_dma2 semaphore(%arg12 : memref<!tpu.dma_semaphore, #tpu.memory_space<semaphore_mem>>) src(%dma_wait3A_147 : memref<32000xf32, #tpu.memory_space<hbm>>) dst(%arg6 : memref<32000xf32, #tpu.memory_space<vmem>>)
      %broadcast_in_dim3A_148 = arith.constant 1.000000e+00 : f32
      %broadcast_in_dim3A_149 = vector.broadcast %broadcast_in_dim3A_148 : f32 to vector<16xf32>
      %broadcast_in_dim3A_150 = arith.constant 0.000000e+00 : f32
      %broadcast_in_dim3A_151 = vector.broadcast %broadcast_in_dim3A_150 : f32 to vector<16xf32>
      %broadcast_in_dim3A_152 = arith.constant 0.000000e+00 : f32
      %broadcast_in_dim3A_153 = vector.broadcast %broadcast_in_dim3A_152 : f32 to vector<16xf32>
      %broadcast_in_dim3A_154 = arith.constant 0.000000e+00 : f32
      %broadcast_in_dim3A_155 = vector.broadcast %broadcast_in_dim3A_154 : f32 to vector<16xf32>
      %broadcast_in_dim3A_156 = arith.constant 0.000000e+00 : f32
      %broadcast_in_dim3A_157 = vector.broadcast %broadcast_in_dim3A_156 : f32 to vector<16xf32>
      %broadcast_in_dim3A_158 = arith.constant 0.000000e+00 : f32
      %broadcast_in_dim3A_159 = vector.broadcast %broadcast_in_dim3A_158 : f32 to vector<16xf32>
      %broadcast_in_dim3A_160 = arith.constant 0.000000e+00 : f32
      %broadcast_in_dim3A_161 = vector.broadcast %broadcast_in_dim3A_160 : f32 to vector<16xf32>
      %broadcast_in_dim3A_162 = arith.constant 0.000000e+00 : f32
      %broadcast_in_dim3A_163 = vector.broadcast %broadcast_in_dim3A_162 : f32 to vector<16xf32>
      %broadcast_in_dim3A_164 = arith.constant 0.000000e+00 : f32
      %broadcast_in_dim3A_165 = vector.broadcast %broadcast_in_dim3A_164 : f32 to vector<16xf32>
      %broadcast_in_dim3A_166 = arith.constant 0.000000e+00 : f32
      %broadcast_in_dim3A_167 = vector.broadcast %broadcast_in_dim3A_166 : f32 to vector<16xf32>
      %broadcast_in_dim3A_168 = arith.constant 0.000000e+00 : f32
      %broadcast_in_dim3A_169 = vector.broadcast %broadcast_in_dim3A_168 : f32 to vector<16xf32>
      %broadcast_in_dim3A_170 = arith.constant 0.000000e+00 : f32
      %broadcast_in_dim3A_171 = vector.broadcast %broadcast_in_dim3A_170 : f32 to vector<16xf32>
      %broadcast_in_dim3A_172 = arith.constant 0.000000e+00 : f32
      %broadcast_in_dim3A_173 = vector.broadcast %broadcast_in_dim3A_172 : f32 to vector<16xf32>
      %broadcast_in_dim3A_174 = arith.constant 0.000000e+00 : f32
      %broadcast_in_dim3A_175 = vector.broadcast %broadcast_in_dim3A_174 : f32 to vector<16xf32>
      %broadcast_in_dim3A_176 = arith.constant 0.000000e+00 : f32
      %broadcast_in_dim3A_177 = vector.broadcast %broadcast_in_dim3A_176 : f32 to vector<16xf32>
      %broadcast_in_dim3A_178 = arith.constant 0.000000e+00 : f32
      %broadcast_in_dim3A_179 = vector.broadcast %broadcast_in_dim3A_178 : f32 to vector<16xf32>
      %broadcast_in_dim3A_180 = arith.constant 0.000000e+00 : f32
      %broadcast_in_dim3A_181 = vector.broadcast %broadcast_in_dim3A_180 : f32 to vector<16xf32>
      %scan3A_182 = arith.constant 0 : i32
      %scan3A_183 = arith.constant 125 : i32
      %scan3A_184 = arith.addi %scan3A_182, %scan3A_183 : i32
      %scan3A_185 = arith.constant 1 : i32
      %scan3A_186:16 = scf.for %scan3A_453 = %scan3A_182 to %scan3A_184 step %scan3A_185 iter_args(%scan3A_454 = %broadcast_in_dim3A_151, %scan3A_455 = %broadcast_in_dim3A_153, %scan3A_456 = %broadcast_in_dim3A_155, %scan3A_457 = %broadcast_in_dim3A_157, %scan3A_458 = %broadcast_in_dim3A_159, %scan3A_459 = %broadcast_in_dim3A_161, %scan3A_460 = %broadcast_in_dim3A_163, %scan3A_461 = %broadcast_in_dim3A_165, %scan3A_462 = %broadcast_in_dim3A_167, %scan3A_463 = %broadcast_in_dim3A_169, %scan3A_464 = %broadcast_in_dim3A_171, %scan3A_465 = %broadcast_in_dim3A_173, %scan3A_466 = %broadcast_in_dim3A_175, %scan3A_467 = %broadcast_in_dim3A_177, %scan3A_468 = %broadcast_in_dim3A_179, %scan3A_469 = %broadcast_in_dim3A_181) -> (vector<16xf32>, vector<16xf32>, vector<16xf32>, vector<16xf32>, vector<16xf32>, vector<16xf32>, vector<16xf32>, vector<16xf32>, vector<16xf32>, vector<16xf32>, vector<16xf32>, vector<16xf32>, vector<16xf32>, vector<16xf32>, vector<16xf32>, vector<16xf32>)  : i32 {
        %mul3A_470 = arith.constant 256 : i32
        %mul3A_471 = arith.muli %scan3A_453, %mul3A_470 : i32
        %add3A_472 = arith.constant 0 : i32
        %add3A_473 = arith.addi %mul3A_471, %add3A_472 : i32
        %get3A_474 = arith.index_cast %add3A_473 : i32 to index
        %get3A_475 = tpu.vector_load %arg6[%get3A_474] {strides = array<i32>} : memref<32000xf32, #tpu.memory_space<vmem>>, vector<16xf32>,
        %exp3A = math.exp %get3A_475 : vector<16xf32>
        %add3A_476 = arith.addf %scan3A_454, %exp3A : vector<16xf32>
        %add3A_477 = arith.constant 16 : i32
        %add3A_478 = arith.addi %mul3A_471, %add3A_477 : i32
        %get3A_479 = arith.index_cast %add3A_478 : i32 to index
        %get3A_480 = tpu.vector_load %arg6[%get3A_479] {strides = array<i32>} : memref<32000xf32, #tpu.memory_space<vmem>>, vector<16xf32>,
        %exp3A_481 = math.exp %get3A_480 : vector<16xf32>
        %add3A_482 = arith.addf %scan3A_455, %exp3A_481 : vector<16xf32>
        %add3A_483 = arith.constant 32 : i32
        %add3A_484 = arith.addi %mul3A_471, %add3A_483 : i32
        %get3A_485 = arith.index_cast %add3A_484 : i32 to index
        %get3A_486 = tpu.vector_load %arg6[%get3A_485] {strides = array<i32>} : memref<32000xf32, #tpu.memory_space<vmem>>, vector<16xf32>,
        %exp3A_487 = math.exp %get3A_486 : vector<16xf32>
        %add3A_488 = arith.addf %scan3A_456, %exp3A_487 : vector<16xf32>
        %add3A_489 = arith.constant 48 : i32
        %add3A_490 = arith.addi %mul3A_471, %add3A_489 : i32
        %get3A_491 = arith.index_cast %add3A_490 : i32 to index
        %get3A_492 = tpu.vector_load %arg6[%get3A_491] {strides = array<i32>} : memref<32000xf32, #tpu.memory_space<vmem>>, vector<16xf32>,
        %exp3A_493 = math.exp %get3A_492 : vector<16xf32>
        %add3A_494 = arith.addf %scan3A_457, %exp3A_493 : vector<16xf32>
        %add3A_495 = arith.constant 64 : i32
        %add3A_496 = arith.addi %mul3A_471, %add3A_495 : i32
        %get3A_497 = arith.index_cast %add3A_496 : i32 to index
        %get3A_498 = tpu.vector_load %arg6[%get3A_497] {strides = array<i32>} : memref<32000xf32, #tpu.memory_space<vmem>>, vector<16xf32>,
        %exp3A_499 = math.exp %get3A_498 : vector<16xf32>
        %add3A_500 = arith.addf %scan3A_458, %exp3A_499 : vector<16xf32>
        %add3A_501 = arith.constant 80 : i32
        %add3A_502 = arith.addi %mul3A_471, %add3A_501 : i32
        %get3A_503 = arith.index_cast %add3A_502 : i32 to index
        %get3A_504 = tpu.vector_load %arg6[%get3A_503] {strides = array<i32>} : memref<32000xf32, #tpu.memory_space<vmem>>, vector<16xf32>,
        %exp3A_505 = math.exp %get3A_504 : vector<16xf32>
        %add3A_506 = arith.addf %scan3A_459, %exp3A_505 : vector<16xf32>
        %add3A_507 = arith.constant 96 : i32
        %add3A_508 = arith.addi %mul3A_471, %add3A_507 : i32
        %get3A_509 = arith.index_cast %add3A_508 : i32 to index
        %get3A_510 = tpu.vector_load %arg6[%get3A_509] {strides = array<i32>} : memref<32000xf32, #tpu.memory_space<vmem>>, vector<16xf32>,
        %exp3A_511 = math.exp %get3A_510 : vector<16xf32>
        %add3A_512 = arith.addf %scan3A_460, %exp3A_511 : vector<16xf32>
        %add3A_513 = arith.constant 112 : i32
        %add3A_514 = arith.addi %mul3A_471, %add3A_513 : i32
        %get3A_515 = arith.index_cast %add3A_514 : i32 to index
        %get3A_516 = tpu.vector_load %arg6[%get3A_515] {strides = array<i32>} : memref<32000xf32, #tpu.memory_space<vmem>>, vector<16xf32>,
        %exp3A_517 = math.exp %get3A_516 : vector<16xf32>
        %add3A_518 = arith.addf %scan3A_461, %exp3A_517 : vector<16xf32>
        %add3A_519 = arith.constant 128 : i32
        %add3A_520 = arith.addi %mul3A_471, %add3A_519 : i32
        %get3A_521 = arith.index_cast %add3A_520 : i32 to index
        %get3A_522 = tpu.vector_load %arg6[%get3A_521] {strides = array<i32>} : memref<32000xf32, #tpu.memory_space<vmem>>, vector<16xf32>,
        %exp3A_523 = math.exp %get3A_522 : vector<16xf32>
        %add3A_524 = arith.addf %scan3A_462, %exp3A_523 : vector<16xf32>
        %add3A_525 = arith.constant 144 : i32
        %add3A_526 = arith.addi %mul3A_471, %add3A_525 : i32
        %get3A_527 = arith.index_cast %add3A_526 : i32 to index
        %get3A_528 = tpu.vector_load %arg6[%get3A_527] {strides = array<i32>} : memref<32000xf32, #tpu.memory_space<vmem>>, vector<16xf32>,
        %exp3A_529 = math.exp %get3A_528 : vector<16xf32>
        %add3A_530 = arith.addf %scan3A_463, %exp3A_529 : vector<16xf32>
        %add3A_531 = arith.constant 160 : i32
        %add3A_532 = arith.addi %mul3A_471, %add3A_531 : i32
        %get3A_533 = arith.index_cast %add3A_532 : i32 to index
        %get3A_534 = tpu.vector_load %arg6[%get3A_533] {strides = array<i32>} : memref<32000xf32, #tpu.memory_space<vmem>>, vector<16xf32>,
        %exp3A_535 = math.exp %get3A_534 : vector<16xf32>
        %add3A_536 = arith.addf %scan3A_464, %exp3A_535 : vector<16xf32>
        %add3A_537 = arith.constant 176 : i32
        %add3A_538 = arith.addi %mul3A_471, %add3A_537 : i32
        %get3A_539 = arith.index_cast %add3A_538 : i32 to index
        %get3A_540 = tpu.vector_load %arg6[%get3A_539] {strides = array<i32>} : memref<32000xf32, #tpu.memory_space<vmem>>, vector<16xf32>,
        %exp3A_541 = math.exp %get3A_540 : vector<16xf32>
        %add3A_542 = arith.addf %scan3A_465, %exp3A_541 : vector<16xf32>
        %add3A_543 = arith.constant 192 : i32
        %add3A_544 = arith.addi %mul3A_471, %add3A_543 : i32
        %get3A_545 = arith.index_cast %add3A_544 : i32 to index
        %get3A_546 = tpu.vector_load %arg6[%get3A_545] {strides = array<i32>} : memref<32000xf32, #tpu.memory_space<vmem>>, vector<16xf32>,
        %exp3A_547 = math.exp %get3A_546 : vector<16xf32>
        %add3A_548 = arith.addf %scan3A_466, %exp3A_547 : vector<16xf32>
        %add3A_549 = arith.constant 208 : i32
        %add3A_550 = arith.addi %mul3A_471, %add3A_549 : i32
        %get3A_551 = arith.index_cast %add3A_550 : i32 to index
        %get3A_552 = tpu.vector_load %arg6[%get3A_551] {strides = array<i32>} : memref<32000xf32, #tpu.memory_space<vmem>>, vector<16xf32>,
        %exp3A_553 = math.exp %get3A_552 : vector<16xf32>
        %add3A_554 = arith.addf %scan3A_467, %exp3A_553 : vector<16xf32>
        %add3A_555 = arith.constant 224 : i32
        %add3A_556 = arith.addi %mul3A_471, %add3A_555 : i32
        %get3A_557 = arith.index_cast %add3A_556 : i32 to index
        %get3A_558 = tpu.vector_load %arg6[%get3A_557] {strides = array<i32>} : memref<32000xf32, #tpu.memory_space<vmem>>, vector<16xf32>,
        %exp3A_559 = math.exp %get3A_558 : vector<16xf32>
        %add3A_560 = arith.addf %scan3A_468, %exp3A_559 : vector<16xf32>
        %add3A_561 = arith.constant 240 : i32
        %add3A_562 = arith.addi %mul3A_471, %add3A_561 : i32
        %get3A_563 = arith.index_cast %add3A_562 : i32 to index
        %get3A_564 = tpu.vector_load %arg6[%get3A_563] {strides = array<i32>} : memref<32000xf32, #tpu.memory_space<vmem>>, vector<16xf32>,
        %exp3A_565 = math.exp %get3A_564 : vector<16xf32>
        %add3A_566 = arith.addf %scan3A_469, %exp3A_565 : vector<16xf32>
        scf.yield %add3A_476, %add3A_482, %add3A_488, %add3A_494, %add3A_500, %add3A_506, %add3A_512, %add3A_518, %add3A_524, %add3A_530, %add3A_536, %add3A_542, %add3A_548, %add3A_554, %add3A_560, %add3A_566 : vector<16xf32>, vector<16xf32>, vector<16xf32>, vector<16xf32>, vector<16xf32>, vector<16xf32>, vector<16xf32>, vector<16xf32>, vector<16xf32>, vector<16xf32>, vector<16xf32>, vector<16xf32>, vector<16xf32>, vector<16xf32>, vector<16xf32>, vector<16xf32>
      }
      %scan3A_187 = arith.constant 125 : i32
      %add3A_188 = arith.addf %scan3A_186#0, %scan3A_186#1 : vector<16xf32>
      %add3A_189 = arith.addf %add3A_188, %scan3A_186#2 : vector<16xf32>
      %add3A_190 = arith.addf %add3A_189, %scan3A_186#3 : vector<16xf32>
      %add3A_191 = arith.addf %add3A_190, %scan3A_186#4 : vector<16xf32>
      %add3A_192 = arith.addf %add3A_191, %scan3A_186#5 : vector<16xf32>
      %add3A_193 = arith.addf %add3A_192, %scan3A_186#6 : vector<16xf32>
      %add3A_194 = arith.addf %add3A_193, %scan3A_186#7 : vector<16xf32>
      %add3A_195 = arith.addf %add3A_194, %scan3A_186#8 : vector<16xf32>
      %add3A_196 = arith.addf %add3A_195, %scan3A_186#9 : vector<16xf32>
      %add3A_197 = arith.addf %add3A_196, %scan3A_186#10 : vector<16xf32>
      %add3A_198 = arith.addf %add3A_197, %scan3A_186#11 : vector<16xf32>
      %add3A_199 = arith.addf %add3A_198, %scan3A_186#12 : vector<16xf32>
      %add3A_200 = arith.addf %add3A_199, %scan3A_186#13 : vector<16xf32>
      %add3A_201 = arith.addf %add3A_200, %scan3A_186#14 : vector<16xf32>
      %add3A_202 = arith.addf %add3A_201, %scan3A_186#15 : vector<16xf32>
      %reduce_sum3A_203 = arith.constant true
      %reduce_sum3A_204 = vector.broadcast %reduce_sum3A_203 : i1 to vector<16xi1>
      %reduce_sum3A_205 = tpu.scan <sum>, %add3A_202 masked %reduce_sum3A_204 : vector<16xf32>, vector<16xi1> -> vector<16xf32>
      %reduce_sum3A_206 = vector.extract %reduce_sum3A_205[15] : f32 from vector<16xf32>
      %broadcast_in_dim3A_207 = vector.broadcast %reduce_sum3A_206 : f32 to vector<16xf32>
      %bitcast3A = vector.bitcast %broadcast_in_dim3A_207 : vector<16xf32> to vector<16xi32>
      %shift_right_arithmetic3A = arith.constant 23 : i32
      %shift_right_arithmetic3A_208 = vector.broadcast %shift_right_arithmetic3A : i32 to vector<16xi32>
      %shift_right_arithmetic3A_209 = arith.shrsi %bitcast3A, %shift_right_arithmetic3A_208 : vector<16xi32>
      %and3A = arith.constant 255 : i32
      %and3A_210 = vector.broadcast %and3A : i32 to vector<16xi32>
      %and3A_211 = arith.andi %shift_right_arithmetic3A_209, %and3A_210 : vector<16xi32>
      %sub3A_212 = arith.constant 127 : i32
      %sub3A_213 = vector.broadcast %sub3A_212 : i32 to vector<16xi32>
      %sub3A_214 = arith.subi %and3A_211, %sub3A_213 : vector<16xi32>
      %and3A_215 = arith.constant 8388607 : i32
      %and3A_216 = vector.broadcast %and3A_215 : i32 to vector<16xi32>
      %and3A_217 = arith.andi %bitcast3A, %and3A_216 : vector<16xi32>
      %or3A = arith.constant 1065353216 : i32
      %or3A_218 = vector.broadcast %or3A : i32 to vector<16xi32>
      %or3A_219 = arith.ori %and3A_217, %or3A_218 : vector<16xi32>
      %bitcast3A_220 = vector.bitcast %or3A_219 : vector<16xi32> to vector<16xf32>
      %gt3A = arith.constant 1.41421354 : f32
      %gt3A_221 = vector.broadcast %gt3A : f32 to vector<16xf32>
      %gt3A_222 = arith.cmpf ogt, %bitcast3A_220, %gt3A_221 : vector<16xf32>
      %mul3A_223 = arith.constant 5.000000e-01 : f32
      %mul3A_224 = vector.broadcast %mul3A_223 : f32 to vector<16xf32>
      %mul3A_225 = arith.mulf %bitcast3A_220, %mul3A_224 : vector<16xf32>
      %select_n3A_226 = arith.select %gt3A_222, %mul3A_225, %bitcast3A_220 : vector<16xi1>, vector<16xf32>
      %jit3A_227 = arith.constant 1 : i32
      %jit3A_228 = arith.constant 0 : i32
      %broadcast_in_dim3A_229 = vector.broadcast %jit3A_227 : i32 to vector<16xi32>
      %broadcast_in_dim3A_230 = vector.broadcast %jit3A_228 : i32 to vector<16xi32>
      %select_n3A_231 = arith.select %gt3A_222, %broadcast_in_dim3A_229, %broadcast_in_dim3A_230 : vector<16xi1>, vector<16xi32>
      %add3A_232 = arith.addi %sub3A_214, %select_n3A_231 : vector<16xi32>
      %sub3A_233 = arith.constant 1.000000e+00 : f32
      %sub3A_234 = vector.broadcast %sub3A_233 : f32 to vector<16xf32>
      %sub3A_235 = arith.subf %select_n3A_226, %sub3A_234 : vector<16xf32>
      %add3A_236 = arith.constant 1.000000e+00 : f32
      %add3A_237 = vector.broadcast %add3A_236 : f32 to vector<16xf32>
      %add3A_238 = arith.addf %select_n3A_226, %add3A_237 : vector<16xf32>
      %div3A = arith.divf %sub3A_235, %add3A_238 : vector<16xf32>
      %mul3A_239 = arith.mulf %div3A, %div3A : vector<16xf32>
      %mul3A_240 = arith.constant 2.000000e+00 : f32
      %mul3A_241 = vector.broadcast %mul3A_240 : f32 to vector<16xf32>
      %mul3A_242 = arith.mulf %mul3A_241, %div3A : vector<16xf32>
      %mul3A_243 = arith.constant 0.142857149 : f32
      %mul3A_244 = vector.broadcast %mul3A_243 : f32 to vector<16xf32>
      %mul3A_245 = arith.mulf %mul3A_239, %mul3A_244 : vector<16xf32>
      %add3A_246 = arith.constant 2.000000e-01 : f32
      %add3A_247 = vector.broadcast %add3A_246 : f32 to vector<16xf32>
      %add3A_248 = arith.addf %add3A_247, %mul3A_245 : vector<16xf32>
      %mul3A_249 = arith.mulf %mul3A_239, %add3A_248 : vector<16xf32>
      %add3A_250 = arith.constant 0.333333343 : f32
      %add3A_251 = vector.broadcast %add3A_250 : f32 to vector<16xf32>
      %add3A_252 = arith.addf %add3A_251, %mul3A_249 : vector<16xf32>
      %mul3A_253 = arith.mulf %mul3A_239, %add3A_252 : vector<16xf32>
      %add3A_254 = arith.constant 1.000000e+00 : f32
      %add3A_255 = vector.broadcast %add3A_254 : f32 to vector<16xf32>
      %add3A_256 = arith.addf %add3A_255, %mul3A_253 : vector<16xf32>
      %mul3A_257 = arith.mulf %mul3A_242, %add3A_256 : vector<16xf32>
      %convert_element_type3A_258 = arith.sitofp %add3A_232 : vector<16xi32> to vector<16xf32>
      %mul3A_259 = arith.constant 0.693147182 : f32
      %mul3A_260 = vector.broadcast %mul3A_259 : f32 to vector<16xf32>
      %mul3A_261 = arith.mulf %convert_element_type3A_258, %mul3A_260 : vector<16xf32>
      %add3A_262 = arith.addf %mul3A_261, %mul3A_257 : vector<16xf32>
      %add3A_263 = arith.constant -2.300000e+01 : f32
      %add3A_264 = vector.broadcast %add3A_263 : f32 to vector<16xf32>
      %add3A_265 = arith.addf %add3A_262, %add3A_264 : vector<16xf32>
      %mul3A_266 = arith.constant 178.08696 : f32
      %mul3A_267 = vector.broadcast %mul3A_266 : f32 to vector<16xf32>
      %mul3A_268 = arith.mulf %add3A_265, %mul3A_267 : vector<16xf32>
      %parallel_loop3A = arith.constant 0 : i32
      %parallel_loop3A_269 = arith.constant 2000 : i32
      %parallel_loop3A_270 = arith.constant 1 : i32
      scf.for %parallel_loop3A_453 = %parallel_loop3A to %parallel_loop3A_269 step %parallel_loop3A_270  : i32 {
        %parallel_loop3A_454 = arith.constant 16 : i32
        %parallel_loop3A_455 = arith.muli %parallel_loop3A_453, %parallel_loop3A_454 : i32
        %parallel_loop3A_456 = arith.index_cast %parallel_loop3A_455 : i32 to index
        %parallel_loop3A_457 = tpu.vector_load %arg6[%parallel_loop3A_456] {strides = array<i32>} : memref<32000xf32, #tpu.memory_space<vmem>>, vector<16xf32>,
        %parallel_loop3A_458 = arith.subf %parallel_loop3A_457, %add3A_262 : vector<16xf32>
        %parallel_loop3A_459 = math.exp %parallel_loop3A_458 : vector<16xf32>
        %parallel_loop3A_460 = arith.constant 1.000000e+00 : f32
        %parallel_loop3A_461 = vector.broadcast %parallel_loop3A_460 : f32 to vector<16xf32>
        %parallel_loop3A_462 = arith.mulf %parallel_loop3A_459, %parallel_loop3A_461 : vector<16xf32>
        %parallel_loop3A_463 = arith.constant 178.08696 : f32
        %parallel_loop3A_464 = vector.broadcast %parallel_loop3A_463 : f32 to vector<16xf32>
        %parallel_loop3A_465 = arith.mulf %parallel_loop3A_457, %parallel_loop3A_464 : vector<16xf32>
        %parallel_loop3A_466 = arith.subf %parallel_loop3A_465, %mul3A_268 : vector<16xf32>
        %parallel_loop3A_467 = arith.constant 0.000000e+00 : f32
        %parallel_loop3A_468 = arith.constant 4.095500e+03 : f32
        %parallel_loop3A_469 = vector.broadcast %parallel_loop3A_467 : f32 to vector<16xf32>
        %parallel_loop3A_470 = arith.maximumf %parallel_loop3A_469, %parallel_loop3A_466 : vector<16xf32>
        %parallel_loop3A_471 = vector.broadcast %parallel_loop3A_468 : f32 to vector<16xf32>
        %parallel_loop3A_472 = arith.minimumf %parallel_loop3A_471, %parallel_loop3A_470 : vector<16xf32>
        %parallel_loop3A_473 = arith.fptosi %parallel_loop3A_472 : vector<16xf32> to vector<16xi32>
        tpu.vector_store_idx %arg8[%parallel_loop3A_473], %broadcast_in_dim3A_149 {add = true} : memref<4096xf32, #tpu.memory_space<vmem>>[vector<16xi32>], vector<16xf32>,
        tpu.vector_store_idx %arg9[%parallel_loop3A_473], %parallel_loop3A_462 {add = true} : memref<4096xf32, #tpu.memory_space<vmem>>[vector<16xi32>], vector<16xf32>,
      } {sc.loop_unroll_factor = 16 : i64, sc.parallel_access}
      %add3A_271 = arith.constant 32 : i32
      %add3A_272 = arith.addi %add3A_112, %add3A_271 : i32
      %min3A_273 = arith.constant 1995 : i32
      %min3A_274 = arith.minsi %add3A_272, %min3A_273 : i32
      %ge3A_275 = arith.constant 948 : i32
      %ge3A_276 = arith.cmpi sge, %min3A_274, %ge3A_275 : i32
      %convert_element_type3A_277 = arith.extui %ge3A_276 : i1 to i32
      %mul3A_278 = arith.constant 948 : i32
      %mul3A_279 = arith.muli %convert_element_type3A_277, %mul3A_278 : i32
      %sub3A_280 = arith.subi %min3A_274, %mul3A_279 : i32
      %mul3A_281 = arith.constant 2048 : i32
      %mul3A_282 = arith.muli %convert_element_type3A_277, %mul3A_281 : i32
      %eq3A_283 = arith.constant 0 : i32
      %eq3A_284 = arith.cmpi eq, %convert_element_type3A_277, %eq3A_283 : i32
      %select_n3A_285 = arith.select %eq3A_284, %convert_element_type3A_7, %convert_element_type3A_19 : i32
      %add3A_286 = arith.addi %mul3A_282, %select_n3A_285 : i32
      %add3A_287 = arith.addi %add3A_286, %sub3A_280 : i32
      %mul3A_288 = arith.constant 2048 : i32
      %mul3A_289 = arith.muli %convert_element_type3A_277, %mul3A_288 : i32
      %eq3A_290 = arith.constant 0 : i32
      %eq3A_291 = arith.cmpi eq, %convert_element_type3A_277, %eq3A_290 : i32
      %select_n3A_292 = arith.select %eq3A_291, %convert_element_type3A_31, %convert_element_type3A_43 : i32
      %add3A_293 = arith.addi %mul3A_289, %select_n3A_292 : i32
      %add3A_294 = arith.addi %add3A_293, %sub3A_280 : i32
      %dma_start3A_295 = arith.constant 0 : i32
      %dma_start3A_296 = tpu.memref_slice %arg2[%add3A_287, %dma_start3A_295] : memref<4096x32000xf32, #tpu.memory_space<hbm>> -> memref<1x32000xf32, #tpu.memory_space<hbm>>
      %dma_start3A_297 = tpu.memref_squeeze %dma_start3A_296 : memref<1x32000xf32, #tpu.memory_space<hbm>> -> memref<32000xf32, #tpu.memory_space<hbm>>
      %dma_start3A_298 = arith.constant 0 : i32
      %dma_start3A_299 = tpu.memref_slice %arg2[%add3A_287, %dma_start3A_298] : memref<4096x32000xf32, #tpu.memory_space<hbm>> -> memref<1x32000xf32, #tpu.memory_space<hbm>>
      %dma_start3A_300 = tpu.memref_squeeze %dma_start3A_299 : memref<1x32000xf32, #tpu.memory_space<hbm>> -> memref<32000xf32, #tpu.memory_space<hbm>>
      tpu.enqueue_dma source(%dma_start3A_300 : memref<32000xf32, #tpu.memory_space<hbm>>) target(%arg6 : memref<32000xf32, #tpu.memory_space<vmem>>) target_semaphore(%arg12 : memref<!tpu.dma_semaphore, #tpu.memory_space<semaphore_mem>>)
      %dma_wait3A_301 = arith.constant 0 : i32
      %dma_wait3A_302 = arith.constant 0 : i32
      %dma_wait3A_303 = tpu.memref_slice %arg3[%dma_wait3A_301, %dma_wait3A_302] : memref<4096x32768xf32, #tpu.memory_space<hbm>> -> memref<1x32768xf32, #tpu.memory_space<hbm>>
      %dma_wait3A_304 = tpu.memref_squeeze %dma_wait3A_303 : memref<1x32768xf32, #tpu.memory_space<hbm>> -> memref<32768xf32, #tpu.memory_space<hbm>>
      %dma_wait3A_305 = arith.constant 0 : i32
      %dma_wait3A_306 = tpu.memref_slice %arg3[%dma_wait3A_301, %dma_wait3A_305] : memref<4096x32768xf32, #tpu.memory_space<hbm>> -> memref<1x32768xf32, #tpu.memory_space<hbm>>
      %dma_wait3A_307 = tpu.memref_squeeze %dma_wait3A_306 : memref<1x32768xf32, #tpu.memory_space<hbm>> -> memref<32768xf32, #tpu.memory_space<hbm>>
      tpu.wait_dma2 semaphore(%arg13 : memref<!tpu.dma_semaphore, #tpu.memory_space<semaphore_mem>>) src(%dma_wait3A_307 : memref<32768xf32, #tpu.memory_space<hbm>>) dst(%arg7 : memref<32768xf32, #tpu.memory_space<vmem>>)
      %broadcast_in_dim3A_308 = arith.constant -1.000000e+00 : f32
      %broadcast_in_dim3A_309 = vector.broadcast %broadcast_in_dim3A_308 : f32 to vector<16xf32>
      %broadcast_in_dim3A_310 = arith.constant 0.000000e+00 : f32
      %broadcast_in_dim3A_311 = vector.broadcast %broadcast_in_dim3A_310 : f32 to vector<16xf32>
      %broadcast_in_dim3A_312 = arith.constant 0.000000e+00 : f32
      %broadcast_in_dim3A_313 = vector.broadcast %broadcast_in_dim3A_312 : f32 to vector<16xf32>
      %broadcast_in_dim3A_314 = arith.constant 0.000000e+00 : f32
      %broadcast_in_dim3A_315 = vector.broadcast %broadcast_in_dim3A_314 : f32 to vector<16xf32>
      %broadcast_in_dim3A_316 = arith.constant 0.000000e+00 : f32
      %broadcast_in_dim3A_317 = vector.broadcast %broadcast_in_dim3A_316 : f32 to vector<16xf32>
      %broadcast_in_dim3A_318 = arith.constant 0.000000e+00 : f32
      %broadcast_in_dim3A_319 = vector.broadcast %broadcast_in_dim3A_318 : f32 to vector<16xf32>
      %broadcast_in_dim3A_320 = arith.constant 0.000000e+00 : f32
      %broadcast_in_dim3A_321 = vector.broadcast %broadcast_in_dim3A_320 : f32 to vector<16xf32>
      %broadcast_in_dim3A_322 = arith.constant 0.000000e+00 : f32
      %broadcast_in_dim3A_323 = vector.broadcast %broadcast_in_dim3A_322 : f32 to vector<16xf32>
      %broadcast_in_dim3A_324 = arith.constant 0.000000e+00 : f32
      %broadcast_in_dim3A_325 = vector.broadcast %broadcast_in_dim3A_324 : f32 to vector<16xf32>
      %broadcast_in_dim3A_326 = arith.constant 0.000000e+00 : f32
      %broadcast_in_dim3A_327 = vector.broadcast %broadcast_in_dim3A_326 : f32 to vector<16xf32>
      %broadcast_in_dim3A_328 = arith.constant 0.000000e+00 : f32
      %broadcast_in_dim3A_329 = vector.broadcast %broadcast_in_dim3A_328 : f32 to vector<16xf32>
      %broadcast_in_dim3A_330 = arith.constant 0.000000e+00 : f32
      %broadcast_in_dim3A_331 = vector.broadcast %broadcast_in_dim3A_330 : f32 to vector<16xf32>
      %broadcast_in_dim3A_332 = arith.constant 0.000000e+00 : f32
      %broadcast_in_dim3A_333 = vector.broadcast %broadcast_in_dim3A_332 : f32 to vector<16xf32>
      %broadcast_in_dim3A_334 = arith.constant 0.000000e+00 : f32
      %broadcast_in_dim3A_335 = vector.broadcast %broadcast_in_dim3A_334 : f32 to vector<16xf32>
      %broadcast_in_dim3A_336 = arith.constant 0.000000e+00 : f32
      %broadcast_in_dim3A_337 = vector.broadcast %broadcast_in_dim3A_336 : f32 to vector<16xf32>
      %broadcast_in_dim3A_338 = arith.constant 0.000000e+00 : f32
      %broadcast_in_dim3A_339 = vector.broadcast %broadcast_in_dim3A_338 : f32 to vector<16xf32>
      %broadcast_in_dim3A_340 = arith.constant 0.000000e+00 : f32
      %broadcast_in_dim3A_341 = vector.broadcast %broadcast_in_dim3A_340 : f32 to vector<16xf32>
      %scan3A_342 = arith.constant 0 : i32
      %scan3A_343 = arith.constant 128 : i32
      %scan3A_344 = arith.addi %scan3A_342, %scan3A_343 : i32
      %scan3A_345 = arith.constant 1 : i32
      %scan3A_346:16 = scf.for %scan3A_453 = %scan3A_342 to %scan3A_344 step %scan3A_345 iter_args(%scan3A_454 = %broadcast_in_dim3A_311, %scan3A_455 = %broadcast_in_dim3A_313, %scan3A_456 = %broadcast_in_dim3A_315, %scan3A_457 = %broadcast_in_dim3A_317, %scan3A_458 = %broadcast_in_dim3A_319, %scan3A_459 = %broadcast_in_dim3A_321, %scan3A_460 = %broadcast_in_dim3A_323, %scan3A_461 = %broadcast_in_dim3A_325, %scan3A_462 = %broadcast_in_dim3A_327, %scan3A_463 = %broadcast_in_dim3A_329, %scan3A_464 = %broadcast_in_dim3A_331, %scan3A_465 = %broadcast_in_dim3A_333, %scan3A_466 = %broadcast_in_dim3A_335, %scan3A_467 = %broadcast_in_dim3A_337, %scan3A_468 = %broadcast_in_dim3A_339, %scan3A_469 = %broadcast_in_dim3A_341) -> (vector<16xf32>, vector<16xf32>, vector<16xf32>, vector<16xf32>, vector<16xf32>, vector<16xf32>, vector<16xf32>, vector<16xf32>, vector<16xf32>, vector<16xf32>, vector<16xf32>, vector<16xf32>, vector<16xf32>, vector<16xf32>, vector<16xf32>, vector<16xf32>)  : i32 {
        %mul3A_470 = arith.constant 256 : i32
        %mul3A_471 = arith.muli %scan3A_453, %mul3A_470 : i32
        %add3A_472 = arith.constant 0 : i32
        %add3A_473 = arith.addi %mul3A_471, %add3A_472 : i32
        %get3A_474 = arith.index_cast %add3A_473 : i32 to index
        %get3A_475 = tpu.vector_load %arg7[%get3A_474] {strides = array<i32>} : memref<32768xf32, #tpu.memory_space<vmem>>, vector<16xf32>,
        %exp3A = math.exp %get3A_475 : vector<16xf32>
        %add3A_476 = arith.addf %scan3A_454, %exp3A : vector<16xf32>
        %add3A_477 = arith.constant 16 : i32
        %add3A_478 = arith.addi %mul3A_471, %add3A_477 : i32
        %get3A_479 = arith.index_cast %add3A_478 : i32 to index
        %get3A_480 = tpu.vector_load %arg7[%get3A_479] {strides = array<i32>} : memref<32768xf32, #tpu.memory_space<vmem>>, vector<16xf32>,
        %exp3A_481 = math.exp %get3A_480 : vector<16xf32>
        %add3A_482 = arith.addf %scan3A_455, %exp3A_481 : vector<16xf32>
        %add3A_483 = arith.constant 32 : i32
        %add3A_484 = arith.addi %mul3A_471, %add3A_483 : i32
        %get3A_485 = arith.index_cast %add3A_484 : i32 to index
        %get3A_486 = tpu.vector_load %arg7[%get3A_485] {strides = array<i32>} : memref<32768xf32, #tpu.memory_space<vmem>>, vector<16xf32>,
        %exp3A_487 = math.exp %get3A_486 : vector<16xf32>
        %add3A_488 = arith.addf %scan3A_456, %exp3A_487 : vector<16xf32>
        %add3A_489 = arith.constant 48 : i32
        %add3A_490 = arith.addi %mul3A_471, %add3A_489 : i32
        %get3A_491 = arith.index_cast %add3A_490 : i32 to index
        %get3A_492 = tpu.vector_load %arg7[%get3A_491] {strides = array<i32>} : memref<32768xf32, #tpu.memory_space<vmem>>, vector<16xf32>,
        %exp3A_493 = math.exp %get3A_492 : vector<16xf32>
        %add3A_494 = arith.addf %scan3A_457, %exp3A_493 : vector<16xf32>
        %add3A_495 = arith.constant 64 : i32
        %add3A_496 = arith.addi %mul3A_471, %add3A_495 : i32
        %get3A_497 = arith.index_cast %add3A_496 : i32 to index
        %get3A_498 = tpu.vector_load %arg7[%get3A_497] {strides = array<i32>} : memref<32768xf32, #tpu.memory_space<vmem>>, vector<16xf32>,
        %exp3A_499 = math.exp %get3A_498 : vector<16xf32>
        %add3A_500 = arith.addf %scan3A_458, %exp3A_499 : vector<16xf32>
        %add3A_501 = arith.constant 80 : i32
        %add3A_502 = arith.addi %mul3A_471, %add3A_501 : i32
        %get3A_503 = arith.index_cast %add3A_502 : i32 to index
        %get3A_504 = tpu.vector_load %arg7[%get3A_503] {strides = array<i32>} : memref<32768xf32, #tpu.memory_space<vmem>>, vector<16xf32>,
        %exp3A_505 = math.exp %get3A_504 : vector<16xf32>
        %add3A_506 = arith.addf %scan3A_459, %exp3A_505 : vector<16xf32>
        %add3A_507 = arith.constant 96 : i32
        %add3A_508 = arith.addi %mul3A_471, %add3A_507 : i32
        %get3A_509 = arith.index_cast %add3A_508 : i32 to index
        %get3A_510 = tpu.vector_load %arg7[%get3A_509] {strides = array<i32>} : memref<32768xf32, #tpu.memory_space<vmem>>, vector<16xf32>,
        %exp3A_511 = math.exp %get3A_510 : vector<16xf32>
        %add3A_512 = arith.addf %scan3A_460, %exp3A_511 : vector<16xf32>
        %add3A_513 = arith.constant 112 : i32
        %add3A_514 = arith.addi %mul3A_471, %add3A_513 : i32
        %get3A_515 = arith.index_cast %add3A_514 : i32 to index
        %get3A_516 = tpu.vector_load %arg7[%get3A_515] {strides = array<i32>} : memref<32768xf32, #tpu.memory_space<vmem>>, vector<16xf32>,
        %exp3A_517 = math.exp %get3A_516 : vector<16xf32>
        %add3A_518 = arith.addf %scan3A_461, %exp3A_517 : vector<16xf32>
        %add3A_519 = arith.constant 128 : i32
        %add3A_520 = arith.addi %mul3A_471, %add3A_519 : i32
        %get3A_521 = arith.index_cast %add3A_520 : i32 to index
        %get3A_522 = tpu.vector_load %arg7[%get3A_521] {strides = array<i32>} : memref<32768xf32, #tpu.memory_space<vmem>>, vector<16xf32>,
        %exp3A_523 = math.exp %get3A_522 : vector<16xf32>
        %add3A_524 = arith.addf %scan3A_462, %exp3A_523 : vector<16xf32>
        %add3A_525 = arith.constant 144 : i32
        %add3A_526 = arith.addi %mul3A_471, %add3A_525 : i32
        %get3A_527 = arith.index_cast %add3A_526 : i32 to index
        %get3A_528 = tpu.vector_load %arg7[%get3A_527] {strides = array<i32>} : memref<32768xf32, #tpu.memory_space<vmem>>, vector<16xf32>,
        %exp3A_529 = math.exp %get3A_528 : vector<16xf32>
        %add3A_530 = arith.addf %scan3A_463, %exp3A_529 : vector<16xf32>
        %add3A_531 = arith.constant 160 : i32
        %add3A_532 = arith.addi %mul3A_471, %add3A_531 : i32
        %get3A_533 = arith.index_cast %add3A_532 : i32 to index
        %get3A_534 = tpu.vector_load %arg7[%get3A_533] {strides = array<i32>} : memref<32768xf32, #tpu.memory_space<vmem>>, vector<16xf32>,
        %exp3A_535 = math.exp %get3A_534 : vector<16xf32>
        %add3A_536 = arith.addf %scan3A_464, %exp3A_535 : vector<16xf32>
        %add3A_537 = arith.constant 176 : i32
        %add3A_538 = arith.addi %mul3A_471, %add3A_537 : i32
        %get3A_539 = arith.index_cast %add3A_538 : i32 to index
        %get3A_540 = tpu.vector_load %arg7[%get3A_539] {strides = array<i32>} : memref<32768xf32, #tpu.memory_space<vmem>>, vector<16xf32>,
        %exp3A_541 = math.exp %get3A_540 : vector<16xf32>
        %add3A_542 = arith.addf %scan3A_465, %exp3A_541 : vector<16xf32>
        %add3A_543 = arith.constant 192 : i32
        %add3A_544 = arith.addi %mul3A_471, %add3A_543 : i32
        %get3A_545 = arith.index_cast %add3A_544 : i32 to index
        %get3A_546 = tpu.vector_load %arg7[%get3A_545] {strides = array<i32>} : memref<32768xf32, #tpu.memory_space<vmem>>, vector<16xf32>,
        %exp3A_547 = math.exp %get3A_546 : vector<16xf32>
        %add3A_548 = arith.addf %scan3A_466, %exp3A_547 : vector<16xf32>
        %add3A_549 = arith.constant 208 : i32
        %add3A_550 = arith.addi %mul3A_471, %add3A_549 : i32
        %get3A_551 = arith.index_cast %add3A_550 : i32 to index
        %get3A_552 = tpu.vector_load %arg7[%get3A_551] {strides = array<i32>} : memref<32768xf32, #tpu.memory_space<vmem>>, vector<16xf32>,
        %exp3A_553 = math.exp %get3A_552 : vector<16xf32>
        %add3A_554 = arith.addf %scan3A_467, %exp3A_553 : vector<16xf32>
        %add3A_555 = arith.constant 224 : i32
        %add3A_556 = arith.addi %mul3A_471, %add3A_555 : i32
        %get3A_557 = arith.index_cast %add3A_556 : i32 to index
        %get3A_558 = tpu.vector_load %arg7[%get3A_557] {strides = array<i32>} : memref<32768xf32, #tpu.memory_space<vmem>>, vector<16xf32>,
        %exp3A_559 = math.exp %get3A_558 : vector<16xf32>
        %add3A_560 = arith.addf %scan3A_468, %exp3A_559 : vector<16xf32>
        %add3A_561 = arith.constant 240 : i32
        %add3A_562 = arith.addi %mul3A_471, %add3A_561 : i32
        %get3A_563 = arith.index_cast %add3A_562 : i32 to index
        %get3A_564 = tpu.vector_load %arg7[%get3A_563] {strides = array<i32>} : memref<32768xf32, #tpu.memory_space<vmem>>, vector<16xf32>,
        %exp3A_565 = math.exp %get3A_564 : vector<16xf32>
        %add3A_566 = arith.addf %scan3A_469, %exp3A_565 : vector<16xf32>
        scf.yield %add3A_476, %add3A_482, %add3A_488, %add3A_494, %add3A_500, %add3A_506, %add3A_512, %add3A_518, %add3A_524, %add3A_530, %add3A_536, %add3A_542, %add3A_548, %add3A_554, %add3A_560, %add3A_566 : vector<16xf32>, vector<16xf32>, vector<16xf32>, vector<16xf32>, vector<16xf32>, vector<16xf32>, vector<16xf32>, vector<16xf32>, vector<16xf32>, vector<16xf32>, vector<16xf32>, vector<16xf32>, vector<16xf32>, vector<16xf32>, vector<16xf32>, vector<16xf32>
      }
      %scan3A_347 = arith.constant 128 : i32
      %add3A_348 = arith.addf %scan3A_346#0, %scan3A_346#1 : vector<16xf32>
      %add3A_349 = arith.addf %add3A_348, %scan3A_346#2 : vector<16xf32>
      %add3A_350 = arith.addf %add3A_349, %scan3A_346#3 : vector<16xf32>
      %add3A_351 = arith.addf %add3A_350, %scan3A_346#4 : vector<16xf32>
      %add3A_352 = arith.addf %add3A_351, %scan3A_346#5 : vector<16xf32>
      %add3A_353 = arith.addf %add3A_352, %scan3A_346#6 : vector<16xf32>
      %add3A_354 = arith.addf %add3A_353, %scan3A_346#7 : vector<16xf32>
      %add3A_355 = arith.addf %add3A_354, %scan3A_346#8 : vector<16xf32>
      %add3A_356 = arith.addf %add3A_355, %scan3A_346#9 : vector<16xf32>
      %add3A_357 = arith.addf %add3A_356, %scan3A_346#10 : vector<16xf32>
      %add3A_358 = arith.addf %add3A_357, %scan3A_346#11 : vector<16xf32>
      %add3A_359 = arith.addf %add3A_358, %scan3A_346#12 : vector<16xf32>
      %add3A_360 = arith.addf %add3A_359, %scan3A_346#13 : vector<16xf32>
      %add3A_361 = arith.addf %add3A_360, %scan3A_346#14 : vector<16xf32>
      %add3A_362 = arith.addf %add3A_361, %scan3A_346#15 : vector<16xf32>
      %reduce_sum3A_363 = arith.constant true
      %reduce_sum3A_364 = vector.broadcast %reduce_sum3A_363 : i1 to vector<16xi1>
      %reduce_sum3A_365 = tpu.scan <sum>, %add3A_362 masked %reduce_sum3A_364 : vector<16xf32>, vector<16xi1> -> vector<16xf32>
      %reduce_sum3A_366 = vector.extract %reduce_sum3A_365[15] : f32 from vector<16xf32>
      %broadcast_in_dim3A_367 = vector.broadcast %reduce_sum3A_366 : f32 to vector<16xf32>
      %bitcast3A_368 = vector.bitcast %broadcast_in_dim3A_367 : vector<16xf32> to vector<16xi32>
      %shift_right_arithmetic3A_369 = arith.constant 23 : i32
      %shift_right_arithmetic3A_370 = vector.broadcast %shift_right_arithmetic3A_369 : i32 to vector<16xi32>
      %shift_right_arithmetic3A_371 = arith.shrsi %bitcast3A_368, %shift_right_arithmetic3A_370 : vector<16xi32>
      %and3A_372 = arith.constant 255 : i32
      %and3A_373 = vector.broadcast %and3A_372 : i32 to vector<16xi32>
      %and3A_374 = arith.andi %shift_right_arithmetic3A_371, %and3A_373 : vector<16xi32>
      %sub3A_375 = arith.constant 127 : i32
      %sub3A_376 = vector.broadcast %sub3A_375 : i32 to vector<16xi32>
      %sub3A_377 = arith.subi %and3A_374, %sub3A_376 : vector<16xi32>
      %and3A_378 = arith.constant 8388607 : i32
      %and3A_379 = vector.broadcast %and3A_378 : i32 to vector<16xi32>
      %and3A_380 = arith.andi %bitcast3A_368, %and3A_379 : vector<16xi32>
      %or3A_381 = arith.constant 1065353216 : i32
      %or3A_382 = vector.broadcast %or3A_381 : i32 to vector<16xi32>
      %or3A_383 = arith.ori %and3A_380, %or3A_382 : vector<16xi32>
      %bitcast3A_384 = vector.bitcast %or3A_383 : vector<16xi32> to vector<16xf32>
      %gt3A_385 = arith.constant 1.41421354 : f32
      %gt3A_386 = vector.broadcast %gt3A_385 : f32 to vector<16xf32>
      %gt3A_387 = arith.cmpf ogt, %bitcast3A_384, %gt3A_386 : vector<16xf32>
      %mul3A_388 = arith.constant 5.000000e-01 : f32
      %mul3A_389 = vector.broadcast %mul3A_388 : f32 to vector<16xf32>
      %mul3A_390 = arith.mulf %bitcast3A_384, %mul3A_389 : vector<16xf32>
      %select_n3A_391 = arith.select %gt3A_387, %mul3A_390, %bitcast3A_384 : vector<16xi1>, vector<16xf32>
      %jit3A_392 = arith.constant 1 : i32
      %jit3A_393 = arith.constant 0 : i32
      %broadcast_in_dim3A_394 = vector.broadcast %jit3A_392 : i32 to vector<16xi32>
      %broadcast_in_dim3A_395 = vector.broadcast %jit3A_393 : i32 to vector<16xi32>
      %select_n3A_396 = arith.select %gt3A_387, %broadcast_in_dim3A_394, %broadcast_in_dim3A_395 : vector<16xi1>, vector<16xi32>
      %add3A_397 = arith.addi %sub3A_377, %select_n3A_396 : vector<16xi32>
      %sub3A_398 = arith.constant 1.000000e+00 : f32
      %sub3A_399 = vector.broadcast %sub3A_398 : f32 to vector<16xf32>
      %sub3A_400 = arith.subf %select_n3A_391, %sub3A_399 : vector<16xf32>
      %add3A_401 = arith.constant 1.000000e+00 : f32
      %add3A_402 = vector.broadcast %add3A_401 : f32 to vector<16xf32>
      %add3A_403 = arith.addf %select_n3A_391, %add3A_402 : vector<16xf32>
      %div3A_404 = arith.divf %sub3A_400, %add3A_403 : vector<16xf32>
      %mul3A_405 = arith.mulf %div3A_404, %div3A_404 : vector<16xf32>
      %mul3A_406 = arith.constant 2.000000e+00 : f32
      %mul3A_407 = vector.broadcast %mul3A_406 : f32 to vector<16xf32>
      %mul3A_408 = arith.mulf %mul3A_407, %div3A_404 : vector<16xf32>
      %mul3A_409 = arith.constant 0.142857149 : f32
      %mul3A_410 = vector.broadcast %mul3A_409 : f32 to vector<16xf32>
      %mul3A_411 = arith.mulf %mul3A_405, %mul3A_410 : vector<16xf32>
      %add3A_412 = arith.constant 2.000000e-01 : f32
      %add3A_413 = vector.broadcast %add3A_412 : f32 to vector<16xf32>
      %add3A_414 = arith.addf %add3A_413, %mul3A_411 : vector<16xf32>
      %mul3A_415 = arith.mulf %mul3A_405, %add3A_414 : vector<16xf32>
      %add3A_416 = arith.constant 0.333333343 : f32
      %add3A_417 = vector.broadcast %add3A_416 : f32 to vector<16xf32>
      %add3A_418 = arith.addf %add3A_417, %mul3A_415 : vector<16xf32>
      %mul3A_419 = arith.mulf %mul3A_405, %add3A_418 : vector<16xf32>
      %add3A_420 = arith.constant 1.000000e+00 : f32
      %add3A_421 = vector.broadcast %add3A_420 : f32 to vector<16xf32>
      %add3A_422 = arith.addf %add3A_421, %mul3A_419 : vector<16xf32>
      %mul3A_423 = arith.mulf %mul3A_408, %add3A_422 : vector<16xf32>
      %convert_element_type3A_424 = arith.sitofp %add3A_397 : vector<16xi32> to vector<16xf32>
      %mul3A_425 = arith.constant 0.693147182 : f32
      %mul3A_426 = vector.broadcast %mul3A_425 : f32 to vector<16xf32>
      %mul3A_427 = arith.mulf %convert_element_type3A_424, %mul3A_426 : vector<16xf32>
      %add3A_428 = arith.addf %mul3A_427, %mul3A_423 : vector<16xf32>
      %add3A_429 = arith.constant -2.300000e+01 : f32
      %add3A_430 = vector.broadcast %add3A_429 : f32 to vector<16xf32>
      %add3A_431 = arith.addf %add3A_428, %add3A_430 : vector<16xf32>
      %mul3A_432 = arith.constant 178.08696 : f32
      %mul3A_433 = vector.broadcast %mul3A_432 : f32 to vector<16xf32>
      %mul3A_434 = arith.mulf %add3A_431, %mul3A_433 : vector<16xf32>
      %parallel_loop3A_435 = arith.constant 0 : i32
      %parallel_loop3A_436 = arith.constant 2048 : i32
      %parallel_loop3A_437 = arith.constant 1 : i32
      scf.for %parallel_loop3A_453 = %parallel_loop3A_435 to %parallel_loop3A_436 step %parallel_loop3A_437  : i32 {
        %parallel_loop3A_454 = arith.constant 16 : i32
        %parallel_loop3A_455 = arith.muli %parallel_loop3A_453, %parallel_loop3A_454 : i32
        %parallel_loop3A_456 = arith.index_cast %parallel_loop3A_455 : i32 to index
        %parallel_loop3A_457 = tpu.vector_load %arg7[%parallel_loop3A_456] {strides = array<i32>} : memref<32768xf32, #tpu.memory_space<vmem>>, vector<16xf32>,
        %parallel_loop3A_458 = arith.subf %parallel_loop3A_457, %add3A_428 : vector<16xf32>
        %parallel_loop3A_459 = math.exp %parallel_loop3A_458 : vector<16xf32>
        %parallel_loop3A_460 = arith.constant -1.000000e+00 : f32
        %parallel_loop3A_461 = vector.broadcast %parallel_loop3A_460 : f32 to vector<16xf32>
        %parallel_loop3A_462 = arith.mulf %parallel_loop3A_459, %parallel_loop3A_461 : vector<16xf32>
        %parallel_loop3A_463 = arith.constant 178.08696 : f32
        %parallel_loop3A_464 = vector.broadcast %parallel_loop3A_463 : f32 to vector<16xf32>
        %parallel_loop3A_465 = arith.mulf %parallel_loop3A_457, %parallel_loop3A_464 : vector<16xf32>
        %parallel_loop3A_466 = arith.subf %parallel_loop3A_465, %mul3A_434 : vector<16xf32>
        %parallel_loop3A_467 = arith.constant 0.000000e+00 : f32
        %parallel_loop3A_468 = arith.constant 4.095500e+03 : f32
        %parallel_loop3A_469 = vector.broadcast %parallel_loop3A_467 : f32 to vector<16xf32>
        %parallel_loop3A_470 = arith.maximumf %parallel_loop3A_469, %parallel_loop3A_466 : vector<16xf32>
        %parallel_loop3A_471 = vector.broadcast %parallel_loop3A_468 : f32 to vector<16xf32>
        %parallel_loop3A_472 = arith.minimumf %parallel_loop3A_471, %parallel_loop3A_470 : vector<16xf32>
        %parallel_loop3A_473 = arith.fptosi %parallel_loop3A_472 : vector<16xf32> to vector<16xi32>
        tpu.vector_store_idx %arg8[%parallel_loop3A_473], %broadcast_in_dim3A_309 {add = true} : memref<4096xf32, #tpu.memory_space<vmem>>[vector<16xi32>], vector<16xf32>,
        tpu.vector_store_idx %arg9[%parallel_loop3A_473], %parallel_loop3A_462 {add = true} : memref<4096xf32, #tpu.memory_space<vmem>>[vector<16xi32>], vector<16xf32>,
      } {sc.loop_unroll_factor = 16 : i64, sc.parallel_access}
      %broadcast_in_dim3A_438 = arith.constant 0.000000e+00 : f32
      %broadcast_in_dim3A_439 = vector.broadcast %broadcast_in_dim3A_438 : f32 to vector<16xf32>
      %scan3A_440 = arith.constant 0.000000e+00 : f32
      %scan3A_441 = arith.constant 0 : i32
      %scan3A_442 = arith.constant 64 : i32
      %scan3A_443 = arith.addi %scan3A_441, %scan3A_442 : i32
      %scan3A_444 = arith.constant 1 : i32
      %scan3A_445:2 = scf.for %scan3A_453 = %scan3A_441 to %scan3A_443 step %scan3A_444 iter_args(%scan3A_454 = %scan3A_440, %scan3A_455 = %broadcast_in_dim3A_439) -> (f32, vector<16xf32>)  : i32 {
        %mul3A_456 = arith.constant 64 : i32
        %mul3A_457 = arith.muli %scan3A_453, %mul3A_456 : i32
        %add3A_458 = arith.constant 0 : i32
        %add3A_459 = arith.addi %mul3A_457, %add3A_458 : i32
        %get3A_460 = arith.index_cast %add3A_459 : i32 to index
        %get3A_461 = tpu.vector_load %arg8[%get3A_460] {strides = array<i32>} : memref<4096xf32, #tpu.memory_space<vmem>>, vector<16xf32>,
        %add3A_462 = arith.constant 0 : i32
        %add3A_463 = arith.addi %mul3A_457, %add3A_462 : i32
        %get3A_464 = arith.index_cast %add3A_463 : i32 to index
        %get3A_465 = tpu.vector_load %arg9[%get3A_464] {strides = array<i32>} : memref<4096xf32, #tpu.memory_space<vmem>>, vector<16xf32>,
        %add3A_466 = arith.constant 0 : i32
        %add3A_467 = arith.addi %mul3A_457, %add3A_466 : i32
        %swap3A_468 = arith.index_cast %add3A_467 : i32 to index
        %swap3A_469 = tpu.vector_load %arg8[%swap3A_468] {strides = array<i32>} : memref<4096xf32, #tpu.memory_space<vmem>>, vector<16xf32>,
        tpu.vector_store %arg8[%swap3A_468], %broadcast_in_dim3A_45 {strides = array<i32>} : memref<4096xf32, #tpu.memory_space<vmem>>, vector<16xf32>,
        %add3A_470 = arith.constant 0 : i32
        %add3A_471 = arith.addi %mul3A_457, %add3A_470 : i32
        %swap3A_472 = arith.index_cast %add3A_471 : i32 to index
        %swap3A_473 = tpu.vector_load %arg9[%swap3A_472] {strides = array<i32>} : memref<4096xf32, #tpu.memory_space<vmem>>, vector<16xf32>,
        tpu.vector_store %arg9[%swap3A_472], %broadcast_in_dim3A_45 {strides = array<i32>} : memref<4096xf32, #tpu.memory_space<vmem>>, vector<16xf32>,
        %add3A_474 = arith.constant 16 : i32
        %add3A_475 = arith.addi %mul3A_457, %add3A_474 : i32
        %get3A_476 = arith.index_cast %add3A_475 : i32 to index
        %get3A_477 = tpu.vector_load %arg8[%get3A_476] {strides = array<i32>} : memref<4096xf32, #tpu.memory_space<vmem>>, vector<16xf32>,
        %add3A_478 = arith.constant 16 : i32
        %add3A_479 = arith.addi %mul3A_457, %add3A_478 : i32
        %get3A_480 = arith.index_cast %add3A_479 : i32 to index
        %get3A_481 = tpu.vector_load %arg9[%get3A_480] {strides = array<i32>} : memref<4096xf32, #tpu.memory_space<vmem>>, vector<16xf32>,
        %add3A_482 = arith.constant 16 : i32
        %add3A_483 = arith.addi %mul3A_457, %add3A_482 : i32
        %swap3A_484 = arith.index_cast %add3A_483 : i32 to index
        %swap3A_485 = tpu.vector_load %arg8[%swap3A_484] {strides = array<i32>} : memref<4096xf32, #tpu.memory_space<vmem>>, vector<16xf32>,
        tpu.vector_store %arg8[%swap3A_484], %broadcast_in_dim3A_45 {strides = array<i32>} : memref<4096xf32, #tpu.memory_space<vmem>>, vector<16xf32>,
        %add3A_486 = arith.constant 16 : i32
        %add3A_487 = arith.addi %mul3A_457, %add3A_486 : i32
        %swap3A_488 = arith.index_cast %add3A_487 : i32 to index
        %swap3A_489 = tpu.vector_load %arg9[%swap3A_488] {strides = array<i32>} : memref<4096xf32, #tpu.memory_space<vmem>>, vector<16xf32>,
        tpu.vector_store %arg9[%swap3A_488], %broadcast_in_dim3A_45 {strides = array<i32>} : memref<4096xf32, #tpu.memory_space<vmem>>, vector<16xf32>,
        %add3A_490 = arith.constant 32 : i32
        %add3A_491 = arith.addi %mul3A_457, %add3A_490 : i32
        %get3A_492 = arith.index_cast %add3A_491 : i32 to index
        %get3A_493 = tpu.vector_load %arg8[%get3A_492] {strides = array<i32>} : memref<4096xf32, #tpu.memory_space<vmem>>, vector<16xf32>,
        %add3A_494 = arith.constant 32 : i32
        %add3A_495 = arith.addi %mul3A_457, %add3A_494 : i32
        %get3A_496 = arith.index_cast %add3A_495 : i32 to index
        %get3A_497 = tpu.vector_load %arg9[%get3A_496] {strides = array<i32>} : memref<4096xf32, #tpu.memory_space<vmem>>, vector<16xf32>,
        %add3A_498 = arith.constant 32 : i32
        %add3A_499 = arith.addi %mul3A_457, %add3A_498 : i32
        %swap3A_500 = arith.index_cast %add3A_499 : i32 to index
        %swap3A_501 = tpu.vector_load %arg8[%swap3A_500] {strides = array<i32>} : memref<4096xf32, #tpu.memory_space<vmem>>, vector<16xf32>,
        tpu.vector_store %arg8[%swap3A_500], %broadcast_in_dim3A_45 {strides = array<i32>} : memref<4096xf32, #tpu.memory_space<vmem>>, vector<16xf32>,
        %add3A_502 = arith.constant 32 : i32
        %add3A_503 = arith.addi %mul3A_457, %add3A_502 : i32
        %swap3A_504 = arith.index_cast %add3A_503 : i32 to index
        %swap3A_505 = tpu.vector_load %arg9[%swap3A_504] {strides = array<i32>} : memref<4096xf32, #tpu.memory_space<vmem>>, vector<16xf32>,
        tpu.vector_store %arg9[%swap3A_504], %broadcast_in_dim3A_45 {strides = array<i32>} : memref<4096xf32, #tpu.memory_space<vmem>>, vector<16xf32>,
        %add3A_506 = arith.constant 48 : i32
        %add3A_507 = arith.addi %mul3A_457, %add3A_506 : i32
        %get3A_508 = arith.index_cast %add3A_507 : i32 to index
        %get3A_509 = tpu.vector_load %arg8[%get3A_508] {strides = array<i32>} : memref<4096xf32, #tpu.memory_space<vmem>>, vector<16xf32>,
        %add3A_510 = arith.constant 48 : i32
        %add3A_511 = arith.addi %mul3A_457, %add3A_510 : i32
        %get3A_512 = arith.index_cast %add3A_511 : i32 to index
        %get3A_513 = tpu.vector_load %arg9[%get3A_512] {strides = array<i32>} : memref<4096xf32, #tpu.memory_space<vmem>>, vector<16xf32>,
        %add3A_514 = arith.constant 48 : i32
        %add3A_515 = arith.addi %mul3A_457, %add3A_514 : i32
        %swap3A_516 = arith.index_cast %add3A_515 : i32 to index
        %swap3A_517 = tpu.vector_load %arg8[%swap3A_516] {strides = array<i32>} : memref<4096xf32, #tpu.memory_space<vmem>>, vector<16xf32>,
        tpu.vector_store %arg8[%swap3A_516], %broadcast_in_dim3A_45 {strides = array<i32>} : memref<4096xf32, #tpu.memory_space<vmem>>, vector<16xf32>,
        %add3A_518 = arith.constant 48 : i32
        %add3A_519 = arith.addi %mul3A_457, %add3A_518 : i32
        %swap3A_520 = arith.index_cast %add3A_519 : i32 to index
        %swap3A_521 = tpu.vector_load %arg9[%swap3A_520] {strides = array<i32>} : memref<4096xf32, #tpu.memory_space<vmem>>, vector<16xf32>,
        tpu.vector_store %arg9[%swap3A_520], %broadcast_in_dim3A_45 {strides = array<i32>} : memref<4096xf32, #tpu.memory_space<vmem>>, vector<16xf32>,
        %broadcast_in_dim3A_522 = arith.constant true
        %broadcast_in_dim3A_523 = vector.broadcast %broadcast_in_dim3A_522 : i1 to vector<16xi1>
        %masked_cumsum3A = tpu.scan <sum>, %get3A_461 masked %broadcast_in_dim3A_523 : vector<16xf32>, vector<16xi1> -> vector<16xf32>
        %broadcast_in_dim3A_524 = arith.constant true
        %broadcast_in_dim3A_525 = vector.broadcast %broadcast_in_dim3A_524 : i1 to vector<16xi1>
        %masked_cumsum3A_526 = tpu.scan <sum>, %get3A_477 masked %broadcast_in_dim3A_525 : vector<16xf32>, vector<16xi1> -> vector<16xf32>
        %broadcast_in_dim3A_527 = arith.constant true
        %broadcast_in_dim3A_528 = vector.broadcast %broadcast_in_dim3A_527 : i1 to vector<16xi1>
        %masked_cumsum3A_529 = tpu.scan <sum>, %get3A_493 masked %broadcast_in_dim3A_528 : vector<16xf32>, vector<16xi1> -> vector<16xf32>
        %broadcast_in_dim3A_530 = arith.constant true
        %broadcast_in_dim3A_531 = vector.broadcast %broadcast_in_dim3A_530 : i1 to vector<16xi1>
        %masked_cumsum3A_532 = tpu.scan <sum>, %get3A_509 masked %broadcast_in_dim3A_531 : vector<16xf32>, vector<16xi1> -> vector<16xf32>
        %reduce_sum3A_533 = arith.constant true
        %reduce_sum3A_534 = vector.broadcast %reduce_sum3A_533 : i1 to vector<16xi1>
        %reduce_sum3A_535 = tpu.scan <sum>, %get3A_461 masked %reduce_sum3A_534 : vector<16xf32>, vector<16xi1> -> vector<16xf32>
        %reduce_sum3A_536 = vector.extract %reduce_sum3A_535[15] : f32 from vector<16xf32>
        %reduce_sum3A_537 = arith.constant true
        %reduce_sum3A_538 = vector.broadcast %reduce_sum3A_537 : i1 to vector<16xi1>
        %reduce_sum3A_539 = tpu.scan <sum>, %get3A_477 masked %reduce_sum3A_538 : vector<16xf32>, vector<16xi1> -> vector<16xf32>
        %reduce_sum3A_540 = vector.extract %reduce_sum3A_539[15] : f32 from vector<16xf32>
        %reduce_sum3A_541 = arith.constant true
        %reduce_sum3A_542 = vector.broadcast %reduce_sum3A_541 : i1 to vector<16xi1>
        %reduce_sum3A_543 = tpu.scan <sum>, %get3A_493 masked %reduce_sum3A_542 : vector<16xf32>, vector<16xi1> -> vector<16xf32>
        %reduce_sum3A_544 = vector.extract %reduce_sum3A_543[15] : f32 from vector<16xf32>
        %reduce_sum3A_545 = arith.constant true
        %reduce_sum3A_546 = vector.broadcast %reduce_sum3A_545 : i1 to vector<16xi1>
        %reduce_sum3A_547 = tpu.scan <sum>, %get3A_509 masked %reduce_sum3A_546 : vector<16xf32>, vector<16xi1> -> vector<16xf32>
        %reduce_sum3A_548 = vector.extract %reduce_sum3A_547[15] : f32 from vector<16xf32>
        %convert_element_type3A_549 = arith.sitofp %scan3A_453 : i32 to f32
        %mul3A_550 = arith.constant 3.593750e-01 : f32
        %mul3A_551 = arith.mulf %convert_element_type3A_549, %mul3A_550 : f32
        %add3A_552 = arith.constant -2.300000e+01 : f32
        %add3A_553 = arith.addf %add3A_552, %mul3A_551 : f32
        %sub3A_554 = arith.constant -7.680000e+02 : f32
        %sub3A_555 = arith.subf %sub3A_554, %scan3A_454 : f32
        %sub3A_556 = vector.broadcast %sub3A_555 : f32 to vector<16xf32>
        %sub3A_557 = arith.subf %sub3A_556, %masked_cumsum3A : vector<16xf32>
        %add3A_558 = arith.constant 0.000000e+00 : f32
        %add3A_559 = arith.addf %add3A_553, %add3A_558 : f32
        %add3A_560 = vector.broadcast %add3A_559 : f32 to vector<16xf32>
        %add3A_561 = arith.addf %add3A_560, %mul3A_49 : vector<16xf32>
        %exp3A = math.exp %add3A_561 : vector<16xf32>
        %mul3A_562 = arith.constant 0.00563102914 : f32
        %mul3A_563 = vector.broadcast %mul3A_562 : f32 to vector<16xf32>
        %mul3A_564 = arith.mulf %mul3A_563, %sub3A_557 : vector<16xf32>
        %sub3A_565 = arith.subf %mul3A_564, %get3A_461 : vector<16xf32>
        %mul3A_566 = arith.mulf %exp3A, %sub3A_565 : vector<16xf32>
        %add3A_567 = arith.addf %mul3A_566, %get3A_465 : vector<16xf32>
        %abs3A = math.absf %add3A_567 : vector<16xf32>
        %add3A_568 = arith.addf %scan3A_455, %abs3A : vector<16xf32>
        %add3A_569 = arith.addf %scan3A_454, %reduce_sum3A_536 : f32
        %sub3A_570 = arith.constant -7.680000e+02 : f32
        %sub3A_571 = arith.subf %sub3A_570, %add3A_569 : f32
        %sub3A_572 = vector.broadcast %sub3A_571 : f32 to vector<16xf32>
        %sub3A_573 = arith.subf %sub3A_572, %masked_cumsum3A_526 : vector<16xf32>
        %add3A_574 = arith.constant 0.08984375 : f32
        %add3A_575 = arith.addf %add3A_553, %add3A_574 : f32
        %add3A_576 = vector.broadcast %add3A_575 : f32 to vector<16xf32>
        %add3A_577 = arith.addf %add3A_576, %mul3A_49 : vector<16xf32>
        %exp3A_578 = math.exp %add3A_577 : vector<16xf32>
        %mul3A_579 = arith.constant 0.00563102914 : f32
        %mul3A_580 = vector.broadcast %mul3A_579 : f32 to vector<16xf32>
        %mul3A_581 = arith.mulf %mul3A_580, %sub3A_573 : vector<16xf32>
        %sub3A_582 = arith.subf %mul3A_581, %get3A_477 : vector<16xf32>
        %mul3A_583 = arith.mulf %exp3A_578, %sub3A_582 : vector<16xf32>
        %add3A_584 = arith.addf %mul3A_583, %get3A_481 : vector<16xf32>
        %abs3A_585 = math.absf %add3A_584 : vector<16xf32>
        %add3A_586 = arith.addf %add3A_568, %abs3A_585 : vector<16xf32>
        %add3A_587 = arith.addf %add3A_569, %reduce_sum3A_540 : f32
        %sub3A_588 = arith.constant -7.680000e+02 : f32
        %sub3A_589 = arith.subf %sub3A_588, %add3A_587 : f32
        %sub3A_590 = vector.broadcast %sub3A_589 : f32 to vector<16xf32>
        %sub3A_591 = arith.subf %sub3A_590, %masked_cumsum3A_529 : vector<16xf32>
        %add3A_592 = arith.constant 0.1796875 : f32
        %add3A_593 = arith.addf %add3A_553, %add3A_592 : f32
        %add3A_594 = vector.broadcast %add3A_593 : f32 to vector<16xf32>
        %add3A_595 = arith.addf %add3A_594, %mul3A_49 : vector<16xf32>
        %exp3A_596 = math.exp %add3A_595 : vector<16xf32>
        %mul3A_597 = arith.constant 0.00563102914 : f32
        %mul3A_598 = vector.broadcast %mul3A_597 : f32 to vector<16xf32>
        %mul3A_599 = arith.mulf %mul3A_598, %sub3A_591 : vector<16xf32>
        %sub3A_600 = arith.subf %mul3A_599, %get3A_493 : vector<16xf32>
        %mul3A_601 = arith.mulf %exp3A_596, %sub3A_600 : vector<16xf32>
        %add3A_602 = arith.addf %mul3A_601, %get3A_497 : vector<16xf32>
        %abs3A_603 = math.absf %add3A_602 : vector<16xf32>
        %add3A_604 = arith.addf %add3A_586, %abs3A_603 : vector<16xf32>
        %add3A_605 = arith.addf %add3A_587, %reduce_sum3A_544 : f32
        %sub3A_606 = arith.constant -7.680000e+02 : f32
        %sub3A_607 = arith.subf %sub3A_606, %add3A_605 : f32
        %sub3A_608 = vector.broadcast %sub3A_607 : f32 to vector<16xf32>
        %sub3A_609 = arith.subf %sub3A_608, %masked_cumsum3A_532 : vector<16xf32>
        %add3A_610 = arith.constant 0.26953125 : f32
        %add3A_611 = arith.addf %add3A_553, %add3A_610 : f32
        %add3A_612 = vector.broadcast %add3A_611 : f32 to vector<16xf32>
        %add3A_613 = arith.addf %add3A_612, %mul3A_49 : vector<16xf32>
        %exp3A_614 = math.exp %add3A_613 : vector<16xf32>
        %mul3A_615 = arith.constant 0.00563102914 : f32
        %mul3A_616 = vector.broadcast %mul3A_615 : f32 to vector<16xf32>
        %mul3A_617 = arith.mulf %mul3A_616, %sub3A_609 : vector<16xf32>
        %sub3A_618 = arith.subf %mul3A_617, %get3A_509 : vector<16xf32>
        %mul3A_619 = arith.mulf %exp3A_614, %sub3A_618 : vector<16xf32>
        %add3A_620 = arith.addf %mul3A_619, %get3A_513 : vector<16xf32>
        %abs3A_621 = math.absf %add3A_620 : vector<16xf32>
        %add3A_622 = arith.addf %add3A_604, %abs3A_621 : vector<16xf32>
        %add3A_623 = arith.addf %add3A_605, %reduce_sum3A_548 : f32
        scf.yield %add3A_623, %add3A_622 : f32, vector<16xf32>
      }
      %scan3A_446 = arith.constant 64 : i32
      %eq3A_447 = arith.constant 0 : i32
      %eq3A_448 = arith.cmpi eq, %convert_element_type3A_117, %eq3A_447 : i32
      %select_n3A_449 = arith.select %eq3A_448, %while3A, %while3A_87 : f32
      %mul3A_450 = vector.broadcast %select_n3A_449 : f32 to vector<16xf32>
      %mul3A_451 = arith.mulf %scan3A_445#1, %mul3A_450 : vector<16xf32>
      %add3A_452 = arith.addf %while3A_109, %mul3A_451 : vector<16xf32>
      scf.yield %add3A_452 : vector<16xf32>
    }
    %while3A_97 = arith.constant 1 : i32
    %while3A_98 = scf.for %while3A_108 = %while3A_94 to %while3A_90 step %while3A_97 iter_args(%while3A_109 = %while3A_96) -> (vector<16xf32>)  : i32 {
      %mul3A_110 = arith.constant 32 : i32
      %mul3A_111 = arith.muli %while3A_108, %mul3A_110 : i32
      %add3A_112 = arith.addi %add3A, %mul3A_111 : i32
      %min3A_113 = arith.constant 1995 : i32
      %min3A_114 = arith.minsi %add3A_112, %min3A_113 : i32
      %ge3A_115 = arith.constant 948 : i32
      %ge3A_116 = arith.cmpi sge, %min3A_114, %ge3A_115 : i32
      %convert_element_type3A_117 = arith.extui %ge3A_116 : i1 to i32
      %mul3A_118 = arith.constant 948 : i32
      %mul3A_119 = arith.muli %convert_element_type3A_117, %mul3A_118 : i32
      %sub3A_120 = arith.subi %min3A_114, %mul3A_119 : i32
      %mul3A_121 = arith.constant 2048 : i32
      %mul3A_122 = arith.muli %convert_element_type3A_117, %mul3A_121 : i32
      %eq3A_123 = arith.constant 0 : i32
      %eq3A_124 = arith.cmpi eq, %convert_element_type3A_117, %eq3A_123 : i32
      %select_n3A_125 = arith.select %eq3A_124, %convert_element_type3A_7, %convert_element_type3A_19 : i32
      %add3A_126 = arith.addi %mul3A_122, %select_n3A_125 : i32
      %add3A_127 = arith.addi %add3A_126, %sub3A_120 : i32
      %mul3A_128 = arith.constant 2048 : i32
      %mul3A_129 = arith.muli %convert_element_type3A_117, %mul3A_128 : i32
      %eq3A_130 = arith.constant 0 : i32
      %eq3A_131 = arith.cmpi eq, %convert_element_type3A_117, %eq3A_130 : i32
      %select_n3A_132 = arith.select %eq3A_131, %convert_element_type3A_31, %convert_element_type3A_43 : i32
      %add3A_133 = arith.addi %mul3A_129, %select_n3A_132 : i32
      %add3A_134 = arith.addi %add3A_133, %sub3A_120 : i32
      %dma_start3A_135 = arith.constant 0 : i32
      %dma_start3A_136 = tpu.memref_slice %arg3[%add3A_134, %dma_start3A_135] : memref<4096x32768xf32, #tpu.memory_space<hbm>> -> memref<1x32768xf32, #tpu.memory_space<hbm>>
      %dma_start3A_137 = tpu.memref_squeeze %dma_start3A_136 : memref<1x32768xf32, #tpu.memory_space<hbm>> -> memref<32768xf32, #tpu.memory_space<hbm>>
      %dma_start3A_138 = arith.constant 0 : i32
      %dma_start3A_139 = tpu.memref_slice %arg3[%add3A_134, %dma_start3A_138] : memref<4096x32768xf32, #tpu.memory_space<hbm>> -> memref<1x32768xf32, #tpu.memory_space<hbm>>
      %dma_start3A_140 = tpu.memref_squeeze %dma_start3A_139 : memref<1x32768xf32, #tpu.memory_space<hbm>> -> memref<32768xf32, #tpu.memory_space<hbm>>
      tpu.enqueue_dma source(%dma_start3A_140 : memref<32768xf32, #tpu.memory_space<hbm>>) target(%arg7 : memref<32768xf32, #tpu.memory_space<vmem>>) target_semaphore(%arg13 : memref<!tpu.dma_semaphore, #tpu.memory_space<semaphore_mem>>)
      %dma_wait3A_141 = arith.constant 0 : i32
      %dma_wait3A_142 = arith.constant 0 : i32
      %dma_wait3A_143 = tpu.memref_slice %arg2[%dma_wait3A_141, %dma_wait3A_142] : memref<4096x32000xf32, #tpu.memory_space<hbm>> -> memref<1x32000xf32, #tpu.memory_space<hbm>>
      %dma_wait3A_144 = tpu.memref_squeeze %dma_wait3A_143 : memref<1x32000xf32, #tpu.memory_space<hbm>> -> memref<32000xf32, #tpu.memory_space<hbm>>
      %dma_wait3A_145 = arith.constant 0 : i32
      %dma_wait3A_146 = tpu.memref_slice %arg2[%dma_wait3A_141, %dma_wait3A_145] : memref<4096x32000xf32, #tpu.memory_space<hbm>> -> memref<1x32000xf32, #tpu.memory_space<hbm>>
      %dma_wait3A_147 = tpu.memref_squeeze %dma_wait3A_146 : memref<1x32000xf32, #tpu.memory_space<hbm>> -> memref<32000xf32, #tpu.memory_space<hbm>>
      tpu.wait_dma2 semaphore(%arg12 : memref<!tpu.dma_semaphore, #tpu.memory_space<semaphore_mem>>) src(%dma_wait3A_147 : memref<32000xf32, #tpu.memory_space<hbm>>) dst(%arg6 : memref<32000xf32, #tpu.memory_space<vmem>>)
      %broadcast_in_dim3A_148 = arith.constant 1.000000e+00 : f32
      %broadcast_in_dim3A_149 = vector.broadcast %broadcast_in_dim3A_148 : f32 to vector<16xf32>
      %broadcast_in_dim3A_150 = arith.constant 0.000000e+00 : f32
      %broadcast_in_dim3A_151 = vector.broadcast %broadcast_in_dim3A_150 : f32 to vector<16xf32>
      %broadcast_in_dim3A_152 = arith.constant 0.000000e+00 : f32
      %broadcast_in_dim3A_153 = vector.broadcast %broadcast_in_dim3A_152 : f32 to vector<16xf32>
      %broadcast_in_dim3A_154 = arith.constant 0.000000e+00 : f32
      %broadcast_in_dim3A_155 = vector.broadcast %broadcast_in_dim3A_154 : f32 to vector<16xf32>
      %broadcast_in_dim3A_156 = arith.constant 0.000000e+00 : f32
      %broadcast_in_dim3A_157 = vector.broadcast %broadcast_in_dim3A_156 : f32 to vector<16xf32>
      %broadcast_in_dim3A_158 = arith.constant 0.000000e+00 : f32
      %broadcast_in_dim3A_159 = vector.broadcast %broadcast_in_dim3A_158 : f32 to vector<16xf32>
      %broadcast_in_dim3A_160 = arith.constant 0.000000e+00 : f32
      %broadcast_in_dim3A_161 = vector.broadcast %broadcast_in_dim3A_160 : f32 to vector<16xf32>
      %broadcast_in_dim3A_162 = arith.constant 0.000000e+00 : f32
      %broadcast_in_dim3A_163 = vector.broadcast %broadcast_in_dim3A_162 : f32 to vector<16xf32>
      %broadcast_in_dim3A_164 = arith.constant 0.000000e+00 : f32
      %broadcast_in_dim3A_165 = vector.broadcast %broadcast_in_dim3A_164 : f32 to vector<16xf32>
      %broadcast_in_dim3A_166 = arith.constant 0.000000e+00 : f32
      %broadcast_in_dim3A_167 = vector.broadcast %broadcast_in_dim3A_166 : f32 to vector<16xf32>
      %broadcast_in_dim3A_168 = arith.constant 0.000000e+00 : f32
      %broadcast_in_dim3A_169 = vector.broadcast %broadcast_in_dim3A_168 : f32 to vector<16xf32>
      %broadcast_in_dim3A_170 = arith.constant 0.000000e+00 : f32
      %broadcast_in_dim3A_171 = vector.broadcast %broadcast_in_dim3A_170 : f32 to vector<16xf32>
      %broadcast_in_dim3A_172 = arith.constant 0.000000e+00 : f32
      %broadcast_in_dim3A_173 = vector.broadcast %broadcast_in_dim3A_172 : f32 to vector<16xf32>
      %broadcast_in_dim3A_174 = arith.constant 0.000000e+00 : f32
      %broadcast_in_dim3A_175 = vector.broadcast %broadcast_in_dim3A_174 : f32 to vector<16xf32>
      %broadcast_in_dim3A_176 = arith.constant 0.000000e+00 : f32
      %broadcast_in_dim3A_177 = vector.broadcast %broadcast_in_dim3A_176 : f32 to vector<16xf32>
      %broadcast_in_dim3A_178 = arith.constant 0.000000e+00 : f32
      %broadcast_in_dim3A_179 = vector.broadcast %broadcast_in_dim3A_178 : f32 to vector<16xf32>
      %broadcast_in_dim3A_180 = arith.constant 0.000000e+00 : f32
      %broadcast_in_dim3A_181 = vector.broadcast %broadcast_in_dim3A_180 : f32 to vector<16xf32>
      %scan3A_182 = arith.constant 0 : i32
      %scan3A_183 = arith.constant 125 : i32
      %scan3A_184 = arith.addi %scan3A_182, %scan3A_183 : i32
      %scan3A_185 = arith.constant 1 : i32
      %scan3A_186:16 = scf.for %scan3A_453 = %scan3A_182 to %scan3A_184 step %scan3A_185 iter_args(%scan3A_454 = %broadcast_in_dim3A_151, %scan3A_455 = %broadcast_in_dim3A_153, %scan3A_456 = %broadcast_in_dim3A_155, %scan3A_457 = %broadcast_in_dim3A_157, %scan3A_458 = %broadcast_in_dim3A_159, %scan3A_459 = %broadcast_in_dim3A_161, %scan3A_460 = %broadcast_in_dim3A_163, %scan3A_461 = %broadcast_in_dim3A_165, %scan3A_462 = %broadcast_in_dim3A_167, %scan3A_463 = %broadcast_in_dim3A_169, %scan3A_464 = %broadcast_in_dim3A_171, %scan3A_465 = %broadcast_in_dim3A_173, %scan3A_466 = %broadcast_in_dim3A_175, %scan3A_467 = %broadcast_in_dim3A_177, %scan3A_468 = %broadcast_in_dim3A_179, %scan3A_469 = %broadcast_in_dim3A_181) -> (vector<16xf32>, vector<16xf32>, vector<16xf32>, vector<16xf32>, vector<16xf32>, vector<16xf32>, vector<16xf32>, vector<16xf32>, vector<16xf32>, vector<16xf32>, vector<16xf32>, vector<16xf32>, vector<16xf32>, vector<16xf32>, vector<16xf32>, vector<16xf32>)  : i32 {
        %mul3A_470 = arith.constant 256 : i32
        %mul3A_471 = arith.muli %scan3A_453, %mul3A_470 : i32
        %add3A_472 = arith.constant 0 : i32
        %add3A_473 = arith.addi %mul3A_471, %add3A_472 : i32
        %get3A_474 = arith.index_cast %add3A_473 : i32 to index
        %get3A_475 = tpu.vector_load %arg6[%get3A_474] {strides = array<i32>} : memref<32000xf32, #tpu.memory_space<vmem>>, vector<16xf32>,
        %exp3A = math.exp %get3A_475 : vector<16xf32>
        %add3A_476 = arith.addf %scan3A_454, %exp3A : vector<16xf32>
        %add3A_477 = arith.constant 16 : i32
        %add3A_478 = arith.addi %mul3A_471, %add3A_477 : i32
        %get3A_479 = arith.index_cast %add3A_478 : i32 to index
        %get3A_480 = tpu.vector_load %arg6[%get3A_479] {strides = array<i32>} : memref<32000xf32, #tpu.memory_space<vmem>>, vector<16xf32>,
        %exp3A_481 = math.exp %get3A_480 : vector<16xf32>
        %add3A_482 = arith.addf %scan3A_455, %exp3A_481 : vector<16xf32>
        %add3A_483 = arith.constant 32 : i32
        %add3A_484 = arith.addi %mul3A_471, %add3A_483 : i32
        %get3A_485 = arith.index_cast %add3A_484 : i32 to index
        %get3A_486 = tpu.vector_load %arg6[%get3A_485] {strides = array<i32>} : memref<32000xf32, #tpu.memory_space<vmem>>, vector<16xf32>,
        %exp3A_487 = math.exp %get3A_486 : vector<16xf32>
        %add3A_488 = arith.addf %scan3A_456, %exp3A_487 : vector<16xf32>
        %add3A_489 = arith.constant 48 : i32
        %add3A_490 = arith.addi %mul3A_471, %add3A_489 : i32
        %get3A_491 = arith.index_cast %add3A_490 : i32 to index
        %get3A_492 = tpu.vector_load %arg6[%get3A_491] {strides = array<i32>} : memref<32000xf32, #tpu.memory_space<vmem>>, vector<16xf32>,
        %exp3A_493 = math.exp %get3A_492 : vector<16xf32>
        %add3A_494 = arith.addf %scan3A_457, %exp3A_493 : vector<16xf32>
        %add3A_495 = arith.constant 64 : i32
        %add3A_496 = arith.addi %mul3A_471, %add3A_495 : i32
        %get3A_497 = arith.index_cast %add3A_496 : i32 to index
        %get3A_498 = tpu.vector_load %arg6[%get3A_497] {strides = array<i32>} : memref<32000xf32, #tpu.memory_space<vmem>>, vector<16xf32>,
        %exp3A_499 = math.exp %get3A_498 : vector<16xf32>
        %add3A_500 = arith.addf %scan3A_458, %exp3A_499 : vector<16xf32>
        %add3A_501 = arith.constant 80 : i32
        %add3A_502 = arith.addi %mul3A_471, %add3A_501 : i32
        %get3A_503 = arith.index_cast %add3A_502 : i32 to index
        %get3A_504 = tpu.vector_load %arg6[%get3A_503] {strides = array<i32>} : memref<32000xf32, #tpu.memory_space<vmem>>, vector<16xf32>,
        %exp3A_505 = math.exp %get3A_504 : vector<16xf32>
        %add3A_506 = arith.addf %scan3A_459, %exp3A_505 : vector<16xf32>
        %add3A_507 = arith.constant 96 : i32
        %add3A_508 = arith.addi %mul3A_471, %add3A_507 : i32
        %get3A_509 = arith.index_cast %add3A_508 : i32 to index
        %get3A_510 = tpu.vector_load %arg6[%get3A_509] {strides = array<i32>} : memref<32000xf32, #tpu.memory_space<vmem>>, vector<16xf32>,
        %exp3A_511 = math.exp %get3A_510 : vector<16xf32>
        %add3A_512 = arith.addf %scan3A_460, %exp3A_511 : vector<16xf32>
        %add3A_513 = arith.constant 112 : i32
        %add3A_514 = arith.addi %mul3A_471, %add3A_513 : i32
        %get3A_515 = arith.index_cast %add3A_514 : i32 to index
        %get3A_516 = tpu.vector_load %arg6[%get3A_515] {strides = array<i32>} : memref<32000xf32, #tpu.memory_space<vmem>>, vector<16xf32>,
        %exp3A_517 = math.exp %get3A_516 : vector<16xf32>
        %add3A_518 = arith.addf %scan3A_461, %exp3A_517 : vector<16xf32>
        %add3A_519 = arith.constant 128 : i32
        %add3A_520 = arith.addi %mul3A_471, %add3A_519 : i32
        %get3A_521 = arith.index_cast %add3A_520 : i32 to index
        %get3A_522 = tpu.vector_load %arg6[%get3A_521] {strides = array<i32>} : memref<32000xf32, #tpu.memory_space<vmem>>, vector<16xf32>,
        %exp3A_523 = math.exp %get3A_522 : vector<16xf32>
        %add3A_524 = arith.addf %scan3A_462, %exp3A_523 : vector<16xf32>
        %add3A_525 = arith.constant 144 : i32
        %add3A_526 = arith.addi %mul3A_471, %add3A_525 : i32
        %get3A_527 = arith.index_cast %add3A_526 : i32 to index
        %get3A_528 = tpu.vector_load %arg6[%get3A_527] {strides = array<i32>} : memref<32000xf32, #tpu.memory_space<vmem>>, vector<16xf32>,
        %exp3A_529 = math.exp %get3A_528 : vector<16xf32>
        %add3A_530 = arith.addf %scan3A_463, %exp3A_529 : vector<16xf32>
        %add3A_531 = arith.constant 160 : i32
        %add3A_532 = arith.addi %mul3A_471, %add3A_531 : i32
        %get3A_533 = arith.index_cast %add3A_532 : i32 to index
        %get3A_534 = tpu.vector_load %arg6[%get3A_533] {strides = array<i32>} : memref<32000xf32, #tpu.memory_space<vmem>>, vector<16xf32>,
        %exp3A_535 = math.exp %get3A_534 : vector<16xf32>
        %add3A_536 = arith.addf %scan3A_464, %exp3A_535 : vector<16xf32>
        %add3A_537 = arith.constant 176 : i32
        %add3A_538 = arith.addi %mul3A_471, %add3A_537 : i32
        %get3A_539 = arith.index_cast %add3A_538 : i32 to index
        %get3A_540 = tpu.vector_load %arg6[%get3A_539] {strides = array<i32>} : memref<32000xf32, #tpu.memory_space<vmem>>, vector<16xf32>,
        %exp3A_541 = math.exp %get3A_540 : vector<16xf32>
        %add3A_542 = arith.addf %scan3A_465, %exp3A_541 : vector<16xf32>
        %add3A_543 = arith.constant 192 : i32
        %add3A_544 = arith.addi %mul3A_471, %add3A_543 : i32
        %get3A_545 = arith.index_cast %add3A_544 : i32 to index
        %get3A_546 = tpu.vector_load %arg6[%get3A_545] {strides = array<i32>} : memref<32000xf32, #tpu.memory_space<vmem>>, vector<16xf32>,
        %exp3A_547 = math.exp %get3A_546 : vector<16xf32>
        %add3A_548 = arith.addf %scan3A_466, %exp3A_547 : vector<16xf32>
        %add3A_549 = arith.constant 208 : i32
        %add3A_550 = arith.addi %mul3A_471, %add3A_549 : i32
        %get3A_551 = arith.index_cast %add3A_550 : i32 to index
        %get3A_552 = tpu.vector_load %arg6[%get3A_551] {strides = array<i32>} : memref<32000xf32, #tpu.memory_space<vmem>>, vector<16xf32>,
        %exp3A_553 = math.exp %get3A_552 : vector<16xf32>
        %add3A_554 = arith.addf %scan3A_467, %exp3A_553 : vector<16xf32>
        %add3A_555 = arith.constant 224 : i32
        %add3A_556 = arith.addi %mul3A_471, %add3A_555 : i32
        %get3A_557 = arith.index_cast %add3A_556 : i32 to index
        %get3A_558 = tpu.vector_load %arg6[%get3A_557] {strides = array<i32>} : memref<32000xf32, #tpu.memory_space<vmem>>, vector<16xf32>,
        %exp3A_559 = math.exp %get3A_558 : vector<16xf32>
        %add3A_560 = arith.addf %scan3A_468, %exp3A_559 : vector<16xf32>
        %add3A_561 = arith.constant 240 : i32
        %add3A_562 = arith.addi %mul3A_471, %add3A_561 : i32
        %get3A_563 = arith.index_cast %add3A_562 : i32 to index
        %get3A_564 = tpu.vector_load %arg6[%get3A_563] {strides = array<i32>} : memref<32000xf32, #tpu.memory_space<vmem>>, vector<16xf32>,
        %exp3A_565 = math.exp %get3A_564 : vector<16xf32>
        %add3A_566 = arith.addf %scan3A_469, %exp3A_565 : vector<16xf32>
        scf.yield %add3A_476, %add3A_482, %add3A_488, %add3A_494, %add3A_500, %add3A_506, %add3A_512, %add3A_518, %add3A_524, %add3A_530, %add3A_536, %add3A_542, %add3A_548, %add3A_554, %add3A_560, %add3A_566 : vector<16xf32>, vector<16xf32>, vector<16xf32>, vector<16xf32>, vector<16xf32>, vector<16xf32>, vector<16xf32>, vector<16xf32>, vector<16xf32>, vector<16xf32>, vector<16xf32>, vector<16xf32>, vector<16xf32>, vector<16xf32>, vector<16xf32>, vector<16xf32>
      }
      %scan3A_187 = arith.constant 125 : i32
      %add3A_188 = arith.addf %scan3A_186#0, %scan3A_186#1 : vector<16xf32>
      %add3A_189 = arith.addf %add3A_188, %scan3A_186#2 : vector<16xf32>
      %add3A_190 = arith.addf %add3A_189, %scan3A_186#3 : vector<16xf32>
      %add3A_191 = arith.addf %add3A_190, %scan3A_186#4 : vector<16xf32>
      %add3A_192 = arith.addf %add3A_191, %scan3A_186#5 : vector<16xf32>
      %add3A_193 = arith.addf %add3A_192, %scan3A_186#6 : vector<16xf32>
      %add3A_194 = arith.addf %add3A_193, %scan3A_186#7 : vector<16xf32>
      %add3A_195 = arith.addf %add3A_194, %scan3A_186#8 : vector<16xf32>
      %add3A_196 = arith.addf %add3A_195, %scan3A_186#9 : vector<16xf32>
      %add3A_197 = arith.addf %add3A_196, %scan3A_186#10 : vector<16xf32>
      %add3A_198 = arith.addf %add3A_197, %scan3A_186#11 : vector<16xf32>
      %add3A_199 = arith.addf %add3A_198, %scan3A_186#12 : vector<16xf32>
      %add3A_200 = arith.addf %add3A_199, %scan3A_186#13 : vector<16xf32>
      %add3A_201 = arith.addf %add3A_200, %scan3A_186#14 : vector<16xf32>
      %add3A_202 = arith.addf %add3A_201, %scan3A_186#15 : vector<16xf32>
      %reduce_sum3A_203 = arith.constant true
      %reduce_sum3A_204 = vector.broadcast %reduce_sum3A_203 : i1 to vector<16xi1>
      %reduce_sum3A_205 = tpu.scan <sum>, %add3A_202 masked %reduce_sum3A_204 : vector<16xf32>, vector<16xi1> -> vector<16xf32>
      %reduce_sum3A_206 = vector.extract %reduce_sum3A_205[15] : f32 from vector<16xf32>
      %broadcast_in_dim3A_207 = vector.broadcast %reduce_sum3A_206 : f32 to vector<16xf32>
      %bitcast3A = vector.bitcast %broadcast_in_dim3A_207 : vector<16xf32> to vector<16xi32>
      %shift_right_arithmetic3A = arith.constant 23 : i32
      %shift_right_arithmetic3A_208 = vector.broadcast %shift_right_arithmetic3A : i32 to vector<16xi32>
      %shift_right_arithmetic3A_209 = arith.shrsi %bitcast3A, %shift_right_arithmetic3A_208 : vector<16xi32>
      %and3A = arith.constant 255 : i32
      %and3A_210 = vector.broadcast %and3A : i32 to vector<16xi32>
      %and3A_211 = arith.andi %shift_right_arithmetic3A_209, %and3A_210 : vector<16xi32>
      %sub3A_212 = arith.constant 127 : i32
      %sub3A_213 = vector.broadcast %sub3A_212 : i32 to vector<16xi32>
      %sub3A_214 = arith.subi %and3A_211, %sub3A_213 : vector<16xi32>
      %and3A_215 = arith.constant 8388607 : i32
      %and3A_216 = vector.broadcast %and3A_215 : i32 to vector<16xi32>
      %and3A_217 = arith.andi %bitcast3A, %and3A_216 : vector<16xi32>
      %or3A = arith.constant 1065353216 : i32
      %or3A_218 = vector.broadcast %or3A : i32 to vector<16xi32>
      %or3A_219 = arith.ori %and3A_217, %or3A_218 : vector<16xi32>
      %bitcast3A_220 = vector.bitcast %or3A_219 : vector<16xi32> to vector<16xf32>
      %gt3A = arith.constant 1.41421354 : f32
      %gt3A_221 = vector.broadcast %gt3A : f32 to vector<16xf32>
      %gt3A_222 = arith.cmpf ogt, %bitcast3A_220, %gt3A_221 : vector<16xf32>
      %mul3A_223 = arith.constant 5.000000e-01 : f32
      %mul3A_224 = vector.broadcast %mul3A_223 : f32 to vector<16xf32>
      %mul3A_225 = arith.mulf %bitcast3A_220, %mul3A_224 : vector<16xf32>
      %select_n3A_226 = arith.select %gt3A_222, %mul3A_225, %bitcast3A_220 : vector<16xi1>, vector<16xf32>
      %jit3A_227 = arith.constant 1 : i32
      %jit3A_228 = arith.constant 0 : i32
      %broadcast_in_dim3A_229 = vector.broadcast %jit3A_227 : i32 to vector<16xi32>
      %broadcast_in_dim3A_230 = vector.broadcast %jit3A_228 : i32 to vector<16xi32>
      %select_n3A_231 = arith.select %gt3A_222, %broadcast_in_dim3A_229, %broadcast_in_dim3A_230 : vector<16xi1>, vector<16xi32>
      %add3A_232 = arith.addi %sub3A_214, %select_n3A_231 : vector<16xi32>
      %sub3A_233 = arith.constant 1.000000e+00 : f32
      %sub3A_234 = vector.broadcast %sub3A_233 : f32 to vector<16xf32>
      %sub3A_235 = arith.subf %select_n3A_226, %sub3A_234 : vector<16xf32>
      %add3A_236 = arith.constant 1.000000e+00 : f32
      %add3A_237 = vector.broadcast %add3A_236 : f32 to vector<16xf32>
      %add3A_238 = arith.addf %select_n3A_226, %add3A_237 : vector<16xf32>
      %div3A = arith.divf %sub3A_235, %add3A_238 : vector<16xf32>
      %mul3A_239 = arith.mulf %div3A, %div3A : vector<16xf32>
      %mul3A_240 = arith.constant 2.000000e+00 : f32
      %mul3A_241 = vector.broadcast %mul3A_240 : f32 to vector<16xf32>
      %mul3A_242 = arith.mulf %mul3A_241, %div3A : vector<16xf32>
      %mul3A_243 = arith.constant 0.142857149 : f32
      %mul3A_244 = vector.broadcast %mul3A_243 : f32 to vector<16xf32>
      %mul3A_245 = arith.mulf %mul3A_239, %mul3A_244 : vector<16xf32>
      %add3A_246 = arith.constant 2.000000e-01 : f32
      %add3A_247 = vector.broadcast %add3A_246 : f32 to vector<16xf32>
      %add3A_248 = arith.addf %add3A_247, %mul3A_245 : vector<16xf32>
      %mul3A_249 = arith.mulf %mul3A_239, %add3A_248 : vector<16xf32>
      %add3A_250 = arith.constant 0.333333343 : f32
      %add3A_251 = vector.broadcast %add3A_250 : f32 to vector<16xf32>
      %add3A_252 = arith.addf %add3A_251, %mul3A_249 : vector<16xf32>
      %mul3A_253 = arith.mulf %mul3A_239, %add3A_252 : vector<16xf32>
      %add3A_254 = arith.constant 1.000000e+00 : f32
      %add3A_255 = vector.broadcast %add3A_254 : f32 to vector<16xf32>
      %add3A_256 = arith.addf %add3A_255, %mul3A_253 : vector<16xf32>
      %mul3A_257 = arith.mulf %mul3A_242, %add3A_256 : vector<16xf32>
      %convert_element_type3A_258 = arith.sitofp %add3A_232 : vector<16xi32> to vector<16xf32>
      %mul3A_259 = arith.constant 0.693147182 : f32
      %mul3A_260 = vector.broadcast %mul3A_259 : f32 to vector<16xf32>
      %mul3A_261 = arith.mulf %convert_element_type3A_258, %mul3A_260 : vector<16xf32>
      %add3A_262 = arith.addf %mul3A_261, %mul3A_257 : vector<16xf32>
      %add3A_263 = arith.constant -2.300000e+01 : f32
      %add3A_264 = vector.broadcast %add3A_263 : f32 to vector<16xf32>
      %add3A_265 = arith.addf %add3A_262, %add3A_264 : vector<16xf32>
      %mul3A_266 = arith.constant 178.08696 : f32
      %mul3A_267 = vector.broadcast %mul3A_266 : f32 to vector<16xf32>
      %mul3A_268 = arith.mulf %add3A_265, %mul3A_267 : vector<16xf32>
      %parallel_loop3A = arith.constant 0 : i32
      %parallel_loop3A_269 = arith.constant 2000 : i32
      %parallel_loop3A_270 = arith.constant 1 : i32
      scf.for %parallel_loop3A_453 = %parallel_loop3A to %parallel_loop3A_269 step %parallel_loop3A_270  : i32 {
        %parallel_loop3A_454 = arith.constant 16 : i32
        %parallel_loop3A_455 = arith.muli %parallel_loop3A_453, %parallel_loop3A_454 : i32
        %parallel_loop3A_456 = arith.index_cast %parallel_loop3A_455 : i32 to index
        %parallel_loop3A_457 = tpu.vector_load %arg6[%parallel_loop3A_456] {strides = array<i32>} : memref<32000xf32, #tpu.memory_space<vmem>>, vector<16xf32>,
        %parallel_loop3A_458 = arith.subf %parallel_loop3A_457, %add3A_262 : vector<16xf32>
        %parallel_loop3A_459 = math.exp %parallel_loop3A_458 : vector<16xf32>
        %parallel_loop3A_460 = arith.constant 1.000000e+00 : f32
        %parallel_loop3A_461 = vector.broadcast %parallel_loop3A_460 : f32 to vector<16xf32>
        %parallel_loop3A_462 = arith.mulf %parallel_loop3A_459, %parallel_loop3A_461 : vector<16xf32>
        %parallel_loop3A_463 = arith.constant 178.08696 : f32
        %parallel_loop3A_464 = vector.broadcast %parallel_loop3A_463 : f32 to vector<16xf32>
        %parallel_loop3A_465 = arith.mulf %parallel_loop3A_457, %parallel_loop3A_464 : vector<16xf32>
        %parallel_loop3A_466 = arith.subf %parallel_loop3A_465, %mul3A_268 : vector<16xf32>
        %parallel_loop3A_467 = arith.constant 0.000000e+00 : f32
        %parallel_loop3A_468 = arith.constant 4.095500e+03 : f32
        %parallel_loop3A_469 = vector.broadcast %parallel_loop3A_467 : f32 to vector<16xf32>
        %parallel_loop3A_470 = arith.maximumf %parallel_loop3A_469, %parallel_loop3A_466 : vector<16xf32>
        %parallel_loop3A_471 = vector.broadcast %parallel_loop3A_468 : f32 to vector<16xf32>
        %parallel_loop3A_472 = arith.minimumf %parallel_loop3A_471, %parallel_loop3A_470 : vector<16xf32>
        %parallel_loop3A_473 = arith.fptosi %parallel_loop3A_472 : vector<16xf32> to vector<16xi32>
        tpu.vector_store_idx %arg8[%parallel_loop3A_473], %broadcast_in_dim3A_149 {add = true} : memref<4096xf32, #tpu.memory_space<vmem>>[vector<16xi32>], vector<16xf32>,
        tpu.vector_store_idx %arg9[%parallel_loop3A_473], %parallel_loop3A_462 {add = true} : memref<4096xf32, #tpu.memory_space<vmem>>[vector<16xi32>], vector<16xf32>,
      } {sc.loop_unroll_factor = 16 : i64, sc.parallel_access}
      %add3A_271 = arith.constant 32 : i32
      %add3A_272 = arith.addi %add3A_112, %add3A_271 : i32
      %min3A_273 = arith.constant 1995 : i32
      %min3A_274 = arith.minsi %add3A_272, %min3A_273 : i32
      %ge3A_275 = arith.constant 948 : i32
      %ge3A_276 = arith.cmpi sge, %min3A_274, %ge3A_275 : i32
      %convert_element_type3A_277 = arith.extui %ge3A_276 : i1 to i32
      %mul3A_278 = arith.constant 948 : i32
      %mul3A_279 = arith.muli %convert_element_type3A_277, %mul3A_278 : i32
      %sub3A_280 = arith.subi %min3A_274, %mul3A_279 : i32
      %mul3A_281 = arith.constant 2048 : i32
      %mul3A_282 = arith.muli %convert_element_type3A_277, %mul3A_281 : i32
      %eq3A_283 = arith.constant 0 : i32
      %eq3A_284 = arith.cmpi eq, %convert_element_type3A_277, %eq3A_283 : i32
      %select_n3A_285 = arith.select %eq3A_284, %convert_element_type3A_7, %convert_element_type3A_19 : i32
      %add3A_286 = arith.addi %mul3A_282, %select_n3A_285 : i32
      %add3A_287 = arith.addi %add3A_286, %sub3A_280 : i32
      %mul3A_288 = arith.constant 2048 : i32
      %mul3A_289 = arith.muli %convert_element_type3A_277, %mul3A_288 : i32
      %eq3A_290 = arith.constant 0 : i32
      %eq3A_291 = arith.cmpi eq, %convert_element_type3A_277, %eq3A_290 : i32
      %select_n3A_292 = arith.select %eq3A_291, %convert_element_type3A_31, %convert_element_type3A_43 : i32
      %add3A_293 = arith.addi %mul3A_289, %select_n3A_292 : i32
      %add3A_294 = arith.addi %add3A_293, %sub3A_280 : i32
      %dma_start3A_295 = arith.constant 0 : i32
      %dma_start3A_296 = tpu.memref_slice %arg2[%add3A_287, %dma_start3A_295] : memref<4096x32000xf32, #tpu.memory_space<hbm>> -> memref<1x32000xf32, #tpu.memory_space<hbm>>
      %dma_start3A_297 = tpu.memref_squeeze %dma_start3A_296 : memref<1x32000xf32, #tpu.memory_space<hbm>> -> memref<32000xf32, #tpu.memory_space<hbm>>
      %dma_start3A_298 = arith.constant 0 : i32
      %dma_start3A_299 = tpu.memref_slice %arg2[%add3A_287, %dma_start3A_298] : memref<4096x32000xf32, #tpu.memory_space<hbm>> -> memref<1x32000xf32, #tpu.memory_space<hbm>>
      %dma_start3A_300 = tpu.memref_squeeze %dma_start3A_299 : memref<1x32000xf32, #tpu.memory_space<hbm>> -> memref<32000xf32, #tpu.memory_space<hbm>>
      tpu.enqueue_dma source(%dma_start3A_300 : memref<32000xf32, #tpu.memory_space<hbm>>) target(%arg6 : memref<32000xf32, #tpu.memory_space<vmem>>) target_semaphore(%arg12 : memref<!tpu.dma_semaphore, #tpu.memory_space<semaphore_mem>>)
      %dma_wait3A_301 = arith.constant 0 : i32
      %dma_wait3A_302 = arith.constant 0 : i32
      %dma_wait3A_303 = tpu.memref_slice %arg3[%dma_wait3A_301, %dma_wait3A_302] : memref<4096x32768xf32, #tpu.memory_space<hbm>> -> memref<1x32768xf32, #tpu.memory_space<hbm>>
      %dma_wait3A_304 = tpu.memref_squeeze %dma_wait3A_303 : memref<1x32768xf32, #tpu.memory_space<hbm>> -> memref<32768xf32, #tpu.memory_space<hbm>>
      %dma_wait3A_305 = arith.constant 0 : i32
      %dma_wait3A_306 = tpu.memref_slice %arg3[%dma_wait3A_301, %dma_wait3A_305] : memref<4096x32768xf32, #tpu.memory_space<hbm>> -> memref<1x32768xf32, #tpu.memory_space<hbm>>
      %dma_wait3A_307 = tpu.memref_squeeze %dma_wait3A_306 : memref<1x32768xf32, #tpu.memory_space<hbm>> -> memref<32768xf32, #tpu.memory_space<hbm>>
      tpu.wait_dma2 semaphore(%arg13 : memref<!tpu.dma_semaphore, #tpu.memory_space<semaphore_mem>>) src(%dma_wait3A_307 : memref<32768xf32, #tpu.memory_space<hbm>>) dst(%arg7 : memref<32768xf32, #tpu.memory_space<vmem>>)
      %broadcast_in_dim3A_308 = arith.constant -1.000000e+00 : f32
      %broadcast_in_dim3A_309 = vector.broadcast %broadcast_in_dim3A_308 : f32 to vector<16xf32>
      %broadcast_in_dim3A_310 = arith.constant 0.000000e+00 : f32
      %broadcast_in_dim3A_311 = vector.broadcast %broadcast_in_dim3A_310 : f32 to vector<16xf32>
      %broadcast_in_dim3A_312 = arith.constant 0.000000e+00 : f32
      %broadcast_in_dim3A_313 = vector.broadcast %broadcast_in_dim3A_312 : f32 to vector<16xf32>
      %broadcast_in_dim3A_314 = arith.constant 0.000000e+00 : f32
      %broadcast_in_dim3A_315 = vector.broadcast %broadcast_in_dim3A_314 : f32 to vector<16xf32>
      %broadcast_in_dim3A_316 = arith.constant 0.000000e+00 : f32
      %broadcast_in_dim3A_317 = vector.broadcast %broadcast_in_dim3A_316 : f32 to vector<16xf32>
      %broadcast_in_dim3A_318 = arith.constant 0.000000e+00 : f32
      %broadcast_in_dim3A_319 = vector.broadcast %broadcast_in_dim3A_318 : f32 to vector<16xf32>
      %broadcast_in_dim3A_320 = arith.constant 0.000000e+00 : f32
      %broadcast_in_dim3A_321 = vector.broadcast %broadcast_in_dim3A_320 : f32 to vector<16xf32>
      %broadcast_in_dim3A_322 = arith.constant 0.000000e+00 : f32
      %broadcast_in_dim3A_323 = vector.broadcast %broadcast_in_dim3A_322 : f32 to vector<16xf32>
      %broadcast_in_dim3A_324 = arith.constant 0.000000e+00 : f32
      %broadcast_in_dim3A_325 = vector.broadcast %broadcast_in_dim3A_324 : f32 to vector<16xf32>
      %broadcast_in_dim3A_326 = arith.constant 0.000000e+00 : f32
      %broadcast_in_dim3A_327 = vector.broadcast %broadcast_in_dim3A_326 : f32 to vector<16xf32>
      %broadcast_in_dim3A_328 = arith.constant 0.000000e+00 : f32
      %broadcast_in_dim3A_329 = vector.broadcast %broadcast_in_dim3A_328 : f32 to vector<16xf32>
      %broadcast_in_dim3A_330 = arith.constant 0.000000e+00 : f32
      %broadcast_in_dim3A_331 = vector.broadcast %broadcast_in_dim3A_330 : f32 to vector<16xf32>
      %broadcast_in_dim3A_332 = arith.constant 0.000000e+00 : f32
      %broadcast_in_dim3A_333 = vector.broadcast %broadcast_in_dim3A_332 : f32 to vector<16xf32>
      %broadcast_in_dim3A_334 = arith.constant 0.000000e+00 : f32
      %broadcast_in_dim3A_335 = vector.broadcast %broadcast_in_dim3A_334 : f32 to vector<16xf32>
      %broadcast_in_dim3A_336 = arith.constant 0.000000e+00 : f32
      %broadcast_in_dim3A_337 = vector.broadcast %broadcast_in_dim3A_336 : f32 to vector<16xf32>
      %broadcast_in_dim3A_338 = arith.constant 0.000000e+00 : f32
      %broadcast_in_dim3A_339 = vector.broadcast %broadcast_in_dim3A_338 : f32 to vector<16xf32>
      %broadcast_in_dim3A_340 = arith.constant 0.000000e+00 : f32
      %broadcast_in_dim3A_341 = vector.broadcast %broadcast_in_dim3A_340 : f32 to vector<16xf32>
      %scan3A_342 = arith.constant 0 : i32
      %scan3A_343 = arith.constant 128 : i32
      %scan3A_344 = arith.addi %scan3A_342, %scan3A_343 : i32
      %scan3A_345 = arith.constant 1 : i32
      %scan3A_346:16 = scf.for %scan3A_453 = %scan3A_342 to %scan3A_344 step %scan3A_345 iter_args(%scan3A_454 = %broadcast_in_dim3A_311, %scan3A_455 = %broadcast_in_dim3A_313, %scan3A_456 = %broadcast_in_dim3A_315, %scan3A_457 = %broadcast_in_dim3A_317, %scan3A_458 = %broadcast_in_dim3A_319, %scan3A_459 = %broadcast_in_dim3A_321, %scan3A_460 = %broadcast_in_dim3A_323, %scan3A_461 = %broadcast_in_dim3A_325, %scan3A_462 = %broadcast_in_dim3A_327, %scan3A_463 = %broadcast_in_dim3A_329, %scan3A_464 = %broadcast_in_dim3A_331, %scan3A_465 = %broadcast_in_dim3A_333, %scan3A_466 = %broadcast_in_dim3A_335, %scan3A_467 = %broadcast_in_dim3A_337, %scan3A_468 = %broadcast_in_dim3A_339, %scan3A_469 = %broadcast_in_dim3A_341) -> (vector<16xf32>, vector<16xf32>, vector<16xf32>, vector<16xf32>, vector<16xf32>, vector<16xf32>, vector<16xf32>, vector<16xf32>, vector<16xf32>, vector<16xf32>, vector<16xf32>, vector<16xf32>, vector<16xf32>, vector<16xf32>, vector<16xf32>, vector<16xf32>)  : i32 {
        %mul3A_470 = arith.constant 256 : i32
        %mul3A_471 = arith.muli %scan3A_453, %mul3A_470 : i32
        %add3A_472 = arith.constant 0 : i32
        %add3A_473 = arith.addi %mul3A_471, %add3A_472 : i32
        %get3A_474 = arith.index_cast %add3A_473 : i32 to index
        %get3A_475 = tpu.vector_load %arg7[%get3A_474] {strides = array<i32>} : memref<32768xf32, #tpu.memory_space<vmem>>, vector<16xf32>,
        %exp3A = math.exp %get3A_475 : vector<16xf32>
        %add3A_476 = arith.addf %scan3A_454, %exp3A : vector<16xf32>
        %add3A_477 = arith.constant 16 : i32
        %add3A_478 = arith.addi %mul3A_471, %add3A_477 : i32
        %get3A_479 = arith.index_cast %add3A_478 : i32 to index
        %get3A_480 = tpu.vector_load %arg7[%get3A_479] {strides = array<i32>} : memref<32768xf32, #tpu.memory_space<vmem>>, vector<16xf32>,
        %exp3A_481 = math.exp %get3A_480 : vector<16xf32>
        %add3A_482 = arith.addf %scan3A_455, %exp3A_481 : vector<16xf32>
        %add3A_483 = arith.constant 32 : i32
        %add3A_484 = arith.addi %mul3A_471, %add3A_483 : i32
        %get3A_485 = arith.index_cast %add3A_484 : i32 to index
        %get3A_486 = tpu.vector_load %arg7[%get3A_485] {strides = array<i32>} : memref<32768xf32, #tpu.memory_space<vmem>>, vector<16xf32>,
        %exp3A_487 = math.exp %get3A_486 : vector<16xf32>
        %add3A_488 = arith.addf %scan3A_456, %exp3A_487 : vector<16xf32>
        %add3A_489 = arith.constant 48 : i32
        %add3A_490 = arith.addi %mul3A_471, %add3A_489 : i32
        %get3A_491 = arith.index_cast %add3A_490 : i32 to index
        %get3A_492 = tpu.vector_load %arg7[%get3A_491] {strides = array<i32>} : memref<32768xf32, #tpu.memory_space<vmem>>, vector<16xf32>,
        %exp3A_493 = math.exp %get3A_492 : vector<16xf32>
        %add3A_494 = arith.addf %scan3A_457, %exp3A_493 : vector<16xf32>
        %add3A_495 = arith.constant 64 : i32
        %add3A_496 = arith.addi %mul3A_471, %add3A_495 : i32
        %get3A_497 = arith.index_cast %add3A_496 : i32 to index
        %get3A_498 = tpu.vector_load %arg7[%get3A_497] {strides = array<i32>} : memref<32768xf32, #tpu.memory_space<vmem>>, vector<16xf32>,
        %exp3A_499 = math.exp %get3A_498 : vector<16xf32>
        %add3A_500 = arith.addf %scan3A_458, %exp3A_499 : vector<16xf32>
        %add3A_501 = arith.constant 80 : i32
        %add3A_502 = arith.addi %mul3A_471, %add3A_501 : i32
        %get3A_503 = arith.index_cast %add3A_502 : i32 to index
        %get3A_504 = tpu.vector_load %arg7[%get3A_503] {strides = array<i32>} : memref<32768xf32, #tpu.memory_space<vmem>>, vector<16xf32>,
        %exp3A_505 = math.exp %get3A_504 : vector<16xf32>
        %add3A_506 = arith.addf %scan3A_459, %exp3A_505 : vector<16xf32>
        %add3A_507 = arith.constant 96 : i32
        %add3A_508 = arith.addi %mul3A_471, %add3A_507 : i32
        %get3A_509 = arith.index_cast %add3A_508 : i32 to index
        %get3A_510 = tpu.vector_load %arg7[%get3A_509] {strides = array<i32>} : memref<32768xf32, #tpu.memory_space<vmem>>, vector<16xf32>,
        %exp3A_511 = math.exp %get3A_510 : vector<16xf32>
        %add3A_512 = arith.addf %scan3A_460, %exp3A_511 : vector<16xf32>
        %add3A_513 = arith.constant 112 : i32
        %add3A_514 = arith.addi %mul3A_471, %add3A_513 : i32
        %get3A_515 = arith.index_cast %add3A_514 : i32 to index
        %get3A_516 = tpu.vector_load %arg7[%get3A_515] {strides = array<i32>} : memref<32768xf32, #tpu.memory_space<vmem>>, vector<16xf32>,
        %exp3A_517 = math.exp %get3A_516 : vector<16xf32>
        %add3A_518 = arith.addf %scan3A_461, %exp3A_517 : vector<16xf32>
        %add3A_519 = arith.constant 128 : i32
        %add3A_520 = arith.addi %mul3A_471, %add3A_519 : i32
        %get3A_521 = arith.index_cast %add3A_520 : i32 to index
        %get3A_522 = tpu.vector_load %arg7[%get3A_521] {strides = array<i32>} : memref<32768xf32, #tpu.memory_space<vmem>>, vector<16xf32>,
        %exp3A_523 = math.exp %get3A_522 : vector<16xf32>
        %add3A_524 = arith.addf %scan3A_462, %exp3A_523 : vector<16xf32>
        %add3A_525 = arith.constant 144 : i32
        %add3A_526 = arith.addi %mul3A_471, %add3A_525 : i32
        %get3A_527 = arith.index_cast %add3A_526 : i32 to index
        %get3A_528 = tpu.vector_load %arg7[%get3A_527] {strides = array<i32>} : memref<32768xf32, #tpu.memory_space<vmem>>, vector<16xf32>,
        %exp3A_529 = math.exp %get3A_528 : vector<16xf32>
        %add3A_530 = arith.addf %scan3A_463, %exp3A_529 : vector<16xf32>
        %add3A_531 = arith.constant 160 : i32
        %add3A_532 = arith.addi %mul3A_471, %add3A_531 : i32
        %get3A_533 = arith.index_cast %add3A_532 : i32 to index
        %get3A_534 = tpu.vector_load %arg7[%get3A_533] {strides = array<i32>} : memref<32768xf32, #tpu.memory_space<vmem>>, vector<16xf32>,
        %exp3A_535 = math.exp %get3A_534 : vector<16xf32>
        %add3A_536 = arith.addf %scan3A_464, %exp3A_535 : vector<16xf32>
        %add3A_537 = arith.constant 176 : i32
        %add3A_538 = arith.addi %mul3A_471, %add3A_537 : i32
        %get3A_539 = arith.index_cast %add3A_538 : i32 to index
        %get3A_540 = tpu.vector_load %arg7[%get3A_539] {strides = array<i32>} : memref<32768xf32, #tpu.memory_space<vmem>>, vector<16xf32>,
        %exp3A_541 = math.exp %get3A_540 : vector<16xf32>
        %add3A_542 = arith.addf %scan3A_465, %exp3A_541 : vector<16xf32>
        %add3A_543 = arith.constant 192 : i32
        %add3A_544 = arith.addi %mul3A_471, %add3A_543 : i32
        %get3A_545 = arith.index_cast %add3A_544 : i32 to index
        %get3A_546 = tpu.vector_load %arg7[%get3A_545] {strides = array<i32>} : memref<32768xf32, #tpu.memory_space<vmem>>, vector<16xf32>,
        %exp3A_547 = math.exp %get3A_546 : vector<16xf32>
        %add3A_548 = arith.addf %scan3A_466, %exp3A_547 : vector<16xf32>
        %add3A_549 = arith.constant 208 : i32
        %add3A_550 = arith.addi %mul3A_471, %add3A_549 : i32
        %get3A_551 = arith.index_cast %add3A_550 : i32 to index
        %get3A_552 = tpu.vector_load %arg7[%get3A_551] {strides = array<i32>} : memref<32768xf32, #tpu.memory_space<vmem>>, vector<16xf32>,
        %exp3A_553 = math.exp %get3A_552 : vector<16xf32>
        %add3A_554 = arith.addf %scan3A_467, %exp3A_553 : vector<16xf32>
        %add3A_555 = arith.constant 224 : i32
        %add3A_556 = arith.addi %mul3A_471, %add3A_555 : i32
        %get3A_557 = arith.index_cast %add3A_556 : i32 to index
        %get3A_558 = tpu.vector_load %arg7[%get3A_557] {strides = array<i32>} : memref<32768xf32, #tpu.memory_space<vmem>>, vector<16xf32>,
        %exp3A_559 = math.exp %get3A_558 : vector<16xf32>
        %add3A_560 = arith.addf %scan3A_468, %exp3A_559 : vector<16xf32>
        %add3A_561 = arith.constant 240 : i32
        %add3A_562 = arith.addi %mul3A_471, %add3A_561 : i32
        %get3A_563 = arith.index_cast %add3A_562 : i32 to index
        %get3A_564 = tpu.vector_load %arg7[%get3A_563] {strides = array<i32>} : memref<32768xf32, #tpu.memory_space<vmem>>, vector<16xf32>,
        %exp3A_565 = math.exp %get3A_564 : vector<16xf32>
        %add3A_566 = arith.addf %scan3A_469, %exp3A_565 : vector<16xf32>
        scf.yield %add3A_476, %add3A_482, %add3A_488, %add3A_494, %add3A_500, %add3A_506, %add3A_512, %add3A_518, %add3A_524, %add3A_530, %add3A_536, %add3A_542, %add3A_548, %add3A_554, %add3A_560, %add3A_566 : vector<16xf32>, vector<16xf32>, vector<16xf32>, vector<16xf32>, vector<16xf32>, vector<16xf32>, vector<16xf32>, vector<16xf32>, vector<16xf32>, vector<16xf32>, vector<16xf32>, vector<16xf32>, vector<16xf32>, vector<16xf32>, vector<16xf32>, vector<16xf32>
      }
      %scan3A_347 = arith.constant 128 : i32
      %add3A_348 = arith.addf %scan3A_346#0, %scan3A_346#1 : vector<16xf32>
      %add3A_349 = arith.addf %add3A_348, %scan3A_346#2 : vector<16xf32>
      %add3A_350 = arith.addf %add3A_349, %scan3A_346#3 : vector<16xf32>
      %add3A_351 = arith.addf %add3A_350, %scan3A_346#4 : vector<16xf32>
      %add3A_352 = arith.addf %add3A_351, %scan3A_346#5 : vector<16xf32>
      %add3A_353 = arith.addf %add3A_352, %scan3A_346#6 : vector<16xf32>
      %add3A_354 = arith.addf %add3A_353, %scan3A_346#7 : vector<16xf32>
      %add3A_355 = arith.addf %add3A_354, %scan3A_346#8 : vector<16xf32>
      %add3A_356 = arith.addf %add3A_355, %scan3A_346#9 : vector<16xf32>
      %add3A_357 = arith.addf %add3A_356, %scan3A_346#10 : vector<16xf32>
      %add3A_358 = arith.addf %add3A_357, %scan3A_346#11 : vector<16xf32>
      %add3A_359 = arith.addf %add3A_358, %scan3A_346#12 : vector<16xf32>
      %add3A_360 = arith.addf %add3A_359, %scan3A_346#13 : vector<16xf32>
      %add3A_361 = arith.addf %add3A_360, %scan3A_346#14 : vector<16xf32>
      %add3A_362 = arith.addf %add3A_361, %scan3A_346#15 : vector<16xf32>
      %reduce_sum3A_363 = arith.constant true
      %reduce_sum3A_364 = vector.broadcast %reduce_sum3A_363 : i1 to vector<16xi1>
      %reduce_sum3A_365 = tpu.scan <sum>, %add3A_362 masked %reduce_sum3A_364 : vector<16xf32>, vector<16xi1> -> vector<16xf32>
      %reduce_sum3A_366 = vector.extract %reduce_sum3A_365[15] : f32 from vector<16xf32>
      %broadcast_in_dim3A_367 = vector.broadcast %reduce_sum3A_366 : f32 to vector<16xf32>
      %bitcast3A_368 = vector.bitcast %broadcast_in_dim3A_367 : vector<16xf32> to vector<16xi32>
      %shift_right_arithmetic3A_369 = arith.constant 23 : i32
      %shift_right_arithmetic3A_370 = vector.broadcast %shift_right_arithmetic3A_369 : i32 to vector<16xi32>
      %shift_right_arithmetic3A_371 = arith.shrsi %bitcast3A_368, %shift_right_arithmetic3A_370 : vector<16xi32>
      %and3A_372 = arith.constant 255 : i32
      %and3A_373 = vector.broadcast %and3A_372 : i32 to vector<16xi32>
      %and3A_374 = arith.andi %shift_right_arithmetic3A_371, %and3A_373 : vector<16xi32>
      %sub3A_375 = arith.constant 127 : i32
      %sub3A_376 = vector.broadcast %sub3A_375 : i32 to vector<16xi32>
      %sub3A_377 = arith.subi %and3A_374, %sub3A_376 : vector<16xi32>
      %and3A_378 = arith.constant 8388607 : i32
      %and3A_379 = vector.broadcast %and3A_378 : i32 to vector<16xi32>
      %and3A_380 = arith.andi %bitcast3A_368, %and3A_379 : vector<16xi32>
      %or3A_381 = arith.constant 1065353216 : i32
      %or3A_382 = vector.broadcast %or3A_381 : i32 to vector<16xi32>
      %or3A_383 = arith.ori %and3A_380, %or3A_382 : vector<16xi32>
      %bitcast3A_384 = vector.bitcast %or3A_383 : vector<16xi32> to vector<16xf32>
      %gt3A_385 = arith.constant 1.41421354 : f32
      %gt3A_386 = vector.broadcast %gt3A_385 : f32 to vector<16xf32>
      %gt3A_387 = arith.cmpf ogt, %bitcast3A_384, %gt3A_386 : vector<16xf32>
      %mul3A_388 = arith.constant 5.000000e-01 : f32
      %mul3A_389 = vector.broadcast %mul3A_388 : f32 to vector<16xf32>
      %mul3A_390 = arith.mulf %bitcast3A_384, %mul3A_389 : vector<16xf32>
      %select_n3A_391 = arith.select %gt3A_387, %mul3A_390, %bitcast3A_384 : vector<16xi1>, vector<16xf32>
      %jit3A_392 = arith.constant 1 : i32
      %jit3A_393 = arith.constant 0 : i32
      %broadcast_in_dim3A_394 = vector.broadcast %jit3A_392 : i32 to vector<16xi32>
      %broadcast_in_dim3A_395 = vector.broadcast %jit3A_393 : i32 to vector<16xi32>
      %select_n3A_396 = arith.select %gt3A_387, %broadcast_in_dim3A_394, %broadcast_in_dim3A_395 : vector<16xi1>, vector<16xi32>
      %add3A_397 = arith.addi %sub3A_377, %select_n3A_396 : vector<16xi32>
      %sub3A_398 = arith.constant 1.000000e+00 : f32
      %sub3A_399 = vector.broadcast %sub3A_398 : f32 to vector<16xf32>
      %sub3A_400 = arith.subf %select_n3A_391, %sub3A_399 : vector<16xf32>
      %add3A_401 = arith.constant 1.000000e+00 : f32
      %add3A_402 = vector.broadcast %add3A_401 : f32 to vector<16xf32>
      %add3A_403 = arith.addf %select_n3A_391, %add3A_402 : vector<16xf32>
      %div3A_404 = arith.divf %sub3A_400, %add3A_403 : vector<16xf32>
      %mul3A_405 = arith.mulf %div3A_404, %div3A_404 : vector<16xf32>
      %mul3A_406 = arith.constant 2.000000e+00 : f32
      %mul3A_407 = vector.broadcast %mul3A_406 : f32 to vector<16xf32>
      %mul3A_408 = arith.mulf %mul3A_407, %div3A_404 : vector<16xf32>
      %mul3A_409 = arith.constant 0.142857149 : f32
      %mul3A_410 = vector.broadcast %mul3A_409 : f32 to vector<16xf32>
      %mul3A_411 = arith.mulf %mul3A_405, %mul3A_410 : vector<16xf32>
      %add3A_412 = arith.constant 2.000000e-01 : f32
      %add3A_413 = vector.broadcast %add3A_412 : f32 to vector<16xf32>
      %add3A_414 = arith.addf %add3A_413, %mul3A_411 : vector<16xf32>
      %mul3A_415 = arith.mulf %mul3A_405, %add3A_414 : vector<16xf32>
      %add3A_416 = arith.constant 0.333333343 : f32
      %add3A_417 = vector.broadcast %add3A_416 : f32 to vector<16xf32>
      %add3A_418 = arith.addf %add3A_417, %mul3A_415 : vector<16xf32>
      %mul3A_419 = arith.mulf %mul3A_405, %add3A_418 : vector<16xf32>
      %add3A_420 = arith.constant 1.000000e+00 : f32
      %add3A_421 = vector.broadcast %add3A_420 : f32 to vector<16xf32>
      %add3A_422 = arith.addf %add3A_421, %mul3A_419 : vector<16xf32>
      %mul3A_423 = arith.mulf %mul3A_408, %add3A_422 : vector<16xf32>
      %convert_element_type3A_424 = arith.sitofp %add3A_397 : vector<16xi32> to vector<16xf32>
      %mul3A_425 = arith.constant 0.693147182 : f32
      %mul3A_426 = vector.broadcast %mul3A_425 : f32 to vector<16xf32>
      %mul3A_427 = arith.mulf %convert_element_type3A_424, %mul3A_426 : vector<16xf32>
      %add3A_428 = arith.addf %mul3A_427, %mul3A_423 : vector<16xf32>
      %add3A_429 = arith.constant -2.300000e+01 : f32
      %add3A_430 = vector.broadcast %add3A_429 : f32 to vector<16xf32>
      %add3A_431 = arith.addf %add3A_428, %add3A_430 : vector<16xf32>
      %mul3A_432 = arith.constant 178.08696 : f32
      %mul3A_433 = vector.broadcast %mul3A_432 : f32 to vector<16xf32>
      %mul3A_434 = arith.mulf %add3A_431, %mul3A_433 : vector<16xf32>
      %parallel_loop3A_435 = arith.constant 0 : i32
      %parallel_loop3A_436 = arith.constant 2048 : i32
      %parallel_loop3A_437 = arith.constant 1 : i32
      scf.for %parallel_loop3A_453 = %parallel_loop3A_435 to %parallel_loop3A_436 step %parallel_loop3A_437  : i32 {
        %parallel_loop3A_454 = arith.constant 16 : i32
        %parallel_loop3A_455 = arith.muli %parallel_loop3A_453, %parallel_loop3A_454 : i32
        %parallel_loop3A_456 = arith.index_cast %parallel_loop3A_455 : i32 to index
        %parallel_loop3A_457 = tpu.vector_load %arg7[%parallel_loop3A_456] {strides = array<i32>} : memref<32768xf32, #tpu.memory_space<vmem>>, vector<16xf32>,
        %parallel_loop3A_458 = arith.subf %parallel_loop3A_457, %add3A_428 : vector<16xf32>
        %parallel_loop3A_459 = math.exp %parallel_loop3A_458 : vector<16xf32>
        %parallel_loop3A_460 = arith.constant -1.000000e+00 : f32
        %parallel_loop3A_461 = vector.broadcast %parallel_loop3A_460 : f32 to vector<16xf32>
        %parallel_loop3A_462 = arith.mulf %parallel_loop3A_459, %parallel_loop3A_461 : vector<16xf32>
        %parallel_loop3A_463 = arith.constant 178.08696 : f32
        %parallel_loop3A_464 = vector.broadcast %parallel_loop3A_463 : f32 to vector<16xf32>
        %parallel_loop3A_465 = arith.mulf %parallel_loop3A_457, %parallel_loop3A_464 : vector<16xf32>
        %parallel_loop3A_466 = arith.subf %parallel_loop3A_465, %mul3A_434 : vector<16xf32>
        %parallel_loop3A_467 = arith.constant 0.000000e+00 : f32
        %parallel_loop3A_468 = arith.constant 4.095500e+03 : f32
        %parallel_loop3A_469 = vector.broadcast %parallel_loop3A_467 : f32 to vector<16xf32>
        %parallel_loop3A_470 = arith.maximumf %parallel_loop3A_469, %parallel_loop3A_466 : vector<16xf32>
        %parallel_loop3A_471 = vector.broadcast %parallel_loop3A_468 : f32 to vector<16xf32>
        %parallel_loop3A_472 = arith.minimumf %parallel_loop3A_471, %parallel_loop3A_470 : vector<16xf32>
        %parallel_loop3A_473 = arith.fptosi %parallel_loop3A_472 : vector<16xf32> to vector<16xi32>
        tpu.vector_store_idx %arg8[%parallel_loop3A_473], %broadcast_in_dim3A_309 {add = true} : memref<4096xf32, #tpu.memory_space<vmem>>[vector<16xi32>], vector<16xf32>,
        tpu.vector_store_idx %arg9[%parallel_loop3A_473], %parallel_loop3A_462 {add = true} : memref<4096xf32, #tpu.memory_space<vmem>>[vector<16xi32>], vector<16xf32>,
      } {sc.loop_unroll_factor = 16 : i64, sc.parallel_access}
      %broadcast_in_dim3A_438 = arith.constant 0.000000e+00 : f32
      %broadcast_in_dim3A_439 = vector.broadcast %broadcast_in_dim3A_438 : f32 to vector<16xf32>
      %scan3A_440 = arith.constant 0.000000e+00 : f32
      %scan3A_441 = arith.constant 0 : i32
      %scan3A_442 = arith.constant 64 : i32
      %scan3A_443 = arith.addi %scan3A_441, %scan3A_442 : i32
      %scan3A_444 = arith.constant 1 : i32
      %scan3A_445:2 = scf.for %scan3A_453 = %scan3A_441 to %scan3A_443 step %scan3A_444 iter_args(%scan3A_454 = %scan3A_440, %scan3A_455 = %broadcast_in_dim3A_439) -> (f32, vector<16xf32>)  : i32 {
        %mul3A_456 = arith.constant 64 : i32
        %mul3A_457 = arith.muli %scan3A_453, %mul3A_456 : i32
        %add3A_458 = arith.constant 0 : i32
        %add3A_459 = arith.addi %mul3A_457, %add3A_458 : i32
        %get3A_460 = arith.index_cast %add3A_459 : i32 to index
        %get3A_461 = tpu.vector_load %arg8[%get3A_460] {strides = array<i32>} : memref<4096xf32, #tpu.memory_space<vmem>>, vector<16xf32>,
        %add3A_462 = arith.constant 0 : i32
        %add3A_463 = arith.addi %mul3A_457, %add3A_462 : i32
        %get3A_464 = arith.index_cast %add3A_463 : i32 to index
        %get3A_465 = tpu.vector_load %arg9[%get3A_464] {strides = array<i32>} : memref<4096xf32, #tpu.memory_space<vmem>>, vector<16xf32>,
        %add3A_466 = arith.constant 0 : i32
        %add3A_467 = arith.addi %mul3A_457, %add3A_466 : i32
        %swap3A_468 = arith.index_cast %add3A_467 : i32 to index
        %swap3A_469 = tpu.vector_load %arg8[%swap3A_468] {strides = array<i32>} : memref<4096xf32, #tpu.memory_space<vmem>>, vector<16xf32>,
        tpu.vector_store %arg8[%swap3A_468], %broadcast_in_dim3A_45 {strides = array<i32>} : memref<4096xf32, #tpu.memory_space<vmem>>, vector<16xf32>,
        %add3A_470 = arith.constant 0 : i32
        %add3A_471 = arith.addi %mul3A_457, %add3A_470 : i32
        %swap3A_472 = arith.index_cast %add3A_471 : i32 to index
        %swap3A_473 = tpu.vector_load %arg9[%swap3A_472] {strides = array<i32>} : memref<4096xf32, #tpu.memory_space<vmem>>, vector<16xf32>,
        tpu.vector_store %arg9[%swap3A_472], %broadcast_in_dim3A_45 {strides = array<i32>} : memref<4096xf32, #tpu.memory_space<vmem>>, vector<16xf32>,
        %add3A_474 = arith.constant 16 : i32
        %add3A_475 = arith.addi %mul3A_457, %add3A_474 : i32
        %get3A_476 = arith.index_cast %add3A_475 : i32 to index
        %get3A_477 = tpu.vector_load %arg8[%get3A_476] {strides = array<i32>} : memref<4096xf32, #tpu.memory_space<vmem>>, vector<16xf32>,
        %add3A_478 = arith.constant 16 : i32
        %add3A_479 = arith.addi %mul3A_457, %add3A_478 : i32
        %get3A_480 = arith.index_cast %add3A_479 : i32 to index
        %get3A_481 = tpu.vector_load %arg9[%get3A_480] {strides = array<i32>} : memref<4096xf32, #tpu.memory_space<vmem>>, vector<16xf32>,
        %add3A_482 = arith.constant 16 : i32
        %add3A_483 = arith.addi %mul3A_457, %add3A_482 : i32
        %swap3A_484 = arith.index_cast %add3A_483 : i32 to index
        %swap3A_485 = tpu.vector_load %arg8[%swap3A_484] {strides = array<i32>} : memref<4096xf32, #tpu.memory_space<vmem>>, vector<16xf32>,
        tpu.vector_store %arg8[%swap3A_484], %broadcast_in_dim3A_45 {strides = array<i32>} : memref<4096xf32, #tpu.memory_space<vmem>>, vector<16xf32>,
        %add3A_486 = arith.constant 16 : i32
        %add3A_487 = arith.addi %mul3A_457, %add3A_486 : i32
        %swap3A_488 = arith.index_cast %add3A_487 : i32 to index
        %swap3A_489 = tpu.vector_load %arg9[%swap3A_488] {strides = array<i32>} : memref<4096xf32, #tpu.memory_space<vmem>>, vector<16xf32>,
        tpu.vector_store %arg9[%swap3A_488], %broadcast_in_dim3A_45 {strides = array<i32>} : memref<4096xf32, #tpu.memory_space<vmem>>, vector<16xf32>,
        %add3A_490 = arith.constant 32 : i32
        %add3A_491 = arith.addi %mul3A_457, %add3A_490 : i32
        %get3A_492 = arith.index_cast %add3A_491 : i32 to index
        %get3A_493 = tpu.vector_load %arg8[%get3A_492] {strides = array<i32>} : memref<4096xf32, #tpu.memory_space<vmem>>, vector<16xf32>,
        %add3A_494 = arith.constant 32 : i32
        %add3A_495 = arith.addi %mul3A_457, %add3A_494 : i32
        %get3A_496 = arith.index_cast %add3A_495 : i32 to index
        %get3A_497 = tpu.vector_load %arg9[%get3A_496] {strides = array<i32>} : memref<4096xf32, #tpu.memory_space<vmem>>, vector<16xf32>,
        %add3A_498 = arith.constant 32 : i32
        %add3A_499 = arith.addi %mul3A_457, %add3A_498 : i32
        %swap3A_500 = arith.index_cast %add3A_499 : i32 to index
        %swap3A_501 = tpu.vector_load %arg8[%swap3A_500] {strides = array<i32>} : memref<4096xf32, #tpu.memory_space<vmem>>, vector<16xf32>,
        tpu.vector_store %arg8[%swap3A_500], %broadcast_in_dim3A_45 {strides = array<i32>} : memref<4096xf32, #tpu.memory_space<vmem>>, vector<16xf32>,
        %add3A_502 = arith.constant 32 : i32
        %add3A_503 = arith.addi %mul3A_457, %add3A_502 : i32
        %swap3A_504 = arith.index_cast %add3A_503 : i32 to index
        %swap3A_505 = tpu.vector_load %arg9[%swap3A_504] {strides = array<i32>} : memref<4096xf32, #tpu.memory_space<vmem>>, vector<16xf32>,
        tpu.vector_store %arg9[%swap3A_504], %broadcast_in_dim3A_45 {strides = array<i32>} : memref<4096xf32, #tpu.memory_space<vmem>>, vector<16xf32>,
        %add3A_506 = arith.constant 48 : i32
        %add3A_507 = arith.addi %mul3A_457, %add3A_506 : i32
        %get3A_508 = arith.index_cast %add3A_507 : i32 to index
        %get3A_509 = tpu.vector_load %arg8[%get3A_508] {strides = array<i32>} : memref<4096xf32, #tpu.memory_space<vmem>>, vector<16xf32>,
        %add3A_510 = arith.constant 48 : i32
        %add3A_511 = arith.addi %mul3A_457, %add3A_510 : i32
        %get3A_512 = arith.index_cast %add3A_511 : i32 to index
        %get3A_513 = tpu.vector_load %arg9[%get3A_512] {strides = array<i32>} : memref<4096xf32, #tpu.memory_space<vmem>>, vector<16xf32>,
        %add3A_514 = arith.constant 48 : i32
        %add3A_515 = arith.addi %mul3A_457, %add3A_514 : i32
        %swap3A_516 = arith.index_cast %add3A_515 : i32 to index
        %swap3A_517 = tpu.vector_load %arg8[%swap3A_516] {strides = array<i32>} : memref<4096xf32, #tpu.memory_space<vmem>>, vector<16xf32>,
        tpu.vector_store %arg8[%swap3A_516], %broadcast_in_dim3A_45 {strides = array<i32>} : memref<4096xf32, #tpu.memory_space<vmem>>, vector<16xf32>,
        %add3A_518 = arith.constant 48 : i32
        %add3A_519 = arith.addi %mul3A_457, %add3A_518 : i32
        %swap3A_520 = arith.index_cast %add3A_519 : i32 to index
        %swap3A_521 = tpu.vector_load %arg9[%swap3A_520] {strides = array<i32>} : memref<4096xf32, #tpu.memory_space<vmem>>, vector<16xf32>,
        tpu.vector_store %arg9[%swap3A_520], %broadcast_in_dim3A_45 {strides = array<i32>} : memref<4096xf32, #tpu.memory_space<vmem>>, vector<16xf32>,
        %broadcast_in_dim3A_522 = arith.constant true
        %broadcast_in_dim3A_523 = vector.broadcast %broadcast_in_dim3A_522 : i1 to vector<16xi1>
        %masked_cumsum3A = tpu.scan <sum>, %get3A_461 masked %broadcast_in_dim3A_523 : vector<16xf32>, vector<16xi1> -> vector<16xf32>
        %broadcast_in_dim3A_524 = arith.constant true
        %broadcast_in_dim3A_525 = vector.broadcast %broadcast_in_dim3A_524 : i1 to vector<16xi1>
        %masked_cumsum3A_526 = tpu.scan <sum>, %get3A_477 masked %broadcast_in_dim3A_525 : vector<16xf32>, vector<16xi1> -> vector<16xf32>
        %broadcast_in_dim3A_527 = arith.constant true
        %broadcast_in_dim3A_528 = vector.broadcast %broadcast_in_dim3A_527 : i1 to vector<16xi1>
        %masked_cumsum3A_529 = tpu.scan <sum>, %get3A_493 masked %broadcast_in_dim3A_528 : vector<16xf32>, vector<16xi1> -> vector<16xf32>
        %broadcast_in_dim3A_530 = arith.constant true
        %broadcast_in_dim3A_531 = vector.broadcast %broadcast_in_dim3A_530 : i1 to vector<16xi1>
        %masked_cumsum3A_532 = tpu.scan <sum>, %get3A_509 masked %broadcast_in_dim3A_531 : vector<16xf32>, vector<16xi1> -> vector<16xf32>
        %reduce_sum3A_533 = arith.constant true
        %reduce_sum3A_534 = vector.broadcast %reduce_sum3A_533 : i1 to vector<16xi1>
        %reduce_sum3A_535 = tpu.scan <sum>, %get3A_461 masked %reduce_sum3A_534 : vector<16xf32>, vector<16xi1> -> vector<16xf32>
        %reduce_sum3A_536 = vector.extract %reduce_sum3A_535[15] : f32 from vector<16xf32>
        %reduce_sum3A_537 = arith.constant true
        %reduce_sum3A_538 = vector.broadcast %reduce_sum3A_537 : i1 to vector<16xi1>
        %reduce_sum3A_539 = tpu.scan <sum>, %get3A_477 masked %reduce_sum3A_538 : vector<16xf32>, vector<16xi1> -> vector<16xf32>
        %reduce_sum3A_540 = vector.extract %reduce_sum3A_539[15] : f32 from vector<16xf32>
        %reduce_sum3A_541 = arith.constant true
        %reduce_sum3A_542 = vector.broadcast %reduce_sum3A_541 : i1 to vector<16xi1>
        %reduce_sum3A_543 = tpu.scan <sum>, %get3A_493 masked %reduce_sum3A_542 : vector<16xf32>, vector<16xi1> -> vector<16xf32>
        %reduce_sum3A_544 = vector.extract %reduce_sum3A_543[15] : f32 from vector<16xf32>
        %reduce_sum3A_545 = arith.constant true
        %reduce_sum3A_546 = vector.broadcast %reduce_sum3A_545 : i1 to vector<16xi1>
        %reduce_sum3A_547 = tpu.scan <sum>, %get3A_509 masked %reduce_sum3A_546 : vector<16xf32>, vector<16xi1> -> vector<16xf32>
        %reduce_sum3A_548 = vector.extract %reduce_sum3A_547[15] : f32 from vector<16xf32>
        %convert_element_type3A_549 = arith.sitofp %scan3A_453 : i32 to f32
        %mul3A_550 = arith.constant 3.593750e-01 : f32
        %mul3A_551 = arith.mulf %convert_element_type3A_549, %mul3A_550 : f32
        %add3A_552 = arith.constant -2.300000e+01 : f32
        %add3A_553 = arith.addf %add3A_552, %mul3A_551 : f32
        %sub3A_554 = arith.constant -7.680000e+02 : f32
        %sub3A_555 = arith.subf %sub3A_554, %scan3A_454 : f32
        %sub3A_556 = vector.broadcast %sub3A_555 : f32 to vector<16xf32>
        %sub3A_557 = arith.subf %sub3A_556, %masked_cumsum3A : vector<16xf32>
        %add3A_558 = arith.constant 0.000000e+00 : f32
        %add3A_559 = arith.addf %add3A_553, %add3A_558 : f32
        %add3A_560 = vector.broadcast %add3A_559 : f32 to vector<16xf32>
        %add3A_561 = arith.addf %add3A_560, %mul3A_49 : vector<16xf32>
        %exp3A = math.exp %add3A_561 : vector<16xf32>
        %mul3A_562 = arith.constant 0.00563102914 : f32
        %mul3A_563 = vector.broadcast %mul3A_562 : f32 to vector<16xf32>
        %mul3A_564 = arith.mulf %mul3A_563, %sub3A_557 : vector<16xf32>
        %sub3A_565 = arith.subf %mul3A_564, %get3A_461 : vector<16xf32>
        %mul3A_566 = arith.mulf %exp3A, %sub3A_565 : vector<16xf32>
        %add3A_567 = arith.addf %mul3A_566, %get3A_465 : vector<16xf32>
        %abs3A = math.absf %add3A_567 : vector<16xf32>
        %add3A_568 = arith.addf %scan3A_455, %abs3A : vector<16xf32>
        %add3A_569 = arith.addf %scan3A_454, %reduce_sum3A_536 : f32
        %sub3A_570 = arith.constant -7.680000e+02 : f32
        %sub3A_571 = arith.subf %sub3A_570, %add3A_569 : f32
        %sub3A_572 = vector.broadcast %sub3A_571 : f32 to vector<16xf32>
        %sub3A_573 = arith.subf %sub3A_572, %masked_cumsum3A_526 : vector<16xf32>
        %add3A_574 = arith.constant 0.08984375 : f32
        %add3A_575 = arith.addf %add3A_553, %add3A_574 : f32
        %add3A_576 = vector.broadcast %add3A_575 : f32 to vector<16xf32>
        %add3A_577 = arith.addf %add3A_576, %mul3A_49 : vector<16xf32>
        %exp3A_578 = math.exp %add3A_577 : vector<16xf32>
        %mul3A_579 = arith.constant 0.00563102914 : f32
        %mul3A_580 = vector.broadcast %mul3A_579 : f32 to vector<16xf32>
        %mul3A_581 = arith.mulf %mul3A_580, %sub3A_573 : vector<16xf32>
        %sub3A_582 = arith.subf %mul3A_581, %get3A_477 : vector<16xf32>
        %mul3A_583 = arith.mulf %exp3A_578, %sub3A_582 : vector<16xf32>
        %add3A_584 = arith.addf %mul3A_583, %get3A_481 : vector<16xf32>
        %abs3A_585 = math.absf %add3A_584 : vector<16xf32>
        %add3A_586 = arith.addf %add3A_568, %abs3A_585 : vector<16xf32>
        %add3A_587 = arith.addf %add3A_569, %reduce_sum3A_540 : f32
        %sub3A_588 = arith.constant -7.680000e+02 : f32
        %sub3A_589 = arith.subf %sub3A_588, %add3A_587 : f32
        %sub3A_590 = vector.broadcast %sub3A_589 : f32 to vector<16xf32>
        %sub3A_591 = arith.subf %sub3A_590, %masked_cumsum3A_529 : vector<16xf32>
        %add3A_592 = arith.constant 0.1796875 : f32
        %add3A_593 = arith.addf %add3A_553, %add3A_592 : f32
        %add3A_594 = vector.broadcast %add3A_593 : f32 to vector<16xf32>
        %add3A_595 = arith.addf %add3A_594, %mul3A_49 : vector<16xf32>
        %exp3A_596 = math.exp %add3A_595 : vector<16xf32>
        %mul3A_597 = arith.constant 0.00563102914 : f32
        %mul3A_598 = vector.broadcast %mul3A_597 : f32 to vector<16xf32>
        %mul3A_599 = arith.mulf %mul3A_598, %sub3A_591 : vector<16xf32>
        %sub3A_600 = arith.subf %mul3A_599, %get3A_493 : vector<16xf32>
        %mul3A_601 = arith.mulf %exp3A_596, %sub3A_600 : vector<16xf32>
        %add3A_602 = arith.addf %mul3A_601, %get3A_497 : vector<16xf32>
        %abs3A_603 = math.absf %add3A_602 : vector<16xf32>
        %add3A_604 = arith.addf %add3A_586, %abs3A_603 : vector<16xf32>
        %add3A_605 = arith.addf %add3A_587, %reduce_sum3A_544 : f32
        %sub3A_606 = arith.constant -7.680000e+02 : f32
        %sub3A_607 = arith.subf %sub3A_606, %add3A_605 : f32
        %sub3A_608 = vector.broadcast %sub3A_607 : f32 to vector<16xf32>
        %sub3A_609 = arith.subf %sub3A_608, %masked_cumsum3A_532 : vector<16xf32>
        %add3A_610 = arith.constant 0.26953125 : f32
        %add3A_611 = arith.addf %add3A_553, %add3A_610 : f32
        %add3A_612 = vector.broadcast %add3A_611 : f32 to vector<16xf32>
        %add3A_613 = arith.addf %add3A_612, %mul3A_49 : vector<16xf32>
        %exp3A_614 = math.exp %add3A_613 : vector<16xf32>
        %mul3A_615 = arith.constant 0.00563102914 : f32
        %mul3A_616 = vector.broadcast %mul3A_615 : f32 to vector<16xf32>
        %mul3A_617 = arith.mulf %mul3A_616, %sub3A_609 : vector<16xf32>
        %sub3A_618 = arith.subf %mul3A_617, %get3A_509 : vector<16xf32>
        %mul3A_619 = arith.mulf %exp3A_614, %sub3A_618 : vector<16xf32>
        %add3A_620 = arith.addf %mul3A_619, %get3A_513 : vector<16xf32>
        %abs3A_621 = math.absf %add3A_620 : vector<16xf32>
        %add3A_622 = arith.addf %add3A_604, %abs3A_621 : vector<16xf32>
        %add3A_623 = arith.addf %add3A_605, %reduce_sum3A_548 : f32
        scf.yield %add3A_623, %add3A_622 : f32, vector<16xf32>
      }
      %scan3A_446 = arith.constant 64 : i32
      %eq3A_447 = arith.constant 0 : i32
      %eq3A_448 = arith.cmpi eq, %convert_element_type3A_117, %eq3A_447 : i32
      %select_n3A_449 = arith.select %eq3A_448, %while3A, %while3A_87 : f32
      %mul3A_450 = vector.broadcast %select_n3A_449 : f32 to vector<16xf32>
      %mul3A_451 = arith.mulf %scan3A_445#1, %mul3A_450 : vector<16xf32>
      %add3A_452 = arith.addf %while3A_109, %mul3A_451 : vector<16xf32>
      scf.yield %add3A_452 : vector<16xf32>
    }
    %dma_wait3A = arith.constant 0 : i32
    %dma_wait3A_99 = arith.constant 0 : i32
    %dma_wait3A_100 = tpu.memref_slice %arg2[%dma_wait3A, %dma_wait3A_99] : memref<4096x32000xf32, #tpu.memory_space<hbm>> -> memref<1x32000xf32, #tpu.memory_space<hbm>>
    %dma_wait3A_101 = tpu.memref_squeeze %dma_wait3A_100 : memref<1x32000xf32, #tpu.memory_space<hbm>> -> memref<32000xf32, #tpu.memory_space<hbm>>
    %dma_wait3A_102 = arith.constant 0 : i32
    %dma_wait3A_103 = tpu.memref_slice %arg2[%dma_wait3A, %dma_wait3A_102] : memref<4096x32000xf32, #tpu.memory_space<hbm>> -> memref<1x32000xf32, #tpu.memory_space<hbm>>
    %dma_wait3A_104 = tpu.memref_squeeze %dma_wait3A_103 : memref<1x32000xf32, #tpu.memory_space<hbm>> -> memref<32000xf32, #tpu.memory_space<hbm>>
    tpu.wait_dma2 semaphore(%arg12 : memref<!tpu.dma_semaphore, #tpu.memory_space<semaphore_mem>>) src(%dma_wait3A_104 : memref<32000xf32, #tpu.memory_space<hbm>>) dst(%arg6 : memref<32000xf32, #tpu.memory_space<vmem>>)
    %swap3A = arith.constant 0 : index
    %swap3A_105 = tpu.vector_load %arg11[%swap3A] {strides = array<i32>} : memref<16xf32, #tpu.memory_space<vmem>>, vector<16xf32>,
    tpu.vector_store %arg11[%swap3A], %while3A_98 {strides = array<i32>} : memref<16xf32, #tpu.memory_space<vmem>>, vector<16xf32>,
    %mul3A_106 = arith.constant 16 : i32
    %mul3A_107 = arith.muli %add3A, %mul3A_106 : i32
    "tpu.region"() ({
      %run_scoped3A = tpu.sem_alloc : memref<!tpu.dma_semaphore, #tpu.memory_space<semaphore_mem>>
      %dma_start3A_108 = tpu.memref_slice %arg5[%mul3A_107] : memref<512xf32, #tpu.memory_space<hbm>> -> memref<16xf32, #tpu.memory_space<hbm>>
      %dma_start3A_109 = tpu.memref_slice %arg5[%mul3A_107] : memref<512xf32, #tpu.memory_space<hbm>> -> memref<16xf32, #tpu.memory_space<hbm>>
      tpu.enqueue_dma source(%arg11 : memref<16xf32, #tpu.memory_space<vmem>>) target(%dma_start3A_109 : memref<16xf32, #tpu.memory_space<hbm>>) target_semaphore(%run_scoped3A : memref<!tpu.dma_semaphore, #tpu.memory_space<semaphore_mem>>)
      %dma_wait3A_110 = tpu.memref_slice %arg5[%mul3A_107] : memref<512xf32, #tpu.memory_space<hbm>> -> memref<16xf32, #tpu.memory_space<hbm>>
      %dma_wait3A_111 = tpu.memref_slice %arg5[%mul3A_107] : memref<512xf32, #tpu.memory_space<hbm>> -> memref<16xf32, #tpu.memory_space<hbm>>
      tpu.wait_dma2 semaphore(%run_scoped3A : memref<!tpu.dma_semaphore, #tpu.memory_space<semaphore_mem>>) src(%arg11 : memref<16xf32, #tpu.memory_space<vmem>>) dst(%dma_wait3A_111 : memref<16xf32, #tpu.memory_space<hbm>>)
      tpu.yield
    }) : () -> ()
    return
  }
}

</mosaic_0001>

<sc_bundles>
// kernel: _distill.3.cloned.1.call-start
scs
__scs_entry_jumppad:
0x0: {  	(pc) =	sbr.rel $0x88, $3  }
0x1: {  	(tag) =	ssettag $0x0;
	lr =	simm.s32 $0x1  }
0x2: {  	[smem:$0x3F9E] =	sst lr;
	_ =	strace $0xD0000000  }
0x3: {  	_ = 	snop  }
0x4: {  	_ = 	snop  }
0x5: {  	_ = 	snop  }
0x6: {  	_ = 	snop  }
0x7: {  	_ = 	snop  }
__scs_overlays_trampoline_lowered:
0x8: {  	[smem:$0x3FAD] =	sst s0  }
0x9: {  	[smem:$0x3FAE] =	sst s1  }
0xa: {  	[smem:$0x3FAF] =	sst s2  }
0xb: {  	[smem:$0x3FB0] =	sst s3  }
0xc: {  	[smem:$0x3FB1] =	sst s4  }
0xd: {  	[smem:$0x3FB2] =	sst s5  }
0xe: {  	[smem:$0x3FB3] =	sst s6  }
0xf: {  	[smem:$0x3FB4] =	sst s7  }
0x10: {  	[smem:$0x3FB5] =	sst s8  }
0x11: {  	[smem:$0x3FB6] =	sst s9;
	s0 =	simm.s32 @!p0 $0x0  }
0x12: {  	s1 =	sld [smem:$0x3F9C];
	s0 =	simm.s32 @p0 $0x1  }
0x13: {  	[smem:$0x3FB7] =	sst s0;
	s0 =	simm.s32 @!p1 $0x0  }
0x14: {  	s2 =	sld [smem:$0x3F9B];
	s0 =	simm.s32 @p1 $0x1  }
0x15: {  	[smem:$0x3FB8] =	sst s0;
	s0 =	simm.s32 @!p2 $0x0  }
0x16: {  	s3 =	sld [smem:$0x3FDB];
	s0 =	simm.s32 @p2 $0x1  }
0x17: {  	s4 =	simm.s32 $0x1BF5;
	[smem:$0x3FBA] =	sst s0  }
0x18: {  	s0 =	sld [smem:$0x3F9D];
	_ =	swait.ge [sflag:s4], $0x0  }
0x19: {  	s7 =	sld [smem:$0x3F9E]  }
0x1a: {  	s8 =	sadd.s32 $0xFFFFE003, lr  }
0x1b: {  	s9 =	sadd.s32 $0xFFFFFEF7, lr;
	s5 =	simm.s32 $0xFFFFFFFF;
	p2 =	slt.u32 s8, $0xFFFFF086  }
0x1c: {  	p1 =	slt.u32 s9, $0xF7A;
	s5 =	simm.s32 @!p2 $0x0  }
0x1d: {  	s5 =	simm.s32 @p1 $0x1;
	p0 =	seq.s32 s7, s2  }
0x1e: {  	s7 =	smul.u32 @!p0 $0xF7A, s2;
	p2 =	seq.s32 @!p0 s5, $0x0  }
0x1f: {  	s9 =	smul.u32 $0xF7A, s1;
	s8 =	simm.s32 @!p0 $0x1BF5;
	p2 =	por !p2, p0  }
0x20: {  	[sflag:s8] =	ssyncset.s32 @!p0 $0xFFFFF086;
	s6 =	sadd.s32 @!p0 s3, s7;
	s7 =	simm.s32 @!p0 $0x108  }
0x21: {  	s3 =	sadd.s32 s3, s9;
	s6 =	sadd.s32 @!p0 $0x88, s6;
	s7 =	simm.s32 @p2 $0x1082  }
0x22: {  	[simem:s7], [sflag:s8] =	dma.local @!p0 [hbm:s6], $0xF7A  }
0x23: {  	s9 =	sor.u32 $0xD0000000, s2;
	s6 =	simm.s32 $0x108;
	_ =	swait.ge @!p0 [sflag:s8], $0x0  }
0x24: {  	s3 =	sadd.s32 $0x88, s3;
	s6 =	simm.s32 @!p1 $0x1082;
	[sflag:s4] =	ssyncset.s32 $0xFFFFF086  }
0x25: {  	[simem:s6], [sflag:s4] =	dma.local [hbm:s3], $0xF7A  }
0x26: {  	[smem:$0x3F9E] =	sst s1;
	(tag) =	ssettag s2;
	_ =	strace s9  }
0x27: {  	s1 =	sld [smem:$0x3FAE]  }
0x28: {  	s2 =	sld [smem:$0x3FAF]  }
0x29: {  	s4 =	sld [smem:$0x3FB1]  }
0x2a: {  	p0 =	seq.s32 s5, $0x0;
	s5 =	sld [smem:$0x3FB2]  }
0x2b: {  	s6 =	sld [smem:$0x3FB3]  }
0x2c: {  	s7 =	sld [smem:$0x3FB4]  }
0x2d: {  	s3 =	simm.s32 $0x108;
	s8 =	sld [smem:$0x3FB5]  }
0x2e: {  	s3 =	simm.s32 @!p0 $0x1082;
	s9 =	sld [smem:$0x3FB6]  }
0x2f: {  	lr =	sadd.s32 s0, s3;
	s0 =	sld [smem:$0x3FAD]  }
0x30: {  	s3 =	sld [smem:$0x3FB0]  }
0x31: {  	[smem:$0x3FB9] =	sst s10  }
0x32: {  	s10 =	sld [smem:$0x3FB7];
	_ =	sdelay $0x3  }
0x33: {  	p0 =	seq.s32 s10, $0x1;
	s10 =	sld [smem:$0x3FB9];
	_ =	sdelay $0x3  }
0x34: {  	[smem:$0x3FB9] =	sst s10  }
0x35: {  	s10 =	sld [smem:$0x3FB8];
	_ =	sdelay $0x3  }
0x36: {  	p1 =	seq.s32 s10, $0x1;
	s10 =	sld [smem:$0x3FB9];
	_ =	sdelay $0x3  }
0x37: {  	[smem:$0x3FB9] =	sst s10  }
0x38: {  	s10 =	sld [smem:$0x3FBA]  }
0x39: {  	_ = 	snop;
	(pc) =	sbr.ind lr, $3  }
0x3a: {  	_ = 	snop  }
0x3b: {  	_ = 	snop  }
0x3c: {  	p2 =	seq.s32 s10, $0x1;
	s10 =	sld [smem:$0x3FB9]  }
0x3d: {  	_ =	shalt  }
0x3e: {  	_ =	shalt  }
0x3f: {  	_ =	shalt  }
0x40: {  	_ =	shalt  }
0x41: {  	_ =	shalt  }
0x42: {  	_ =	shalt  }
0x43: {  	_ =	shalt  }
0x44: {  	_ =	shalt  }
0x45: {  	_ =	shalt  }
0x46: {  	_ =	shalt  }
0x47: {  	_ =	shalt  }
0x48: {  	_ =	shalt  }
0x49: {  	_ =	shalt  }
0x4a: {  	_ =	shalt  }
0x4b: {  	_ =	shalt  }
0x4c: {  	_ =	shalt  }
0x4d: {  	_ =	shalt  }
0x4e: {  	_ =	shalt  }
0x4f: {  	_ =	shalt  }
0x50: {  	_ =	shalt  }
0x51: {  	_ =	shalt  }
0x52: {  	_ =	shalt  }
0x53: {  	_ =	shalt  }
0x54: {  	_ =	shalt  }
0x55: {  	_ =	shalt  }
0x56: {  	_ =	shalt  }
0x57: {  	_ =	shalt  }
0x58: {  	_ =	shalt  }
0x59: {  	_ =	shalt  }
0x5a: {  	_ =	shalt  }
0x5b: {  	_ =	shalt  }
0x5c: {  	_ =	shalt  }
0x5d: {  	_ =	shalt  }
0x5e: {  	_ =	shalt  }
0x5f: {  	_ =	shalt  }
0x60: {  	_ =	shalt  }
0x61: {  	_ =	shalt  }
0x62: {  	_ =	shalt  }
0x63: {  	_ =	shalt  }
0x64: {  	_ =	shalt  }
0x65: {  	_ =	shalt  }
0x66: {  	_ =	shalt  }
0x67: {  	_ =	shalt  }
0x68: {  	_ =	shalt  }
0x69: {  	_ =	shalt  }
0x6a: {  	_ =	shalt  }
0x6b: {  	_ =	shalt  }
0x6c: {  	_ =	shalt  }
0x6d: {  	_ =	shalt  }
0x6e: {  	_ =	shalt  }
0x6f: {  	_ =	shalt  }
0x70: {  	_ =	shalt  }
0x71: {  	_ =	shalt  }
0x72: {  	_ =	shalt  }
0x73: {  	_ =	shalt  }
0x74: {  	_ =	shalt  }
0x75: {  	_ =	shalt  }
0x76: {  	_ =	shalt  }
0x77: {  	_ =	shalt  }
0x78: {  	_ =	shalt  }
0x79: {  	_ =	shalt  }
0x7a: {  	_ =	shalt  }
0x7b: {  	_ =	shalt  }
0x7c: {  	_ =	shalt  }
0x7d: {  	_ =	shalt  }
0x7e: {  	_ =	shalt  }
0x7f: {  	_ =	shalt  }
0x80: {  	_ =	shalt  }
0x81: {  	_ =	shalt  }
0x82: {  	_ =	shalt  }
0x83: {  	_ =	shalt  }
0x84: {  	_ =	shalt  }
0x85: {  	_ =	shalt  }
0x86: {  	_ =	shalt  }
0x87: {  	_ =	shalt  }
.Lfunc_end0:
.L_simem_size_0:
called_computation_lowered:
.L_overlay_start_0:
0x88: {  	s2 =	sld [smem:$0x3FD9]  }
0x89: {  	s3 =	sld [smem:$0x3FFE];
	_ =	sdelay $0x1  }
0x8a: {  	s1 =	srdreg.scid  }
0x8b: {  	s0 =	sand.u32 $0x1, s1  }
0x8c: {  	s18 =	sshll.u32 s0, $0xA;
	s2 =	sadd.s32 s3, s2  }
0x8d: {  	s2 =	sadd.s32 s2, s18  }
0x8e: {  	[smem:$0x3FC5] =	sst s2  }
0x8f: {  	_ = 	snop  }
0x90: {  	s2 =	sld [smem:$0x3FC9]  }
0x91: {  	s19 =	sld [smem:$0x3FC8]  }
0x92: {  	s4 =	sld [smem:$0x3FC7]  }
0x93: {  	s5 =	sld [smem:$0x3FD0];
	(tm) =	ssettm $0x1  }
0x94: {  	s6 =	sld [smem:$0x3FFB];
	_ =	sdelay $0x3  }
0x95: {  	_ =	strace s6  }
0x96: {  	s6 =	sld [smem:$0x3FFC];
	_ =	sdelay $0x3  }
0x97: {  	_ =	strace s6  }
0x98: {  	s6 =	sld [smem:$0x3FFD];
	_ =	sdelay $0x3  }
0x99: {  	_ =	strace s6  }
0x9a: {  	_ =	strace $0x8FFFFFFF  }
0x9b: {  	s20 =	sld [smem:$0x3FDB];
	_ =	sdelay $0x1  }
0x9c: {  	s7 =	simm.s32 $_scs_section_size  }
0x9d: {  	s8 =	simm.s32 $_size__tile_overlayer_lowered;
	s9 =	simm.s32 $_tile_overlayer_lowered  }
0x9e: {  	s23 =	simm.s32 $0x1BFF;
	s22 =	sshll.u32 s9, $0x1;
	s6 =	sadd.s32 s7, s20  }
0x9f: {  	s10 =	simm.s32 $0x0;
	s21 =	sshll.u32 s8, $0x1;
	s8 =	sadd.s32 s22, s6  }
0xa0: {  	[timem:s10], [sflag:s23] =	dma.local [hbm:s8], s21  }
0xa1: {  	_ =	swait.ge [sflag:s23], s21  }
0xa2: {  	s7 =	ssub.s32 $0x0, s21;
	[sflag:s23] =	ssyncset.done $0x0  }
0xa3: {  	[sflag:s23] =	ssyncadd.s32 s7;
	_ =	sdelay $0x1  }
0xa4: {  	s24 =	simm.s32 $0x1B8B  }
0xa5: {  	_ =	swait.ge [sflag:s24], $0x1  }
0xa6: {  	[sflag:s24] =	ssyncset.done $0x0  }
0xa7: {  	s25 =	simm.s32 $0x1B8E;
	[sflag:s24] =	ssyncadd.s32 $0xFFFFFFFF  }
0xa8: {  	s26 =	simm.s32 $execute0_lowered;
	[smem:$0x3FD2] =	sst s25  }
0xa9: {  	s7 =	sshll.u32 s26, $0x1;
	_ =	strace $0x80000046;
	[dreg:$0x1] =	wrdreg $0xFFFFFFFF  }
0xaa: {  	s28 =	simm.s32 $_size_execute0_lowered;
	s6 =	sadd.s32 s6, s7;
	[dreg:$0x0] =	wrdreg $0x0  }
0xab: {  	s7 =	sshll.u32 s28, $0x1;
	[dreg:$0x2] =	wrdreg s6  }
0xac: {  	[dreg:$0x3] =	wrdreg s7  }
0xad: {  	[dreg:$0x4] =	wrdreg $0xC0  }
0xae: {  	_ =	task [dreg:s10], $0x5FFFF  }
0xaf: {  	[dreg:$0x1] =	wrdreg $0xFFFFFFFF  }
0xb0: {  	[dreg:$0x0] =	wrdreg $0x60  }
0xb1: {  	[dreg:$0x2] =	wrdreg s2  }
0xb2: {  	[dreg:$0x3] =	wrdreg s19  }
0xb3: {  	[dreg:$0x4] =	wrdreg s4  }
0xb4: {  	[dreg:$0x5] =	wrdreg s5  }
0xb5: {  	[dreg:$0x6] =	wrdreg $0x9  }
0xb6: {  	_ =	task.clear_ibuf [dreg:s10], $0x7FFFF;
	_ =	strace $0x90000046  }
0xb7: {  	s29 =	simm.s32 $0x9;
	_ =	strace $0x80000048  }
0xb8: {  	_ =	swait.ge [sflag:s29], $0x1  }
0xb9: {  	[sflag:s29] =	ssyncadd.s32 $0xFFFFFFFF  }
0xba: {  	_ =	strace $0x90000048  }
0xbb: {  	_ =	sfence  }
0xbc: {  	s30 =	sld [smem:$0x0];
	_ =	sdelay $0x2  }
0xbd: {  	s31 =	sshll.u32 s1, $0xD;
	s1 =	sshrl.u32 s1, $0x2  }
0xbe: {  	s3 =	sand.u32 $0x4000, s31;
	s1 =	sadd.s32 s1, s30  }
0xbf: {  	s0 =	sor.u32 s3, s0;
	s1 =	sshll.u32 s1, $0x11  }
0xc0: {  	s0 =	sor.u32 s1, s0  }
0xc1: {  	s0 =	sadd.s32 $0x8F2B, s0  }
0xc2: {  	[sflag:s0] =	ssyncadd.remote.s32 $0x1  }
0xc3: {  	_ =	sfence.sel $0xFFFF  }
0xc4: {  	[dreg:$0x0] =	wrdreg $0xFFFFFFFF;
	(pc) =	sbr.abs _section_cstart, $3  }
0xc5: {  	[dreg:$0x1] =	wrdreg $0xFFFFFFFF  }
0xc6: {  	_ =	task.clear_ibuf [dreg:s10], $0x2FFFF;
	_ =	strace $0x9FFFFFFF  }
0xc7: {  	(tm) =	ssettm $0x7FFFFFFF  }
tec
execute0_lowered:
.L_overlay_start_1:
0x0: {  	(tag) =	ssettag $0x1  }
0x1: {  	v0 =	vimm.f32 $8.422851560e-02;
	vm0 =	vcmask $0x300  }
0x2: {  	v0 =	vsel vm0, $0x0, v0;
	vm0 =	vcmask $0x704  }
0x3: {  	v0 =	vsel vm0, $0x3BB80000, v0;
	vm0 =	vcmask $0xB08  }
0x4: {  	v0 =	vsel vm0, $0x3C380000, v0;
	vm0 =	vcmask $0xF0C  }
0x5: {  	v0 =	vsel vm0, $0x3C8A0000, v0;
	vm0 =	vcmask $0x1310  }
0x6: {  	s0 =	rddreg [dreg:$0x0];
	v0 =	vsel vm0, $0x3CB80000, v0;
	vm0 =	vcmask $0x1714  }
0x7: {  	s1 =	rddreg [dreg:$0x1];
	v0 =	vsel vm0, $0x3CE60000, v0;
	vm0 =	vcmask $0x1B18  }
0x8: {  	s2 =	rddreg [dreg:$0x3];
	s3 =	srdreg.scid;
	s5 =	simm.s32 $0x0;
	v0 =	vsel vm0, $0x3D0A0000, v0;
	vm0 =	vcmask $0x1F1C  }
0x9: {  	s7 =	stileid.u32;
	s11 =	simm.s32 $0x3;
	s12 =	simm.s32 $0x80;
	v1 =	vsel vm0, $0x3D210000, v0;
	vm0 =	vcmask $0x2320  }
0xa: {  	vm1 =	vcmask $0x2724;
	vm2 =	vcmask $0x2B28;
	s13 =	simm.s32 $0x400;
	s14 =	simm.s32 $0x7D00;
	s15 =	simm.s32 $0x1;
	v1 =	vsel vm0, $0x3D380000, v1  }
0xb: {  	vm3 =	vcmask $0x2F2C;
	vm4 =	vcmask $0x3330;
	s16 =	simm.s32 $0xFD00;
	s17 =	simm.s32 $0x10D00;
	s18 =	simm.s32 $0x2;
	v1 =	vsel vm1, $0x3D4F0000, v1  }
0xc: {  	v3 =	vimm.f32 $-1.000000000e+00;
	s20 =	simm.s32 $0x0;
	s3 =	sand.u32 $0x1, s3;
	[smem:$0x7FF] =	sst s5;
	v0 =	vimm.f32 $0.0e+00;
	v1 =	vsel vm2, $0x3D660000, v1  }
0xd: {  	s6 =	sshll.u32 s7, $0x1;
	p0 =	slt.u32 s7, $0x6;
	s4 =	ssub.s32 $0x2, s3;
	vm0 =	vmmov $0x1;
	vm1 =	vcmask $0x308;
	v1 =	vsel vm3, $0x3D7D0000, v1  }
0xe: {  	s7 =	simm.s32 $0x3F;
	s6 =	sor.u32 s3, s6;
	s8 =	sshrl.u32 s4, $0x1;
	vm2 =	vcmask $0x70C;
	v2 =	vsel vm4, $0x3D8A0000, v1;
	vm4 =	vcmask $0x3734  }
0xf: {  	_ =	strace $0x80000047;
	s3 =	sshll.u32 s6, $0x1;
	s4 =	ssub.s32 s4, s8;
	vm3 =	vcmask $0xB10;
	v4 =	vsel vm4, $0x3D958000, v2;
	vm4 =	vcmask $0x3B38  }
0x10: {  	s7 =	simm.s32 @!p0 $0x3E;
	s8 =	sadd.s32 s2, s3;
	s9 =	smax.u32 s4, $0x1;
	v1 =	vimm.s32 $0x0;
	v2 =	vimm.f32 $1.000000000e+00;
	v4 =	vsel vm4, $0x3DA10000, v4  }
.LBB2_1:
0x11: {  	s2 =	rddreg [dreg:$0x2];
	s3 =	simm.s32 $0x11D00  }
0x12: {  	[tilespmem:s3], [sflag:$0x3] =	stream.linear.gather [hbm4b:s2+s5], $0x80, $0x38;
	[tilespmem:$0x11E00] =	vst v63  }
0x13: {  	_ =	swait.ge [sflag:s11], $0x80  }
0x14: {  	[sflag:s11] =	ssyncset.done $0x0  }
0x15: {  	[sflag:s11] =	ssyncadd.s32 $0xFFFFFF80  }
0x16: {  	s22 =	simm.s32 $0x0;
	s2 =	simm.s32 $0x100;
	v5 =	vld [tilespmem:$0x11D00]  }
.LBB2_2:
0x17: {  	p0 =	sne.s32 s2, $0x3F00;
	[tilespmem:s22+$0x10D30] =	vst v0  }
0x18: {  	[tilespmem:s22+$0xFD00] =	vst v0  }
0x19: {  	[tilespmem:s22+$0x10D00] =	vst v0  }
.Ltmp0:
0x1a: {  	[tilespmem:s22+$0xFD10] =	vst v0;
	(pc) =	sbr.rel @p0 .LBB2_2-.Ltmp0, $4  }
0x1b: {  	[tilespmem:s22+$0x10D10] =	vst v0  }
0x1c: {  	[tilespmem:s22+$0xFD20] =	vst v0  }
0x1d: {  	[tilespmem:s22+$0x10D20] =	vst v0  }
0x1e: {  	[tilespmem:s22+$0xFD30] =	vst v0;
	s22 =	sshra.s32 s2, $0x2;
	s2 =	sadd.s32 $0x100, s2  }
0x1f: {  	v5 =	vcvt.s32.f32 v5;
	_ =	sdelay $0x1  }
0x20: {  	v6 =	vnsel vm0, $0x0, v5  }
0x21: {  	(xrf2) =	vadd.scan.msk.f32 $0xffff, v6;
	_ =	sdelay $0x6  }
0x22: {  	v6 =	vsel vm1, $0x0, v5  }
0x23: {  	(xrf2) =	vadd.scan.msk.f32 $0xffff, v6;
	_ =	sdelay $0x1  }
0x24: {  	v7 =	vsel vm2, $0x0, v5;
	v6, _, _ =	vpop (xrf2)  }
0x25: {  	v5 =	vsel vm3, $0x0, v5;
	(xrf2) =	vadd.scan.msk.f32 $0xffff, v7;
	(v2sf) =	vpush v6, $0xF  }
0x26: {  	(xrf2) =	vadd.scan.msk.f32 $0xffff, v5;
	_ =	sdelay $0x5  }
0x27: {  	v5, _, _ =	vpop (xrf2)  }
0x28: {  	(v2sf) =	vpush v5, $0xF;
	_ =	sdelay $0x1  }
0x29: {  	v5, _, _ =	vpop (xrf2)  }
0x2a: {  	(v2sf) =	vpush v5, $0xF;
	v5, _, _ =	vpop (xrf2)  }
0x2b: {  	(v2sf) =	vpush v5, $0xF;
	_ =	sdelay $0x2  }
0x2c: {  	s2 =	spop (v2sf)  }
0x2d: {  	s21 =	scvt.f32.s32 s2  }
0x2e: {  	[tilespmem:s22+$0x10D30] =	vst v0  }
0x2f: {  	[tilespmem:s22+$0xFD00] =	vst v0;
	s2 =	sadd.s32 s21, s6  }
0x30: {  	[tilespmem:s22+$0x10D00] =	vst v0;
	s3 =	sshrl.u32 s2, $0x3  }
0x31: {  	[tilespmem:s22+$0xFD10] =	vst v0;
	s2 =	sshll.u32 s2, $0x7;
	s3 =	smul.u32 $0x3E800, s3  }
0x32: {  	[tilespmem:s22+$0x10D10] =	vst v0;
	s2 =	sand.u32 $0x380, s2  }
0x33: {  	[tilespmem:s22+$0xFD20] =	vst v0;
	s2 =	sor.u32 s2, s3  }
0x34: {  	[tilespmem:s22+$0x10D20] =	vst v0;
	s31 =	spop (v2sf);
	s2 =	sshrl.u32 s2, $0x3  }
0x35: {  	[tilespmem:s22+$0xFD30] =	vst v0;
	s22 =	simm.s32 $0x0;
	s3 =	scvt.f32.s32 s31;
	s2 =	sadd.s32 s0, s2  }
0x36: {  	[tilespmem:s22], [sflag:$0x1] =	stream.strided.gather [hbm4b:s2+s12], $0x7D00, s13, s12, $0x38;
	[tilespmem:$0x11E00] =	vst v63  }
0x37: {  	s23 =	spop (v2sf)  }
0x38: {  	v6 =	vimm.f32 $0.0e+00;
	v5 =	vimm.f32 $0.0e+00;
	s25 =	sadd.s32 $0x800, s3;
	s24 =	spop (v2sf)  }
.LBB2_4:
0x39: {  	s2 =	sshll.u32 s22, $0x5;
	s3 =	simm.s32 $0x0  }
0x3a: {  	s28 =	simm.s32 $0x0;
	s26 =	sor.u32 s6, s2;
	s2 =	smov.u32 s24  }
0x3b: {  	p0 =	slt.u32 s26, $0x3B4;
	p1 =	slt.s32 s26, $0x7CB;
	s4 =	smov.u32 s26  }
0x3c: {  	s2 =	smov.u32 @p0 s23;
	s3 =	simm.s32 @!p0 $0xFFFFFC4C;
	s4 =	simm.s32 @!p1 $0x7CB  }
0x3d: {  	s28 =	simm.s32 @!p0 $0x800;
	s2 =	scvt.f32.s32 s2;
	s3 =	sadd.s32 s4, s3  }
0x3e: {  	s3 =	sadd.s32 s28, s3  }
0x3f: {  	s2 =	sadd.s32 s2, s3  }
0x40: {  	s3 =	sshll.u32 s2, $0xF;
	s2 =	sshll.u32 s2, $0x7  }
0x41: {  	s3 =	sand.u32 $0xFFFC0000, s3;
	s2 =	sand.u32 $0x380, s2  }
0x42: {  	s2 =	sor.u32 s2, s3  }
0x43: {  	s2 =	sshrl.u32 s2, $0x3  }
0x44: {  	s2 =	sadd.s32 s1, s2  }
0x45: {  	[tilespmem:s14], [sflag:$0x2] =	stream.strided.gather [hbm4b:s2+s12], $0x8000, s13, s12, $0x38;
	[tilespmem:$0x11E00] =	vst v63  }
0x46: {  	_ =	swait.ge [sflag:s15], $0x7D00  }
0x47: {  	[sflag:s15] =	ssyncset.done $0x0  }
0x48: {  	s31 =	simm.s32 $0x0;
	[sflag:s15] =	ssyncadd.s32 $0xFFFF8300  }
0x49: {  	v7 =	vld [tilespmem:s31+$0xF0]  }
0x4a: {  	v8 =	vld [tilespmem:s31+$0x0]  }
0x4b: {  	v9 =	vld [tilespmem:s31+$0x10]  }
0x4c: {  	v10 =	vld [tilespmem:s31+$0x20]  }
0x4d: {  	v11 =	vld [tilespmem:s31+$0x30]  }
0x4e: {  	v12 =	vld [tilespmem:s31+$0x40]  }
0x4f: {  	v13 =	vld [tilespmem:s31+$0x50];
	v7 =	vmul.f32 $1.442695020e+00, v7  }
0x50: {  	v14 =	vld [tilespmem:s31+$0x60];
	v8 =	vmul.f32 $1.442695020e+00, v8;
	v9 =	vmul.f32 $1.442695020e+00, v9  }
0x51: {  	(erf) = vpow2.f32 v7;
	v7 =	vmul.f32 $1.442695020e+00, v10;
	v10 =	vld [tilespmem:s31+$0x70]  }
0x52: {  	(erf) = vpow2.f32 v8;
	v8 =	vmul.f32 $1.442695020e+00, v11;
	v11 =	vld [tilespmem:s31+$0x80]  }
0x53: {  	(erf) = vpow2.f32 v9;
	v9 =	vmul.f32 $1.442695020e+00, v12  }
0x54: {  	v12 =	vld [tilespmem:s31+$0x90];
	(erf) = vpow2.f32 v7;
	v7 =	vmul.f32 $1.442695020e+00, v13  }
0x55: {  	v13 =	vld [tilespmem:s31+$0xA0];
	(erf) = vpow2.f32 v8;
	v8 =	vmul.f32 $1.442695020e+00, v14  }
0x56: {  	v14 =	vld [tilespmem:s31+$0xB0];
	(erf) = vpow2.f32 v9;
	v9 =	vmul.f32 $1.442695020e+00, v10  }
0x57: {  	v10 =	vld [tilespmem:s31+$0xC0];
	(erf) = vpow2.f32 v7;
	v7 =	vmul.f32 $1.442695020e+00, v11  }
0x58: {  	s30 =	simm.s32 $0x100;
	v11 =	vld [tilespmem:s31+$0xD0];
	(erf) = vpow2.f32 v8  }
0x59: {  	(erf) = vpow2.f32 v9;
	v9 =	vld [tilespmem:s30+$0xF0]  }
0x5a: {  	v8 =	vmul.f32 $1.442695020e+00, v12;
	v12 =	vld [tilespmem:s31+$0xE0];
	v13 =	vmul.f32 $1.442695020e+00, v13  }
0x5b: {  	v15 =	vld [tilespmem:s30+$0x0];
	(erf) = vpow2.f32 v7;
	v14 =	vmul.f32 $1.442695020e+00, v14;
	v7 =	vpop (erf)  }
0x5c: {  	(erf) = vpow2.f32 v8;
	v8 =	vld [tilespmem:s30+$0x10];
	v10 =	vmul.f32 $1.442695020e+00, v10;
	v16 =	vpop (erf)  }
0x5d: {  	(erf) = vpow2.f32 v13;
	v13 =	vld [tilespmem:s30+$0x20];
	v11 =	vmul.f32 $1.442695020e+00, v11;
	v19 =	vadd.f32 v16, v6;
	v16 =	vpop (erf)  }
0x5e: {  	(erf) = vpow2.f32 v14;
	v14 =	vld [tilespmem:s30+$0x30];
	v21 =	vadd.f32 v16, v6;
	v16 =	vpop (erf);
	v9 =	vmul.f32 $1.442695020e+00, v9  }
0x5f: {  	v12 =	vmul.f32 $1.442695020e+00, v12;
	(erf) = vpow2.f32 v10;
	v10 =	vld [tilespmem:s30+$0x40];
	v22 =	vadd.f32 v16, v6;
	v16 =	vpop (erf)  }
0x60: {  	v23 =	vld [tilespmem:s30+$0x50];
	(erf) = vpow2.f32 v11;
	v11 =	vmul.f32 $1.442695020e+00, v15;
	v20 =	vadd.f32 v16, v6;
	v16 =	vpop (erf)  }
0x61: {  	v28 =	vld [tilespmem:s30+$0x90];
	(erf) = vpow2.f32 v12;
	v8 =	vmul.f32 $1.442695020e+00, v8;
	v17 =	vadd.f32 v16, v6;
	v15 =	vpop (erf)  }
0x62: {  	v16 =	vld [tilespmem:s30+$0x60];
	(erf) = vpow2.f32 v9;
	v12 =	vmul.f32 $1.442695020e+00, v13;
	v18 =	vadd.f32 v15, v6;
	v9 =	vpop (erf)  }
0x63: {  	v26 =	vld [tilespmem:s30+$0x70];
	(erf) = vpow2.f32 v11;
	v11 =	vmul.f32 $1.442695020e+00, v14;
	v15 =	vadd.f32 v9, v6;
	v9 =	vpop (erf)  }
0x64: {  	(erf) = vpow2.f32 v8;
	v13 =	vadd.f32 v9, v6;
	v9 =	vmul.f32 $1.442695020e+00, v10  }
0x65: {  	v23 =	vmul.f32 $1.442695020e+00, v23;
	v14 =	vld [tilespmem:s30+$0x80];
	v8 =	vpop (erf);
	(erf) = vpow2.f32 v12  }
0x66: {  	v29 =	vmul.f32 $1.442695020e+00, v28;
	v12 =	vadd.f32 v8, v6;
	v8 =	vpop (erf);
	(erf) = vpow2.f32 v11  }
0x67: {  	v24 =	vld [tilespmem:s30+$0xA0];
	v10 =	vadd.f32 v8, v6;
	v8 =	vpop (erf);
	v11 =	vmul.f32 $1.442695020e+00, v16;
	(erf) = vpow2.f32 v9  }
0x68: {  	v25 =	vld [tilespmem:s30+$0xB0];
	v16 =	vmul.f32 $1.442695020e+00, v26;
	(erf) = vpow2.f32 v23;
	v9 =	vpop (erf)  }
0x69: {  	v7 =	vadd.f32 v7, v6;
	v26 =	vld [tilespmem:s30+$0xC0];
	v8 =	vadd.f32 v8, v6;
	(erf) = vpow2.f32 v11;
	v23 =	vpop (erf)  }
0x6a: {  	v27 =	vld [tilespmem:s30+$0xD0];
	v30 =	vmul.f32 $1.442695020e+00, v14;
	v9 =	vadd.f32 v9, v6;
	(erf) = vpow2.f32 v16;
	v14 =	vpop (erf)  }
0x6b: {  	s29 =	simm.s32 $0xC00;
	s28 =	simm.s32 $0x200;
	v28 =	vld [tilespmem:s30+$0xE0];
	v16 =	vimm.f32 $0.0e+00;
	v11 =	vadd.f32 v23, v6;
	v14 =	vadd.f32 v14, v6;
	v23 =	vpop (erf)  }
.LBB2_5:
0x6c: {  	p1 =	sne.s32 s29, $0x1F000;
	v31 =	vld [tilespmem:s28+$0xF0];
	v24 =	vmul.f32 $1.442695020e+00, v24;
	(erf) = vpow2.f32 v30;
	v30 =	vpop (erf);
	v16 =	vadd.f32 v23, v16  }
0x6d: {  	v23 =	vld [tilespmem:s28+$0x0];
	v25 =	vmul.f32 $1.442695020e+00, v25;
	v7 =	vadd.f32 v30, v7;
	v30 =	vpop (erf);
	(erf) = vpow2.f32 v29  }
0x6e: {  	v29 =	vld [tilespmem:s28+$0x10];
	v19 =	vadd.f32 v30, v19;
	v26 =	vmul.f32 $1.442695020e+00, v26;
	v30 =	vpop (erf);
	(erf) = vpow2.f32 v24  }
0x6f: {  	v24 =	vld [tilespmem:s28+$0x20];
	v21 =	vadd.f32 v30, v21;
	v27 =	vmul.f32 $1.442695020e+00, v27;
	v30 =	vpop (erf);
	(erf) = vpow2.f32 v25  }
0x70: {  	v25 =	vld [tilespmem:s28+$0x30];
	v22 =	vadd.f32 v30, v22;
	v28 =	vmul.f32 $1.442695020e+00, v28;
	v30 =	vpop (erf);
	(erf) = vpow2.f32 v26  }
0x71: {  	v26 =	vld [tilespmem:s28+$0x40];
	v31 =	vmul.f32 $1.442695020e+00, v31;
	v20 =	vadd.f32 v30, v20;
	v30 =	vpop (erf);
	(erf) = vpow2.f32 v27  }
0x72: {  	v32 =	vmul.f32 $1.442695020e+00, v23;
	v27 =	vld [tilespmem:s28+$0x50];
	v17 =	vadd.f32 v30, v17;
	v30 =	vpop (erf);
	(erf) = vpow2.f32 v28  }
0x73: {  	v28 =	vmul.f32 $1.442695020e+00, v29;
	v29 =	vld [tilespmem:s28+$0x60];
	(erf) = vpow2.f32 v31;
	v18 =	vadd.f32 v30, v18;
	v30 =	vpop (erf)  }
0x74: {  	v24 =	vmul.f32 $1.442695020e+00, v24;
	v31 =	vld [tilespmem:s28+$0x70];
	(erf) = vpow2.f32 v32;
	v15 =	vadd.f32 v30, v15;
	v23 =	vpop (erf)  }
0x75: {  	v25 =	vmul.f32 $1.442695020e+00, v25;
	v30 =	vld [tilespmem:s28+$0x80];
	(erf) = vpow2.f32 v28;
	v13 =	vadd.f32 v23, v13;
	v23 =	vpop (erf)  }
0x76: {  	v26 =	vmul.f32 $1.442695020e+00, v26;
	v28 =	vld [tilespmem:s28+$0x90];
	(erf) = vpow2.f32 v24;
	v12 =	vadd.f32 v23, v12;
	v23 =	vpop (erf)  }
.Ltmp1:
0x77: {  	v27 =	vmul.f32 $1.442695020e+00, v27;
	v24 =	vld [tilespmem:s28+$0xA0];
	(erf) = vpow2.f32 v25;
	v10 =	vadd.f32 v23, v10;
	v23 =	vpop (erf);
	(pc) =	sbr.rel @p1 .LBB2_5-.Ltmp1, $4  }
0x78: {  	v29 =	vmul.f32 $1.442695020e+00, v29;
	v25 =	vld [tilespmem:s28+$0xB0];
	(erf) = vpow2.f32 v26;
	v8 =	vadd.f32 v23, v8;
	v23 =	vpop (erf)  }
0x79: {  	v31 =	vmul.f32 $1.442695020e+00, v31;
	v26 =	vld [tilespmem:s28+$0xC0];
	(erf) = vpow2.f32 v27;
	v9 =	vadd.f32 v23, v9;
	v23 =	vpop (erf)  }
0x7a: {  	v30 =	vmul.f32 $1.442695020e+00, v30;
	v27 =	vld [tilespmem:s28+$0xD0];
	(erf) = vpow2.f32 v29;
	v11 =	vadd.f32 v23, v11;
	v23 =	vpop (erf)  }
0x7b: {  	v29 =	vmul.f32 $1.442695020e+00, v28;
	v28 =	vld [tilespmem:s28+$0xE0];
	s28 =	sshra.s32 s29, $0x2;
	s29 =	sadd.s32 $0x400, s29;
	(erf) = vpow2.f32 v31;
	v14 =	vadd.f32 v23, v14;
	v23 =	vpop (erf)  }
0x7c: {  	v31 =	vld [tilespmem:s28+$0xF0];
	v32 =	vmul.f32 $1.442695020e+00, v24  }
0x7d: {  	(erf) = vpow2.f32 v30;
	v30 =	vld [tilespmem:s28+$0x0];
	v25 =	vmul.f32 $1.442695020e+00, v25  }
0x7e: {  	v24 =	vpop (erf);
	(erf) = vpow2.f32 v29;
	v29 =	vld [tilespmem:s28+$0x10];
	v26 =	vmul.f32 $1.442695020e+00, v26  }
0x7f: {  	v33 =	vpop (erf);
	(erf) = vpow2.f32 v32;
	v27 =	vmul.f32 $1.442695020e+00, v27  }
0x80: {  	v34 =	vpop (erf);
	(erf) = vpow2.f32 v25;
	v25 =	vld [tilespmem:s28+$0x20];
	v28 =	vmul.f32 $1.442695020e+00, v28  }
0x81: {  	v54 =	vpop (erf);
	(erf) = vpow2.f32 v26;
	v26 =	vmul.f32 $1.442695020e+00, v31  }
0x82: {  	v35 =	vpop (erf);
	(erf) = vpow2.f32 v27;
	v27 =	vld [tilespmem:s28+$0x30];
	v30 =	vmul.f32 $1.442695020e+00, v30  }
0x83: {  	v31 =	vpop (erf);
	(erf) = vpow2.f32 v28;
	v28 =	vmul.f32 $1.442695020e+00, v29  }
0x84: {  	v36 =	vpop (erf);
	v29 =	vld [tilespmem:s28+$0x40]  }
0x85: {  	(erf) = vpow2.f32 v26;
	v25 =	vmul.f32 $1.442695020e+00, v25;
	v26 =	vpop (erf)  }
0x86: {  	(erf) = vpow2.f32 v30;
	v30 =	vpop (erf)  }
0x87: {  	(erf) = vpow2.f32 v28;
	v27 =	vmul.f32 $1.442695020e+00, v27;
	v28 =	vpop (erf)  }
0x88: {  	v38 =	vpop (erf)  }
0x89: {  	v29 =	vmul.f32 $1.442695020e+00, v29;
	(erf) = vpow2.f32 v25;
	v25 =	vpop (erf)  }
0x8a: {  	v37 =	vld [tilespmem:s28+$0x50];
	v40 =	vpop (erf)  }
0x8b: {  	v39 =	vld [tilespmem:s28+$0x60];
	(erf) = vpow2.f32 v27;
	v27 =	vpop (erf)  }
0x8c: {  	v42 =	vpop (erf)  }
0x8d: {  	(erf) = vpow2.f32 v29;
	v29 =	vpop (erf)  }
0x8e: {  	v41 =	vld [tilespmem:s28+$0x70];
	v43 =	vpop (erf)  }
0x8f: {  	v56 =	vld [tilespmem:s28+$0x90];
	v19 =	vadd.f32 v33, v19;
	v21 =	vadd.f32 v34, v21;
	v37 =	vmul.f32 $1.442695020e+00, v37;
	v57 =	vpop (erf)  }
0x90: {  	v55 =	vld [tilespmem:s28+$0x80];
	v39 =	vmul.f32 $1.442695020e+00, v39;
	v59 =	vpop (erf)  }
0x91: {  	(erf) = vpow2.f32 v37;
	v19 =	vadd.f32 v57, v19;
	v21 =	vadd.f32 v59, v21  }
0x92: {  	v22 =	vadd.f32 v54, v22  }
0x93: {  	v58 =	vmul.f32 $1.442695020e+00, v41;
	(erf) = vpow2.f32 v39;
	v19 =	vadd.f32 v21, v19;
	v21 =	vld [tilespmem:s28+$0xB0]  }
0x94: {  	v60 =	vld [tilespmem:s28+$0xA0];
	v20 =	vadd.f32 v35, v20;
	v17 =	vadd.f32 v31, v17;
	v31 =	vmul.f32 $1.442695020e+00, v56;
	v61 =	vpop (erf)  }
0x95: {  	v62 =	vmul.f32 $1.442695020e+00, v55;
	(erf) = vpow2.f32 v58;
	v22 =	vadd.f32 v61, v22  }
0x96: {  	v63 =	vpop (erf)  }
0x97: {  	(erf) = vpow2.f32 v62;
	v20 =	vadd.f32 v63, v20;
	v19 =	vadd.f32 v22, v19  }
0x98: {  	v18 =	vadd.f32 v36, v18;
	(erf) = vpow2.f32 v31;
	v31 =	vpop (erf);
	v22 =	vld [tilespmem:s28+$0xC0];
	v21 =	vmul.f32 $1.442695020e+00, v21  }
0x99: {  	v17 =	vadd.f32 v31, v17;
	v31 =	vmul.f32 $1.442695020e+00, v60;
	v19 =	vadd.f32 v20, v19;
	v20 =	vld [tilespmem:s28+$0xD0]  }
0x9a: {  	v15 =	vadd.f32 v26, v15;
	v26 =	vpop (erf)  }
0x9b: {  	v18 =	vadd.f32 v26, v18;
	(erf) = vpow2.f32 v31;
	v17 =	vadd.f32 v17, v19  }
0x9c: {  	v13 =	vadd.f32 v30, v13;
	v19 =	vld [tilespmem:s28+$0xE0];
	(erf) = vpow2.f32 v21;
	v21 =	vpop (erf)  }
0x9d: {  	v17 =	vadd.f32 v18, v17;
	v15 =	vadd.f32 v21, v15  }
0x9e: {  	v18 =	vmul.f32 $1.442695020e+00, v20;
	v21 =	vmul.f32 $1.442695020e+00, v22;
	v20 =	vpop (erf)  }
0x9f: {  	v13 =	vadd.f32 v20, v13;
	v15 =	vadd.f32 v15, v17  }
0xa0: {  	v12 =	vadd.f32 v28, v12;
	(erf) = vpow2.f32 v21  }
0xa1: {  	v17 =	vmul.f32 $1.442695020e+00, v19;
	v19 =	vpop (erf);
	v13 =	vadd.f32 v13, v15  }
0xa2: {  	v10 =	vadd.f32 v38, v10;
	v12 =	vadd.f32 v19, v12  }
0xa3: {  	v8 =	vadd.f32 v25, v8;
	(erf) = vpow2.f32 v18;
	v15 =	vpop (erf)  }
0xa4: {  	v12 =	vadd.f32 v12, v13;
	v10 =	vadd.f32 v15, v10  }
0xa5: {  	(erf) = vpow2.f32 v17;
	v13 =	vpop (erf)  }
0xa6: {  	v8 =	vadd.f32 v13, v8;
	v10 =	vadd.f32 v10, v12  }
0xa7: {  	v9 =	vadd.f32 v40, v9;
	v11 =	vadd.f32 v27, v11  }
0xa8: {  	v12 =	vpop (erf);
	v8 =	vadd.f32 v8, v10;
	v10 =	vadd.f32 v23, v16  }
0xa9: {  	v9 =	vadd.f32 v12, v9;
	v13 =	vpop (erf)  }
0xaa: {  	v11 =	vadd.f32 v13, v11  }
0xab: {  	v12 =	vadd.f32 v42, v14;
	v8 =	vadd.f32 v9, v8  }
0xac: {  	v9 =	vadd.f32 v29, v10;
	v10 =	vpop (erf)  }
0xad: {  	v8 =	vadd.f32 v11, v8;
	v10 =	vadd.f32 v10, v12  }
0xae: {  	v7 =	vadd.f32 v24, v7;
	v11 =	vpop (erf)  }
0xaf: {  	v9 =	vadd.f32 v11, v9;
	v8 =	vadd.f32 v10, v8;
	_ =	sdelay $0x1  }
0xb0: {  	v7 =	vadd.f32 v43, v7;
	v8 =	vadd.f32 v9, v8;
	_ =	sdelay $0x1  }
0xb1: {  	v7 =	vadd.f32 v7, v8;
	_ =	sdelay $0x1  }
0xb2: {  	(xrf2) =	vadd.scan.msk.f32 $0xffff, v7;
	_ =	sdelay $0x9  }
0xb3: {  	v7, _, _ =	vpop (xrf2)  }
0xb4: {  	v7 =	vbroadcast v7, $0xF;
	_ =	sdelay $0x1  }
0xb5: {  	v8 =	vand.u32 $0x7FFFFF, v7  }
0xb6: {  	v8 =	vor.u32 $0x3F800000, v8  }
0xb7: {  	v9 =	vmul.f32 $5.000000000e-01, v8  }
0xb8: {  	vm4 =	vgt.f32 v8, $1.414213540e+00  }
0xb9: {  	v8 =	vsel vm4, v9, v8  }
0xba: {  	v9 =	vadd.f32 $1.000000000e+00, v8;
	_ =	sdelay $0x1  }
0xbb: {  	(erf) = vrcp.f32 v9;
	_ =	sdelay $0x7  }
0xbc: {  	v8 =	vadd.f32 $-1.000000000e+00, v8  }
0xbd: {  	v9 =	vpop (erf)  }
0xbe: {  	v8 =	vmul.f32 v9, v8;
	_ =	sdelay $0x1  }
0xbf: {  	v9 =	vmul.f32 v8, v8;
	_ =	sdelay $0x1  }
0xc0: {  	v10 =	vmul.f32 $1.428571490e-01, v9;
	_ =	sdelay $0x1  }
0xc1: {  	v10 =	vadd.f32 $2.000000030e-01, v10;
	_ =	sdelay $0x1  }
0xc2: {  	v10 =	vmul.f32 v10, v9;
	_ =	sdelay $0x1  }
0xc3: {  	v7 =	vshrl.u32 v7, $0x17;
	v10 =	vadd.f32 $3.333333430e-01, v10  }
0xc4: {  	v7 =	vand.u32 $0xFF, v7;
	v11 =	vsel vm4, $0x1, v1  }
0xc5: {  	v7 =	vadd.s32 v11, v7;
	v9 =	vmul.f32 v10, v9  }
0xc6: {  	s28 =	simm.s32 $0x80;
	v7 =	vadd.s32 $0xFFFFFF81, v7  }
0xc7: {  	v20 =	vld [tilespmem:s28+$0xFFFFFFC0];
	v7 =	vcvt.s32.f32 v7;
	v8 =	vadd.f32 v8, v8;
	v9 =	vadd.f32 $1.000000000e+00, v9  }
0xc8: {  	v11 =	vld [tilespmem:s28+$0x40]  }
0xc9: {  	v7 =	vmul.f32 $6.931471820e-01, v7;
	v8 =	vmul.f32 v9, v8;
	v9 =	vld [tilespmem:s28+$0x70]  }
0xca: {  	v16 =	vld [tilespmem:s28+$0x0]  }
0xcb: {  	v18 =	vld [tilespmem:s28+$0xFFFFFFD0];
	v8 =	vadd.f32 v8, v7  }
0xcc: {  	v26 =	vld [tilespmem:s28+$0xFFFFFF90]  }
0xcd: {  	v27 =	vmul.f32 $1.780869600e+02, v20;
	v7 =	vadd.f32 $-2.300000000e+01, v8;
	v14 =	vsub.f32 v11, v8  }
0xce: {  	v10 =	vld [tilespmem:s28+$0xFFFFFFF0];
	v11 =	vmul.f32 $1.780869600e+02, v11;
	v12 =	vmul.f32 $1.780869600e+02, v9;
	v9 =	vsub.f32 v9, v8  }
0xcf: {  	v15 =	vld [tilespmem:s28+$0x10];
	v22 =	vsub.f32 v16, v8;
	v16 =	vmul.f32 $1.780869600e+02, v16;
	v7 =	vmul.f32 $1.780869600e+02, v7  }
0xd0: {  	v19 =	vsub.f32 v18, v8;
	v18 =	vmul.f32 $1.780869600e+02, v18;
	v9 =	vmul.f32 $1.442695020e+00, v9  }
0xd1: {  	v13 =	vld [tilespmem:s28+$0x20];
	v29 =	vsub.f32 v26, v8;
	v14 =	vmul.f32 $1.442695020e+00, v14;
	v12 =	vsub.f32 v12, v7  }
0xd2: {  	v22 =	vmul.f32 $1.442695020e+00, v22;
	v17 =	vsub.f32 v11, v7;
	(erf) = vpow2.f32 v9  }
0xd3: {  	v11 =	vmul.f32 $1.780869600e+02, v10;
	v12 =	vmax.f32 v12, $0.0e+00;
	(erf) = vpow2.f32 v14  }
0xd4: {  	v23 =	vld [tilespmem:s28+$0xFFFFFFA0];
	v14 =	vmax.f32 v17, $0.0e+00;
	v17 =	vsub.f32 v15, v8;
	v9 =	vmin.f32 v12, $4.095500000e+03  }
0xd5: {  	v15 =	vmul.f32 $1.780869600e+02, v15;
	v12 =	vld [tilespmem:s28+$0xFFFFFFE0];
	v14 =	vmin.f32 v14, $4.095500000e+03;
	v9 =	vtrunc.f32 v9  }
0xd6: {  	v21 =	vcvt.f32.s32 v9;
	v9 =	vsub.f32 v13, v8;
	v13 =	vmul.f32 $1.780869600e+02, v13  }
0xd7: {  	v16 =	vsub.f32 v16, v7;
	(erf) = vpow2.f32 v22;
	v14 =	vtrunc.f32 v14  }
0xd8: {  	v25 =	vmul.f32 $1.442695020e+00, v17;
	v14 =	vcvt.f32.s32 v14;
	v13 =	vsub.f32 v13, v7  }
0xd9: {  	v17 =	vmul.f32 $1.442695020e+00, v9;
	v9 =	vsub.f32 v15, v7;
	v15 =	vsub.f32 v20, v8  }
0xda: {  	v20 =	vsub.f32 v23, v8;
	v23 =	vmul.f32 $1.780869600e+02, v23;
	v24 =	vsub.f32 v12, v8  }
0xdb: {  	v12 =	vmul.f32 $1.780869600e+02, v12;
	v13 =	vmax.f32 v13, $0.0e+00;
	v28 =	vmax.f32 v9, $0.0e+00;
	v9 =	vld [tilespmem:s28+$0xFFFFFFB0]  }
0xdc: {  	v31 =	vsub.f32 v23, v7;
	v23 =	vmax.f32 v16, $0.0e+00;
	v15 =	vmul.f32 $1.442695020e+00, v15  }
0xdd: {  	v13 =	vmin.f32 v13, $4.095500000e+03;
	v16 =	vmin.f32 v28, $4.095500000e+03;
	v28 =	vmul.f32 $1.442695020e+00, v24  }
0xde: {  	v27 =	vsub.f32 v27, v7;
	v30 =	vtrunc.f32 v13;
	v13 =	vmul.f32 $1.442695020e+00, v20  }
0xdf: {  	v20 =	vmul.f32 $1.442695020e+00, v29;
	v29 =	vsub.f32 v18, v7;
	v18 =	vmax.f32 v31, $0.0e+00  }
0xe0: {  	v16 =	vtrunc.f32 v16;
	v18 =	vmin.f32 v18, $4.095500000e+03;
	v22 =	vmul.f32 $1.780869600e+02, v9  }
0xe1: {  	v12 =	vsub.f32 v12, v7;
	[tilespmem:v14+s16+$0x0] =	vst.idx.add.f32.msk $0xffff, v2;
	v31 =	vpop (erf);
	v18 =	vtrunc.f32 v18;
	(erf) = vpow2.f32 v13  }
0xe2: {  	[tilespmem:v21+s16+$0x0] =	vst.idx.add.f32.msk $0xffff, v2;
	v24 =	vcvt.f32.s32 v18;
	(erf) = vpow2.f32 v15;
	v13 =	vpop (erf);
	v18 =	vsub.f32 v22, v7  }
0xe3: {  	v15 =	vmax.f32 v27, $0.0e+00;
	(erf) = vpow2.f32 v28;
	[tilespmem:v14+s17+$0x0] =	vst.idx.add.f32.msk $0xffff, v13;
	v13 =	vmul.f32 $1.780869600e+02, v26  }
0xe4: {  	v27 =	vld [tilespmem:s28+$0x60];
	v26 =	vmax.f32 v12, $0.0e+00;
	(erf) = vpow2.f32 v25;
	v14 =	vmax.f32 v18, $0.0e+00  }
0xe5: {  	[tilespmem:v21+s17+$0x0] =	vst.idx.add.f32.msk $0xffff, v31;
	v12 =	vmin.f32 v14, $4.095500000e+03;
	v14 =	vmin.f32 v15, $4.095500000e+03;
	v15 =	vsub.f32 v13, v7  }
0xe6: {  	v22 =	vld [tilespmem:s28+$0xFFFFFF80];
	v13 =	vtrunc.f32 v12;
	v12 =	vcvt.f32.s32 v16  }
0xe7: {  	v25 =	vld [tilespmem:s28+$0x30];
	v28 =	vtrunc.f32 v14;
	v14 =	vmin.f32 v26, $4.095500000e+03;
	v26 =	vmax.f32 v29, $0.0e+00  }
0xe8: {  	v18 =	vld [tilespmem:s28+$0x50];
	v13 =	vcvt.f32.s32 v13;
	v16 =	vmax.f32 v15, $0.0e+00;
	v14 =	vtrunc.f32 v14  }
0xe9: {  	s29 =	simm.s32 $0x180;
	s28 =	simm.s32 $0x0;
	[tilespmem:v24+s16+$0x0] =	vst.idx.add.f32.msk $0xffff, v2;
	v29 =	vmin.f32 v26, $4.095500000e+03;
	v26 =	vcvt.f32.s32 v14;
	v14 =	vcvt.f32.s32 v30;
	v15 =	vpop (erf)  }
.LBB2_7:
0xea: {  	v30 =	vmin.f32 v16, $4.095500000e+03  }
0xeb: {  	v21 =	vld [tilespmem:s29+$0xFFFFFFC0];
	s28 =	sadd.s32 $0x10, s28;
	v16 =	vsub.f32 v9, v8;
	v31 =	vmin.f32 v23, $4.095500000e+03;
	v32 =	vpop (erf);
	v33 =	vmul.f32 $1.780869600e+02, v22  }
0xec: {  	v19 =	vmul.f32 $1.442695020e+00, v19;
	v10 =	vsub.f32 v10, v8;
	v9 =	vld [tilespmem:s29+$0xFFFFFFB0];
	p1 =	slt.u32 s28, $0x7C0;
	v34 =	vpop (erf)  }
0xed: {  	v29 =	vtrunc.f32 v29;
	v11 =	vsub.f32 v11, v7;
	[tilespmem:v12+s16+$0x0] =	vst.idx.add.f32.msk $0xffff, v2;
	v35 =	vpop (erf);
	(erf) = vpow2.f32 v17  }
0xee: {  	v29 =	vcvt.f32.s32 v29;
	v36 =	vsub.f32 v27, v8;
	v17 =	vmul.f32 $1.442695020e+00, v16;
	v23 =	vld [tilespmem:s29+$0xFFFFFFA0]  }
0xef: {  	v10 =	vmul.f32 $1.442695020e+00, v10;
	v11 =	vmax.f32 v11, $0.0e+00;
	[tilespmem:v24+s17+$0x0] =	vst.idx.add.f32.msk $0xffff, v32;
	v24 =	vmul.f32 $1.780869600e+02, v27;
	v27 =	vpop (erf)  }
0xf0: {  	v11 =	vmin.f32 v11, $4.095500000e+03;
	v32 =	vsub.f32 v33, v7;
	v16 =	vld [tilespmem:s29+$0xFFFFFF90];
	(erf) = vpow2.f32 v19  }
0xf1: {  	v33 =	vcvt.f32.s32 v28;
	v19 =	vld [tilespmem:s29+$0x70];
	v37 =	vsub.f32 v24, v7;
	(erf) = vpow2.f32 v10  }
0xf2: {  	v38 =	vsub.f32 v22, v8;
	v10 =	vtrunc.f32 v11;
	v28 =	vld [tilespmem:s29+$0xFFFFFFD0];
	(erf) = vpow2.f32 v20  }
0xf3: {  	v11 =	vtrunc.f32 v30;
	v24 =	vcvt.f32.s32 v10;
	v20 =	vld [tilespmem:s29+$0xFFFFFFE0];
	v10 =	vmax.f32 v37, $0.0e+00  }
0xf4: {  	v32 =	vmax.f32 v32, $0.0e+00;
	v22 =	vcvt.f32.s32 v11;
	v37 =	vsub.f32 v25, v8;
	v30 =	vld [tilespmem:s29+$0x40]  }
0xf5: {  	v11 =	vtrunc.f32 v31;
	v25 =	vmul.f32 $1.780869600e+02, v25;
	v31 =	vmin.f32 v10, $4.095500000e+03;
	v39 =	vld [tilespmem:s29+$0x0]  }
0xf6: {  	v42 =	vcvt.f32.s32 v11;
	v11 =	vmul.f32 $1.442695020e+00, v36;
	v40 =	vld [tilespmem:s29+$0x10];
	v41 =	vsub.f32 v19, v8;
	v36 =	vpop (erf)  }
0xf7: {  	v43 =	vmul.f32 $1.780869600e+02, v18;
	v45 =	vmul.f32 $1.442695020e+00, v38;
	v25 =	vsub.f32 v25, v7;
	v10 =	vld [tilespmem:s29+$0xFFFFFFF0]  }
0xf8: {  	v32 =	vmin.f32 v32, $4.095500000e+03;
	v31 =	vtrunc.f32 v31;
	v44 =	vld [tilespmem:s29+$0x20];
	(erf) = vpow2.f32 v11  }
0xf9: {  	v43 =	vsub.f32 v43, v7;
	v32 =	vtrunc.f32 v32;
	[tilespmem:v33+s16+$0x0] =	vst.idx.add.f32.msk $0xffff, v2;
	(erf) = vpow2.f32 v45;
	v38 =	vpop (erf)  }
0xfa: {  	v18 =	vsub.f32 v18, v8;
	v45 =	vsub.f32 v30, v8;
	[tilespmem:v13+s16+$0x0] =	vst.idx.add.f32.msk $0xffff, v2;
	(erf) = vpow2.f32 v17;
	v46 =	vpop (erf)  }
0xfb: {  	v17 =	vmul.f32 $1.780869600e+02, v19;
	v19 =	vmax.f32 v25, $0.0e+00;
	v25 =	vcvt.f32.s32 v31;
	[tilespmem:v26+s16+$0x0] =	vst.idx.add.f32.msk $0xffff, v2;
	v31 =	vpop (erf)  }
0xfc: {  	v41 =	vmul.f32 $1.442695020e+00, v41;
	v11 =	vmul.f32 $1.780869600e+02, v10;
	[tilespmem:v26+s17+$0x0] =	vst.idx.add.f32.msk $0xffff, v35;
	v26 =	vmax.f32 v43, $0.0e+00  }
0xfd: {  	v30 =	vmul.f32 $1.780869600e+02, v30;
	v17 =	vsub.f32 v17, v7;
	v35 =	vmul.f32 $1.442695020e+00, v37;
	[tilespmem:v42+s16+$0x0] =	vst.idx.add.f32.msk $0xffff, v2  }
0xfe: {  	v37 =	vmul.f32 $1.442695020e+00, v45;
	v26 =	vmin.f32 v26, $4.095500000e+03;
	(erf) = vpow2.f32 v41;
	[tilespmem:v14+s16+$0x0] =	vst.idx.add.f32.msk $0xffff, v2  }
0xff: {  	v32 =	vcvt.f32.s32 v32;
	v17 =	vmax.f32 v17, $0.0e+00;
	v41 =	vmul.f32 $1.442695020e+00, v18;
	[tilespmem:v29+s16+$0x0] =	vst.idx.add.f32.msk $0xffff, v2  }
0x100: {  	v30 =	vsub.f32 v30, v7;
	v17 =	vmin.f32 v17, $4.095500000e+03;
	(erf) = vpow2.f32 v37;
	[tilespmem:v29+s17+$0x0] =	vst.idx.add.f32.msk $0xffff, v38  }
0x101: {  	v19 =	vmin.f32 v19, $4.095500000e+03;
	v37 =	vtrunc.f32 v17;
	[tilespmem:v33+s17+$0x0] =	vst.idx.add.f32.msk $0xffff, v34;
	(erf) = vpow2.f32 v41;
	v18 =	vpop (erf)  }
0x102: {  	v29 =	vmax.f32 v30, $0.0e+00;
	[tilespmem:v42+s17+$0x0] =	vst.idx.add.f32.msk $0xffff, v15;
	v15 =	vtrunc.f32 v19;
	v19 =	vtrunc.f32 v26;
	v26 =	vpop (erf)  }
0x103: {  	v29 =	vmin.f32 v29, $4.095500000e+03;
	v30 =	vcvt.f32.s32 v37;
	[tilespmem:v25+s16+$0x0] =	vst.idx.add.f32.msk $0xffff, v2;
	v17 =	vpop (erf);
	(erf) = vpow2.f32 v35  }
0x104: {  	v33 =	vsub.f32 v44, v8;
	v34 =	vmul.f32 $1.780869600e+02, v44;
	[tilespmem:v13+s17+$0x0] =	vst.idx.add.f32.msk $0xffff, v17;
	v13 =	vcvt.f32.s32 v19  }
0x105: {  	v35 =	vmul.f32 $1.780869600e+02, v40;
	v17 =	vsub.f32 v40, v8;
	v19 =	vtrunc.f32 v29;
	[tilespmem:v14+s17+$0x0] =	vst.idx.add.f32.msk $0xffff, v36  }
0x106: {  	v29 =	vmul.f32 $1.780869600e+02, v39;
	v14 =	vsub.f32 v39, v8;
	v36 =	vcvt.f32.s32 v19;
	[tilespmem:v32+s16+$0x0] =	vst.idx.add.f32.msk $0xffff, v2  }
0x107: {  	v34 =	vsub.f32 v34, v7;
	v15 =	vcvt.f32.s32 v15;
	v37 =	vmul.f32 $1.442695020e+00, v17;
	v38 =	vpop (erf);
	[tilespmem:v24+s16+$0x0] =	vst.idx.add.f32.msk $0xffff, v2  }
0x108: {  	v39 =	vsub.f32 v20, v8;
	v20 =	vmul.f32 $1.780869600e+02, v20;
	v17 =	vmul.f32 $1.442695020e+00, v33;
	[tilespmem:v25+s17+$0x0] =	vst.idx.add.f32.msk $0xffff, v18  }
0x109: {  	v19 =	vsub.f32 v28, v8;
	v18 =	vsub.f32 v35, v7;
	v25 =	vmax.f32 v34, $0.0e+00;
	v33 =	vpop (erf);
	[tilespmem:v12+s17+$0x0] =	vst.idx.add.f32.msk $0xffff, v27  }
0x10a: {  	v14 =	vmul.f32 $1.442695020e+00, v14;
	v12 =	vsub.f32 v21, v8;
	v21 =	vmul.f32 $1.780869600e+02, v21;
	[tilespmem:v22+s16+$0x0] =	vst.idx.add.f32.msk $0xffff, v2;
	v27 =	vpop (erf)  }
0x10b: {  	v28 =	vmul.f32 $1.780869600e+02, v28;
	v29 =	vsub.f32 v29, v7;
	v18 =	vmax.f32 v18, $0.0e+00;
	[tilespmem:v13+s16+$0x0] =	vst.idx.add.f32.msk $0xffff, v2  }
0x10c: {  	v34 =	vsub.f32 v23, v8;
	v23 =	vmul.f32 $1.780869600e+02, v23;
	v25 =	vmin.f32 v25, $4.095500000e+03;
	[tilespmem:v36+s16+$0x0] =	vst.idx.add.f32.msk $0xffff, v2;
	v35 =	vpop (erf)  }
0x10d: {  	v40 =	vsub.f32 v16, v8;
	v41 =	vsub.f32 v20, v7;
	v42 =	vtrunc.f32 v25;
	[tilespmem:v30+s16+$0x0] =	vst.idx.add.f32.msk $0xffff, v2  }
0x10e: {  	v25 =	vmul.f32 $1.442695020e+00, v34;
	v34 =	vsub.f32 v23, v7;
	v23 =	vmax.f32 v29, $0.0e+00;
	[tilespmem:v13+s17+$0x0] =	vst.idx.add.f32.msk $0xffff, v27  }
0x10f: {  	v20 =	vmul.f32 $1.442695020e+00, v40;
	v29 =	vsub.f32 v28, v7;
	v13 =	vmin.f32 v18, $4.095500000e+03;
	[tilespmem:v32+s17+$0x0] =	vst.idx.add.f32.msk $0xffff, v26  }
0x110: {  	v12 =	vmul.f32 $1.442695020e+00, v12;
	v18 =	vmax.f32 v34, $0.0e+00;
	(erf) = vpow2.f32 v14;
	[tilespmem:v24+s17+$0x0] =	vst.idx.add.f32.msk $0xffff, v46  }
0x111: {  	v26 =	vmul.f32 $1.442695020e+00, v39;
	v14 =	vmin.f32 v18, $4.095500000e+03;
	v18 =	vmul.f32 $1.780869600e+02, v9;
	[tilespmem:v15+s16+$0x0] =	vst.idx.add.f32.msk $0xffff, v2  }
0x112: {  	v21 =	vsub.f32 v21, v7;
	v14 =	vtrunc.f32 v14;
	(erf) = vpow2.f32 v25;
	[tilespmem:v15+s17+$0x0] =	vst.idx.add.f32.msk $0xffff, v35  }
0x113: {  	v24 =	vcvt.f32.s32 v14;
	v14 =	vsub.f32 v18, v7;
	(erf) = vpow2.f32 v12;
	[tilespmem:v22+s17+$0x0] =	vst.idx.add.f32.msk $0xffff, v31  }
0x114: {  	v13 =	vtrunc.f32 v13;
	v12 =	vmax.f32 v21, $0.0e+00;
	[tilespmem:v36+s17+$0x0] =	vst.idx.add.f32.msk $0xffff, v33;
	(erf) = vpow2.f32 v26  }
0x115: {  	v15 =	vmul.f32 $1.780869600e+02, v16;
	v16 =	vmax.f32 v41, $0.0e+00;
	v14 =	vmax.f32 v14, $0.0e+00;
	v22 =	vld [tilespmem:s29+$0xFFFFFF80]  }
.Ltmp2:
0x116: {  	v21 =	vmin.f32 v12, $4.095500000e+03;
	v14 =	vmin.f32 v14, $4.095500000e+03;
	v18 =	vld [tilespmem:s29+$0x50];
	(erf) = vpow2.f32 v37;
	(pc) =	sbr.rel @p1 .LBB2_7-.Ltmp2, $4  }
0x117: {  	v26 =	vsub.f32 v15, v7;
	v12 =	vcvt.f32.s32 v13;
	v14 =	vtrunc.f32 v14;
	v27 =	vld [tilespmem:s29+$0x60]  }
0x118: {  	v28 =	vtrunc.f32 v21;
	v13 =	vcvt.f32.s32 v14;
	v14 =	vmin.f32 v16, $4.095500000e+03;
	v25 =	vld [tilespmem:s29+$0x30]  }
0x119: {  	v21 =	vmax.f32 v29, $0.0e+00;
	v16 =	vmax.f32 v26, $0.0e+00;
	v14 =	vtrunc.f32 v14;
	[tilespmem:v30+s17+$0x0] =	vst.idx.add.f32.msk $0xffff, v38;
	v15 =	vpop (erf)  }
0x11a: {  	v29 =	vmin.f32 v21, $4.095500000e+03;
	s29 =	sadd.s32 $0x100, s29;
	v26 =	vcvt.f32.s32 v14;
	v14 =	vcvt.f32.s32 v42;
	[tilespmem:v24+s16+$0x0] =	vst.idx.add.f32.msk $0xffff, v2  }
0x11b: {  	v21 =	vmul.f32 $1.780869600e+02, v22;
	v19 =	vmul.f32 $1.442695020e+00, v19  }
0x11c: {  	(erf) = vpow2.f32 v17;
	v17 =	vmin.f32 v23, $4.095500000e+03;
	v16 =	vmin.f32 v16, $4.095500000e+03  }
0x11d: {  	v10 =	vsub.f32 v10, v8;
	v17 =	vtrunc.f32 v17;
	v16 =	vtrunc.f32 v16  }
0x11e: {  	v22 =	vsub.f32 v22, v8;
	(erf) = vpow2.f32 v19;
	v19 =	vcvt.f32.s32 v28  }
0x11f: {  	[tilespmem:v12+s16+$0x0] =	vst.idx.add.f32.msk $0xffff, v2;
	v10 =	vmul.f32 $1.442695020e+00, v10;
	v17 =	vcvt.f32.s32 v17  }
0x120: {  	[tilespmem:v13+s16+$0x0] =	vst.idx.add.f32.msk $0xffff, v2;
	v28 =	vsub.f32 v27, v8;
	v22 =	vmul.f32 $1.442695020e+00, v22;
	v16 =	vcvt.f32.s32 v16  }
0x121: {  	v9 =	vsub.f32 v9, v8;
	[tilespmem:v26+s16+$0x0] =	vst.idx.add.f32.msk $0xffff, v2;
	(erf) = vpow2.f32 v10;
	v10 =	vmul.f32 $1.780869600e+02, v27  }
0x122: {  	[tilespmem:v14+s16+$0x0] =	vst.idx.add.f32.msk $0xffff, v2;
	v27 =	vpop (erf);
	(erf) = vpow2.f32 v20;
	v20 =	vmul.f32 $1.442695020e+00, v28  }
0x123: {  	v23 =	vtrunc.f32 v29;
	v9 =	vmul.f32 $1.442695020e+00, v9;
	[tilespmem:v24+s17+$0x0] =	vst.idx.add.f32.msk $0xffff, v27  }
0x124: {  	v10 =	vsub.f32 v10, v7;
	(erf) = vpow2.f32 v20;
	v20 =	vcvt.f32.s32 v23;
	[tilespmem:v19+s16+$0x0] =	vst.idx.add.f32.msk $0xffff, v2  }
0x125: {  	v11 =	vsub.f32 v11, v7;
	v21 =	vsub.f32 v21, v7;
	(erf) = vpow2.f32 v22;
	[tilespmem:v17+s16+$0x0] =	vst.idx.add.f32.msk $0xffff, v2  }
0x126: {  	v22 =	vpop (erf);
	v10 =	vmax.f32 v10, $0.0e+00;
	[tilespmem:v16+s16+$0x0] =	vst.idx.add.f32.msk $0xffff, v2;
	(erf) = vpow2.f32 v9  }
0x127: {  	v11 =	vmax.f32 v11, $0.0e+00;
	v24 =	vmul.f32 $1.780869600e+02, v18;
	v9 =	vpop (erf);
	v10 =	vmin.f32 v10, $4.095500000e+03;
	[tilespmem:v19+s17+$0x0] =	vst.idx.add.f32.msk $0xffff, v22  }
0x128: {  	v18 =	vsub.f32 v18, v8;
	v8 =	vsub.f32 v25, v8;
	[tilespmem:v17+s17+$0x0] =	vst.idx.add.f32.msk $0xffff, v15;
	v23 =	vpop (erf);
	v10 =	vtrunc.f32 v10  }
0x129: {  	[tilespmem:v26+s17+$0x0] =	vst.idx.add.f32.msk $0xffff, v9;
	v9 =	vmin.f32 v11, $4.095500000e+03;
	v11 =	vmax.f32 v21, $0.0e+00;
	v21 =	vpop (erf);
	v10 =	vcvt.f32.s32 v10  }
0x12a: {  	v24 =	vsub.f32 v24, v7;
	v18 =	vmul.f32 $1.442695020e+00, v18;
	v9 =	vtrunc.f32 v9;
	v26 =	vpop (erf);
	[tilespmem:v20+s16+$0x0] =	vst.idx.add.f32.msk $0xffff, v2  }
0x12b: {  	v11 =	vmin.f32 v11, $4.095500000e+03;
	v9 =	vcvt.f32.s32 v9;
	v27 =	vpop (erf);
	[tilespmem:v20+s17+$0x0] =	vst.idx.add.f32.msk $0xffff, v26;
	v20 =	vmul.f32 $1.780869600e+02, v25  }
0x12c: {  	v8 =	vmul.f32 $1.442695020e+00, v8;
	v22 =	vmax.f32 v24, $0.0e+00;
	[tilespmem:v12+s17+$0x0] =	vst.idx.add.f32.msk $0xffff, v23;
	v11 =	vtrunc.f32 v11;
	v28 =	vpop (erf)  }
0x12d: {  	(erf) = vpow2.f32 v18;
	[tilespmem:v14+s17+$0x0] =	vst.idx.add.f32.msk $0xffff, v21;
	v11 =	vcvt.f32.s32 v11;
	v19 =	vpop (erf);
	v7 =	vsub.f32 v20, v7  }
0x12e: {  	v17 =	vmin.f32 v22, $4.095500000e+03;
	[tilespmem:v16+s17+$0x0] =	vst.idx.add.f32.msk $0xffff, v28;
	v15 =	vpop (erf)  }
0x12f: {  	p1 =	slt.u32 s26, $0x394;
	s2 =	simm.s32 $0x0;
	p2 =	slt.s32 s26, $0x7AB;
	v17 =	vtrunc.f32 v17;
	(erf) = vpow2.f32 v8;
	[tilespmem:v10+s16+$0x0] =	vst.idx.add.f32.msk $0xffff, v2;
	v18 =	vpop (erf);
	v7 =	vmax.f32 v7, $0.0e+00  }
0x130: {  	s3 =	smov.u32 s25;
	s26 =	simm.s32 @!p2 $0x7AB;
	s2 =	simm.s32 @!p1 $0xFFFFFC4C;
	[tilespmem:v13+s17+$0x0] =	vst.idx.add.f32.msk $0xffff, v18;
	v13 =	vcvt.f32.s32 v17;
	v7 =	vmin.f32 v7, $4.095500000e+03  }
0x131: {  	s3 =	smov.u32 @p1 s21;
	s2 =	sadd.s32 s2, s26;
	[tilespmem:v9+s16+$0x0] =	vst.idx.add.f32.msk $0xffff, v2;
	v7 =	vtrunc.f32 v7  }
0x132: {  	s2 =	sadd.s32 s3, s2;
	[tilespmem:v10+s17+$0x0] =	vst.idx.add.f32.msk $0xffff, v19;
	v7 =	vcvt.f32.s32 v7  }
0x133: {  	s2 =	sadd.s32 $0x20, s2;
	[tilespmem:v11+s16+$0x0] =	vst.idx.add.f32.msk $0xffff, v2  }
0x134: {  	s29 =	sshrl.u32 s2, $0x3;
	[tilespmem:v9+s17+$0x0] =	vst.idx.add.f32.msk $0xffff, v27  }
0x135: {  	s2 =	sshll.u32 s2, $0x7;
	s3 =	smul.u32 $0x3E800, s29;
	[tilespmem:v11+s17+$0x0] =	vst.idx.add.f32.msk $0xffff, v15  }
0x136: {  	s2 =	sand.u32 $0x380, s2;
	v8 =	vpop (erf);
	[tilespmem:v13+s16+$0x0] =	vst.idx.add.f32.msk $0xffff, v2  }
0x137: {  	s2 =	sor.u32 s2, s3;
	[tilespmem:v13+s17+$0x0] =	vst.idx.add.f32.msk $0xffff, v8  }
0x138: {  	s2 =	sshrl.u32 s2, $0x3;
	v8 =	vpop (erf);
	[tilespmem:v7+s16+$0x0] =	vst.idx.add.f32.msk $0xffff, v2  }
0x139: {  	s30 =	simm.s32 $0x0;
	s2 =	sadd.s32 s0, s2;
	[tilespmem:v7+s17+$0x0] =	vst.idx.add.f32.msk $0xffff, v8  }
0x13a: {  	[tilespmem:s30], [sflag:$0x1] =	stream.strided.gather [hbm4b:s2+s12], $0x7D00, s13, s12, $0x38;
	[tilespmem:$0x11E00] =	vst v63  }
0x13b: {  	_ =	swait.ge [sflag:s18], $0x8000  }
0x13c: {  	[sflag:s18] =	ssyncset.done $0x0  }
0x13d: {  	s31 =	simm.s32 $0x0;
	[sflag:s18] =	ssyncadd.s32 $0xFFFF8000  }
0x13e: {  	v7 =	vld [tilespmem:s31+$0x7DF0]  }
0x13f: {  	v8 =	vld [tilespmem:s31+$0x7D00]  }
0x140: {  	v9 =	vld [tilespmem:s31+$0x7D10]  }
0x141: {  	v10 =	vld [tilespmem:s31+$0x7D20]  }
0x142: {  	v11 =	vld [tilespmem:s31+$0x7D30]  }
0x143: {  	v12 =	vld [tilespmem:s31+$0x7D40]  }
0x144: {  	v13 =	vld [tilespmem:s31+$0x7D50];
	v7 =	vmul.f32 $1.442695020e+00, v7  }
0x145: {  	v14 =	vld [tilespmem:s31+$0x7D60];
	v8 =	vmul.f32 $1.442695020e+00, v8;
	v9 =	vmul.f32 $1.442695020e+00, v9  }
0x146: {  	v15 =	vld [tilespmem:s31+$0x7DE0];
	(erf) = vpow2.f32 v7;
	v7 =	vmul.f32 $1.442695020e+00, v10  }
0x147: {  	(erf) = vpow2.f32 v8;
	v8 =	vmul.f32 $1.442695020e+00, v11;
	v11 =	vld [tilespmem:s31+$0x7D80]  }
0x148: {  	s29 =	simm.s32 $0x100;
	v10 =	vld [tilespmem:s31+$0x7D70];
	(erf) = vpow2.f32 v9  }
0x149: {  	v16 =	vld [tilespmem:s29+$0x7D00];
	v9 =	vmul.f32 $1.442695020e+00, v12;
	(erf) = vpow2.f32 v7  }
0x14a: {  	v12 =	vld [tilespmem:s31+$0x7D90];
	v7 =	vmul.f32 $1.442695020e+00, v13;
	(erf) = vpow2.f32 v8  }
0x14b: {  	v13 =	vld [tilespmem:s31+$0x7DA0];
	v8 =	vmul.f32 $1.442695020e+00, v14;
	(erf) = vpow2.f32 v9  }
0x14c: {  	v14 =	vld [tilespmem:s31+$0x7DB0];
	(erf) = vpow2.f32 v7;
	v7 =	vmul.f32 $1.442695020e+00, v11  }
0x14d: {  	v9 =	vmul.f32 $1.442695020e+00, v10;
	v10 =	vld [tilespmem:s31+$0x7DC0]  }
0x14e: {  	v15 =	vmul.f32 $1.442695020e+00, v15;
	v11 =	vld [tilespmem:s31+$0x7DD0];
	(erf) = vpow2.f32 v8  }
0x14f: {  	v12 =	vmul.f32 $1.442695020e+00, v12;
	(erf) = vpow2.f32 v9;
	v9 =	vld [tilespmem:s29+$0x7DF0]  }
0x150: {  	v27 =	vld [tilespmem:s29+$0x7D80];
	v13 =	vmul.f32 $1.442695020e+00, v13;
	(erf) = vpow2.f32 v7;
	v7 =	vpop (erf)  }
0x151: {  	v14 =	vmul.f32 $1.442695020e+00, v14;
	v17 =	vpop (erf);
	(erf) = vpow2.f32 v12;
	v12 =	vld [tilespmem:s29+$0x7D10]  }
0x152: {  	v8 =	vimm.f32 $0.0e+00;
	v10 =	vmul.f32 $1.442695020e+00, v10;
	v18 =	vpop (erf);
	(erf) = vpow2.f32 v13;
	v13 =	vld [tilespmem:s29+$0x7D20]  }
0x153: {  	v11 =	vmul.f32 $1.442695020e+00, v11;
	v20 =	vadd.f32 v18, v8;
	v18 =	vpop (erf);
	(erf) = vpow2.f32 v14;
	v14 =	vld [tilespmem:s29+$0x7D30]  }
0x154: {  	v9 =	vmul.f32 $1.442695020e+00, v9;
	v22 =	vadd.f32 v18, v8;
	v18 =	vpop (erf);
	(erf) = vpow2.f32 v10;
	v10 =	vld [tilespmem:s29+$0x7D40]  }
0x155: {  	v23 =	vld [tilespmem:s29+$0x7D50];
	v29 =	vmul.f32 $1.442695020e+00, v27;
	v21 =	vadd.f32 v18, v8;
	v18 =	vpop (erf);
	(erf) = vpow2.f32 v11  }
0x156: {  	v11 =	vmul.f32 $1.442695020e+00, v16;
	v16 =	vpop (erf);
	(erf) = vpow2.f32 v15;
	v15 =	vld [tilespmem:s29+$0x7D60]  }
0x157: {  	v26 =	vld [tilespmem:s29+$0x7D70];
	v19 =	vadd.f32 v18, v8;
	v12 =	vmul.f32 $1.442695020e+00, v12;
	(erf) = vpow2.f32 v9  }
0x158: {  	v28 =	vld [tilespmem:s29+$0x7D90];
	v18 =	vadd.f32 v16, v8;
	v9 =	vpop (erf);
	v13 =	vmul.f32 $1.442695020e+00, v13;
	(erf) = vpow2.f32 v11  }
0x159: {  	v16 =	vadd.f32 v9, v8;
	v9 =	vpop (erf);
	v11 =	vmul.f32 $1.442695020e+00, v14;
	v10 =	vmul.f32 $1.442695020e+00, v10  }
0x15a: {  	(erf) = vpow2.f32 v12;
	v14 =	vadd.f32 v9, v8;
	v9 =	vpop (erf);
	v12 =	vmul.f32 $1.442695020e+00, v23  }
0x15b: {  	(erf) = vpow2.f32 v13;
	v13 =	vadd.f32 v9, v8;
	v9 =	vpop (erf);
	v15 =	vmul.f32 $1.442695020e+00, v15  }
0x15c: {  	v24 =	vld [tilespmem:s29+$0x7DA0];
	v23 =	vmul.f32 $1.442695020e+00, v26;
	(erf) = vpow2.f32 v11;
	v11 =	vadd.f32 v9, v8;
	v9 =	vpop (erf)  }
0x15d: {  	v25 =	vld [tilespmem:s29+$0x7DB0];
	v30 =	vmul.f32 $1.442695020e+00, v28;
	(erf) = vpow2.f32 v10;
	v10 =	vpop (erf)  }
0x15e: {  	v7 =	vadd.f32 v7, v8;
	v17 =	vadd.f32 v17, v8;
	v26 =	vld [tilespmem:s29+$0x7DC0];
	(erf) = vpow2.f32 v12;
	v12 =	vpop (erf)  }
0x15f: {  	v27 =	vld [tilespmem:s29+$0x7DD0];
	v9 =	vadd.f32 v9, v8;
	v10 =	vadd.f32 v10, v8;
	(erf) = vpow2.f32 v15;
	v15 =	vpop (erf)  }
0x160: {  	s28 =	simm.s32 $0xC00;
	s26 =	simm.s32 $0x200;
	v28 =	vld [tilespmem:s29+$0x7DE0];
	v12 =	vadd.f32 v12, v8;
	(erf) = vpow2.f32 v23;
	v15 =	vadd.f32 v15, v8;
	v23 =	vpop (erf)  }
.LBB2_9:
0x161: {  	p1 =	sne.s32 s28, $0x1FC00;
	v31 =	vld [tilespmem:s26+$0x7DF0];
	v24 =	vmul.f32 $1.442695020e+00, v24;
	(erf) = vpow2.f32 v29;
	v29 =	vpop (erf);
	v8 =	vadd.f32 v23, v8  }
0x162: {  	v23 =	vld [tilespmem:s26+$0x7D00];
	v25 =	vmul.f32 $1.442695020e+00, v25;
	v7 =	vadd.f32 v29, v7;
	v29 =	vpop (erf);
	(erf) = vpow2.f32 v30  }
0x163: {  	v30 =	vld [tilespmem:s26+$0x7D10];
	v17 =	vadd.f32 v29, v17;
	v26 =	vmul.f32 $1.442695020e+00, v26;
	v29 =	vpop (erf);
	(erf) = vpow2.f32 v24  }
0x164: {  	v24 =	vld [tilespmem:s26+$0x7D20];
	v20 =	vadd.f32 v29, v20;
	v27 =	vmul.f32 $1.442695020e+00, v27;
	v29 =	vpop (erf);
	(erf) = vpow2.f32 v25  }
0x165: {  	v25 =	vld [tilespmem:s26+$0x7D30];
	v22 =	vadd.f32 v29, v22;
	v28 =	vmul.f32 $1.442695020e+00, v28;
	v29 =	vpop (erf);
	(erf) = vpow2.f32 v26  }
0x166: {  	v26 =	vld [tilespmem:s26+$0x7D40];
	v31 =	vmul.f32 $1.442695020e+00, v31;
	v21 =	vadd.f32 v29, v21;
	v29 =	vpop (erf);
	(erf) = vpow2.f32 v27  }
0x167: {  	v32 =	vmul.f32 $1.442695020e+00, v23;
	v27 =	vld [tilespmem:s26+$0x7D50];
	v19 =	vadd.f32 v29, v19;
	v29 =	vpop (erf);
	(erf) = vpow2.f32 v28  }
0x168: {  	v28 =	vmul.f32 $1.442695020e+00, v30;
	v30 =	vld [tilespmem:s26+$0x7D60];
	(erf) = vpow2.f32 v31;
	v18 =	vadd.f32 v29, v18;
	v29 =	vpop (erf)  }
0x169: {  	v24 =	vmul.f32 $1.442695020e+00, v24;
	v31 =	vld [tilespmem:s26+$0x7D70];
	(erf) = vpow2.f32 v32;
	v16 =	vadd.f32 v29, v16;
	v23 =	vpop (erf)  }
0x16a: {  	v25 =	vmul.f32 $1.442695020e+00, v25;
	v29 =	vld [tilespmem:s26+$0x7D80];
	(erf) = vpow2.f32 v28;
	v14 =	vadd.f32 v23, v14;
	v23 =	vpop (erf)  }
0x16b: {  	v26 =	vmul.f32 $1.442695020e+00, v26;
	v28 =	vld [tilespmem:s26+$0x7D90];
	(erf) = vpow2.f32 v24;
	v13 =	vadd.f32 v23, v13;
	v23 =	vpop (erf)  }
.Ltmp3:
0x16c: {  	v27 =	vmul.f32 $1.442695020e+00, v27;
	v24 =	vld [tilespmem:s26+$0x7DA0];
	(erf) = vpow2.f32 v25;
	v11 =	vadd.f32 v23, v11;
	v23 =	vpop (erf);
	(pc) =	sbr.rel @p1 .LBB2_9-.Ltmp3, $4  }
0x16d: {  	v30 =	vmul.f32 $1.442695020e+00, v30;
	v25 =	vld [tilespmem:s26+$0x7DB0];
	(erf) = vpow2.f32 v26;
	v9 =	vadd.f32 v23, v9;
	v23 =	vpop (erf)  }
0x16e: {  	v31 =	vmul.f32 $1.442695020e+00, v31;
	v26 =	vld [tilespmem:s26+$0x7DC0];
	(erf) = vpow2.f32 v27;
	v10 =	vadd.f32 v23, v10;
	v23 =	vpop (erf)  }
0x16f: {  	v29 =	vmul.f32 $1.442695020e+00, v29;
	v27 =	vld [tilespmem:s26+$0x7DD0];
	(erf) = vpow2.f32 v30;
	v12 =	vadd.f32 v23, v12;
	v23 =	vpop (erf)  }
0x170: {  	v30 =	vmul.f32 $1.442695020e+00, v28;
	v28 =	vld [tilespmem:s26+$0x7DE0];
	s26 =	sshra.s32 s28, $0x2;
	s28 =	sadd.s32 $0x400, s28;
	(erf) = vpow2.f32 v31;
	v15 =	vadd.f32 v23, v15;
	v23 =	vpop (erf)  }
0x171: {  	v31 =	vld [tilespmem:s26+$0x7DF0];
	v32 =	vmul.f32 $1.442695020e+00, v24  }
0x172: {  	(erf) = vpow2.f32 v29;
	v29 =	vld [tilespmem:s26+$0x7D00];
	v25 =	vmul.f32 $1.442695020e+00, v25  }
0x173: {  	v24 =	vpop (erf);
	(erf) = vpow2.f32 v30;
	v30 =	vld [tilespmem:s26+$0x7D10];
	v26 =	vmul.f32 $1.442695020e+00, v26  }
0x174: {  	v33 =	vpop (erf);
	(erf) = vpow2.f32 v32;
	v27 =	vmul.f32 $1.442695020e+00, v27  }
0x175: {  	v34 =	vpop (erf);
	(erf) = vpow2.f32 v25;
	v25 =	vld [tilespmem:s26+$0x7D20];
	v28 =	vmul.f32 $1.442695020e+00, v28  }
0x176: {  	v51 =	vpop (erf);
	(erf) = vpow2.f32 v26;
	v26 =	vmul.f32 $1.442695020e+00, v31  }
0x177: {  	v35 =	vpop (erf);
	(erf) = vpow2.f32 v27;
	v27 =	vld [tilespmem:s26+$0x7D30];
	v29 =	vmul.f32 $1.442695020e+00, v29  }
0x178: {  	v31 =	vpop (erf);
	(erf) = vpow2.f32 v28;
	v28 =	vmul.f32 $1.442695020e+00, v30  }
0x179: {  	v36 =	vpop (erf);
	v30 =	vld [tilespmem:s26+$0x7D40]  }
0x17a: {  	(erf) = vpow2.f32 v26;
	v25 =	vmul.f32 $1.442695020e+00, v25;
	v26 =	vpop (erf)  }
0x17b: {  	(erf) = vpow2.f32 v29;
	v29 =	vpop (erf)  }
0x17c: {  	(erf) = vpow2.f32 v28;
	v27 =	vmul.f32 $1.442695020e+00, v27;
	v28 =	vpop (erf)  }
0x17d: {  	v37 =	vld [tilespmem:s26+$0x7D50];
	v38 =	vpop (erf)  }
0x17e: {  	v30 =	vmul.f32 $1.442695020e+00, v30;
	(erf) = vpow2.f32 v25;
	v25 =	vpop (erf)  }
0x17f: {  	v39 =	vld [tilespmem:s26+$0x7D60];
	v40 =	vpop (erf)  }
0x180: {  	v41 =	vld [tilespmem:s26+$0x7D70];
	(erf) = vpow2.f32 v27;
	v27 =	vpop (erf)  }
0x181: {  	v42 =	vpop (erf)  }
0x182: {  	v43 =	vld [tilespmem:s26+$0x7D80];
	v37 =	vmul.f32 $1.442695020e+00, v37;
	(erf) = vpow2.f32 v30;
	v30 =	vpop (erf)  }
0x183: {  	v17 =	vadd.f32 v33, v17;
	v44 =	vpop (erf)  }
0x184: {  	v20 =	vadd.f32 v34, v20;
	v39 =	vmul.f32 $1.442695020e+00, v39;
	(erf) = vpow2.f32 v37;
	v52 =	vpop (erf)  }
0x185: {  	v22 =	vadd.f32 v51, v22;
	v56 =	vmul.f32 $1.442695020e+00, v41;
	v54 =	vpop (erf)  }
0x186: {  	v53 =	vld [tilespmem:s26+$0x7D90];
	(erf) = vpow2.f32 v39;
	v17 =	vadd.f32 v52, v17;
	v20 =	vadd.f32 v54, v20  }
0x187: {  	v55 =	vld [tilespmem:s26+$0x7DA0];
	v21 =	vadd.f32 v35, v21;
	v57 =	vmul.f32 $1.442695020e+00, v43;
	v58 =	vpop (erf)  }
0x188: {  	(erf) = vpow2.f32 v56;
	v22 =	vadd.f32 v58, v22;
	v17 =	vadd.f32 v20, v17;
	v20 =	vld [tilespmem:s26+$0x7DB0]  }
0x189: {  	v19 =	vadd.f32 v31, v19;
	v31 =	vpop (erf)  }
0x18a: {  	(erf) = vpow2.f32 v57;
	v21 =	vadd.f32 v31, v21;
	v17 =	vadd.f32 v22, v17  }
0x18b: {  	v18 =	vadd.f32 v36, v18;
	v60 =	vpop (erf)  }
0x18c: {  	v31 =	vmul.f32 $1.442695020e+00, v53;
	v19 =	vadd.f32 v60, v19;
	v22 =	vld [tilespmem:s26+$0x7DC0];
	v17 =	vadd.f32 v21, v17  }
0x18d: {  	v59 =	vmul.f32 $1.442695020e+00, v55;
	v16 =	vadd.f32 v26, v16;
	v26 =	vpop (erf);
	v21 =	vld [tilespmem:s26+$0x7DD0];
	v20 =	vmul.f32 $1.442695020e+00, v20  }
0x18e: {  	(erf) = vpow2.f32 v31;
	v18 =	vadd.f32 v26, v18;
	v17 =	vadd.f32 v19, v17;
	v19 =	vld [tilespmem:s26+$0x7DE0]  }
0x18f: {  	v14 =	vadd.f32 v29, v14;
	v26 =	vpop (erf)  }
0x190: {  	(erf) = vpow2.f32 v59;
	v16 =	vadd.f32 v26, v16;
	v17 =	vadd.f32 v18, v17  }
0x191: {  	v13 =	vadd.f32 v28, v13;
	(erf) = vpow2.f32 v20;
	v20 =	vpop (erf)  }
0x192: {  	v22 =	vmul.f32 $1.442695020e+00, v22;
	v14 =	vadd.f32 v20, v14;
	v16 =	vadd.f32 v16, v17  }
0x193: {  	v18 =	vmul.f32 $1.442695020e+00, v21;
	v17 =	vmul.f32 $1.442695020e+00, v19;
	v19 =	vpop (erf)  }
0x194: {  	(erf) = vpow2.f32 v22;
	v13 =	vadd.f32 v19, v13;
	v14 =	vadd.f32 v14, v16;
	_ =	sdelay $0x1  }
0x195: {  	v11 =	vadd.f32 v38, v11;
	(erf) = vpow2.f32 v18;
	v13 =	vadd.f32 v13, v14  }
0x196: {  	v16 =	vpop (erf)  }
0x197: {  	v9 =	vadd.f32 v25, v9;
	(erf) = vpow2.f32 v17;
	v11 =	vadd.f32 v16, v11  }
0x198: {  	v10 =	vadd.f32 v40, v10;
	v14 =	vpop (erf)  }
0x199: {  	v9 =	vadd.f32 v14, v9;
	v11 =	vadd.f32 v11, v13;
	v13 =	vpop (erf)  }
0x19a: {  	v10 =	vadd.f32 v13, v10  }
0x19b: {  	v12 =	vadd.f32 v27, v12;
	v9 =	vadd.f32 v9, v11  }
0x19c: {  	v8 =	vadd.f32 v23, v8;
	v11 =	vadd.f32 v42, v15;
	v13 =	vpop (erf)  }
0x19d: {  	v12 =	vadd.f32 v13, v12;
	v9 =	vadd.f32 v10, v9  }
0x19e: {  	v8 =	vadd.f32 v30, v8;
	v10 =	vpop (erf)  }
0x19f: {  	v9 =	vadd.f32 v12, v9;
	v10 =	vadd.f32 v10, v11  }
0x1a0: {  	v7 =	vadd.f32 v24, v7;
	v11 =	vpop (erf)  }
0x1a1: {  	v8 =	vadd.f32 v11, v8;
	v9 =	vadd.f32 v10, v9;
	_ =	sdelay $0x1  }
0x1a2: {  	v7 =	vadd.f32 v44, v7;
	v8 =	vadd.f32 v8, v9;
	_ =	sdelay $0x1  }
0x1a3: {  	v7 =	vadd.f32 v7, v8;
	_ =	sdelay $0x1  }
0x1a4: {  	(xrf2) =	vadd.scan.msk.f32 $0xffff, v7;
	_ =	sdelay $0x9  }
0x1a5: {  	v7, _, _ =	vpop (xrf2)  }
0x1a6: {  	v7 =	vbroadcast v7, $0xF;
	_ =	sdelay $0x1  }
0x1a7: {  	v8 =	vand.u32 $0x7FFFFF, v7  }
0x1a8: {  	v8 =	vor.u32 $0x3F800000, v8  }
0x1a9: {  	v9 =	vmul.f32 $5.000000000e-01, v8  }
0x1aa: {  	vm4 =	vgt.f32 v8, $1.414213540e+00  }
0x1ab: {  	v8 =	vsel vm4, v9, v8  }
0x1ac: {  	v9 =	vadd.f32 $1.000000000e+00, v8;
	_ =	sdelay $0x1  }
0x1ad: {  	(erf) = vrcp.f32 v9;
	_ =	sdelay $0x7  }
0x1ae: {  	v8 =	vadd.f32 $-1.000000000e+00, v8  }
0x1af: {  	v9 =	vpop (erf)  }
0x1b0: {  	v8 =	vmul.f32 v9, v8;
	_ =	sdelay $0x1  }
0x1b1: {  	v9 =	vmul.f32 v8, v8;
	_ =	sdelay $0x1  }
0x1b2: {  	v10 =	vmul.f32 $1.428571490e-01, v9;
	_ =	sdelay $0x1  }
0x1b3: {  	v10 =	vadd.f32 $2.000000030e-01, v10;
	_ =	sdelay $0x1  }
0x1b4: {  	v10 =	vmul.f32 v10, v9;
	_ =	sdelay $0x1  }
0x1b5: {  	s19 =	simm.s32 $0x7D80;
	v7 =	vshrl.u32 v7, $0x17;
	v10 =	vadd.f32 $3.333333430e-01, v10  }
0x1b6: {  	v17 =	vld [tilespmem:s19+$0xFFFFFFD0];
	v7 =	vand.u32 $0xFF, v7;
	v11 =	vsel vm4, $0x1, v1  }
0x1b7: {  	v14 =	vld [tilespmem:s19+$0x60];
	v7 =	vadd.s32 v11, v7;
	v9 =	vmul.f32 v10, v9  }
0x1b8: {  	v15 =	vld [tilespmem:s19+$0xFFFFFF80];
	v7 =	vadd.s32 $0xFFFFFF81, v7  }
0x1b9: {  	v13 =	vld [tilespmem:s19+$0x20];
	v7 =	vcvt.s32.f32 v7;
	v8 =	vadd.f32 v8, v8;
	v9 =	vadd.f32 $1.000000000e+00, v9  }
0x1ba: {  	v10 =	vld [tilespmem:s19+$0x30]  }
0x1bb: {  	v12 =	vld [tilespmem:s19+$0x70];
	v7 =	vmul.f32 $6.931471820e-01, v7;
	v8 =	vmul.f32 v9, v8  }
0x1bc: {  	v16 =	vld [tilespmem:s19+$0x40]  }
0x1bd: {  	v24 =	vld [tilespmem:s19+$0x50];
	v8 =	vadd.f32 v8, v7  }
0x1be: {  	v25 =	vmul.f32 $1.780869600e+02, v15  }
0x1bf: {  	v22 =	vmul.f32 $1.780869600e+02, v13;
	v9 =	vld [tilespmem:s19+$0xFFFFFFB0];
	v7 =	vadd.f32 $-2.300000000e+01, v8;
	v11 =	vsub.f32 v10, v8  }
0x1c0: {  	v20 =	vmul.f32 $1.780869600e+02, v12;
	v19 =	vsub.f32 v12, v8;
	v21 =	vsub.f32 v14, v8  }
0x1c1: {  	v27 =	vsub.f32 v16, v8;
	v16 =	vmul.f32 $1.780869600e+02, v16;
	v28 =	vsub.f32 v17, v8  }
0x1c2: {  	v23 =	vld [tilespmem:s19+$0xFFFFFFE0];
	v17 =	vmul.f32 $1.780869600e+02, v17;
	v30 =	vsub.f32 v24, v8;
	v24 =	vmul.f32 $1.780869600e+02, v24  }
0x1c3: {  	v12 =	vsub.f32 v13, v8;
	v14 =	vmul.f32 $1.780869600e+02, v14;
	v7 =	vmul.f32 $1.780869600e+02, v7  }
0x1c4: {  	v18 =	vsub.f32 v9, v8;
	v13 =	vmul.f32 $1.442695020e+00, v19;
	v19 =	vsub.f32 v15, v8  }
0x1c5: {  	v9 =	vmul.f32 $1.780869600e+02, v9;
	v15 =	vmul.f32 $1.442695020e+00, v12;
	v22 =	vsub.f32 v22, v7  }
0x1c6: {  	v26 =	vld [tilespmem:s19+$0xFFFFFFC0];
	v12 =	vmul.f32 $1.442695020e+00, v19;
	v19 =	vmul.f32 $1.442695020e+00, v27;
	v25 =	vsub.f32 v25, v7  }
0x1c7: {  	v16 =	vsub.f32 v16, v7;
	v27 =	vmul.f32 $1.442695020e+00, v28;
	v28 =	vsub.f32 v23, v8  }
0x1c8: {  	v17 =	vsub.f32 v17, v7;
	v9 =	vsub.f32 v9, v7  }
0x1c9: {  	v21 =	vmul.f32 $1.442695020e+00, v21;
	v24 =	vsub.f32 v24, v7;
	v14 =	vsub.f32 v14, v7  }
0x1ca: {  	(erf) = vpow2.f32 v19;
	v19 =	vmul.f32 $1.780869600e+02, v23;
	v16 =	vmax.f32 v16, $0.0e+00  }
0x1cb: {  	v29 =	vld [tilespmem:s19+$0xFFFFFFF0];
	v23 =	vsub.f32 v26, v8;
	v25 =	vmax.f32 v25, $0.0e+00;
	v22 =	vmax.f32 v22, $0.0e+00  }
0x1cc: {  	v26 =	vmul.f32 $1.780869600e+02, v26;
	v17 =	vmax.f32 v17, $0.0e+00;
	(erf) = vpow2.f32 v12  }
0x1cd: {  	v9 =	vmax.f32 v9, $0.0e+00;
	v12 =	vmin.f32 v16, $4.095500000e+03;
	(erf) = vpow2.f32 v27  }
0x1ce: {  	v17 =	vmin.f32 v17, $4.095500000e+03;
	v16 =	vmul.f32 $1.442695020e+00, v23;
	v27 =	vmul.f32 $1.442695020e+00, v18  }
0x1cf: {  	v23 =	vmin.f32 v25, $4.095500000e+03;
	v25 =	vmul.f32 $1.442695020e+00, v28;
	v18 =	vmul.f32 $1.442695020e+00, v30  }
0x1d0: {  	v28 =	vsub.f32 v29, v8;
	v29 =	vmul.f32 $1.780869600e+02, v29;
	v17 =	vtrunc.f32 v17  }
0x1d1: {  	v19 =	vsub.f32 v19, v7;
	v23 =	vtrunc.f32 v23;
	(erf) = vpow2.f32 v18  }
0x1d2: {  	v9 =	vmin.f32 v9, $4.095500000e+03;
	v63 =	vcvt.f32.s32 v17;
	(erf) = vpow2.f32 v16  }
0x1d3: {  	v19 =	vmax.f32 v19, $0.0e+00;
	v29 =	vsub.f32 v29, v7;
	v18 =	vmin.f32 v22, $4.095500000e+03  }
0x1d4: {  	v30 =	vcvt.f32.s32 v23;
	v23 =	vmul.f32 $1.442695020e+00, v28;
	v19 =	vmin.f32 v19, $4.095500000e+03  }
0x1d5: {  	v16 =	vld [tilespmem:s19+$0x0];
	v31 =	vtrunc.f32 v19;
	v19 =	vmax.f32 v24, $0.0e+00;
	v22 =	vpop (erf);
	(erf) = vpow2.f32 v21  }
0x1d6: {  	v28 =	vmax.f32 v14, $0.0e+00;
	v19 =	vmin.f32 v19, $4.095500000e+03;
	v24 =	vpop (erf);
	(erf) = vpow2.f32 v23  }
0x1d7: {  	v17 =	vtrunc.f32 v9;
	v9 =	vmin.f32 v28, $4.095500000e+03;
	v19 =	vtrunc.f32 v19;
	v21 =	vpop (erf)  }
0x1d8: {  	v61 =	vxor.u32 $0x80000000, v21;
	v21 =	vmax.f32 v29, $0.0e+00;
	v29 =	vcvt.f32.s32 v19  }
0x1d9: {  	v62 =	vsub.f32 v26, v7;
	v9 =	vtrunc.f32 v9;
	v23 =	vld [tilespmem:s19+$0xFFFFFF90];
	(erf) = vpow2.f32 v25  }
0x1da: {  	v14 =	vxor.u32 $0x80000000, v22;
	[tilespmem:v30+s16+$0x0] =	vst.idx.add.f32.msk $0xffff, v3;
	v24 =	vxor.u32 $0x80000000, v24;
	v19 =	vsub.f32 v16, v8;
	v22 =	vpop (erf)  }
0x1db: {  	[tilespmem:v30+s17+$0x0] =	vst.idx.add.f32.msk $0xffff, v24;
	v30 =	vmul.f32 $1.780869600e+02, v16;
	v21 =	vmin.f32 v21, $4.095500000e+03;
	v22 =	vxor.u32 $0x80000000, v22;
	v25 =	vpop (erf)  }
0x1dc: {  	v21 =	vtrunc.f32 v21;
	v26 =	vxor.u32 $0x80000000, v25;
	v25 =	vsub.f32 v20, v7  }
0x1dd: {  	v16 =	vld [tilespmem:s19+$0x10];
	v28 =	vmul.f32 $1.442695020e+00, v19;
	v24 =	vcvt.f32.s32 v21;
	v21 =	vmax.f32 v62, $0.0e+00  }
0x1de: {  	v20 =	vcvt.f32.s32 v9;
	v9 =	vsub.f32 v23, v8;
	v25 =	vmax.f32 v25, $0.0e+00;
	v19 =	vpop (erf);
	[tilespmem:v29+s16+$0x0] =	vst.idx.add.f32.msk $0xffff, v3  }
0x1df: {  	(erf) = vpow2.f32 v28;
	v28 =	vmin.f32 v21, $4.095500000e+03;
	[tilespmem:v29+s17+$0x0] =	vst.idx.add.f32.msk $0xffff, v22;
	v29 =	vsub.f32 v30, v7;
	v22 =	vpop (erf)  }
0x1e0: {  	[tilespmem:v63+s16+$0x0] =	vst.idx.add.f32.msk $0xffff, v3;
	v21 =	vcvt.f32.s32 v31;
	v19 =	vxor.u32 $0x80000000, v19;
	v31 =	vxor.u32 $0x80000000, v22  }
0x1e1: {  	s30 =	simm.s32 $0x0;
	v30 =	vld [tilespmem:s19+$0xFFFFFFA0];
	v22 =	vmul.f32 $1.442695020e+00, v9;
	v9 =	vtrunc.f32 v28;
	v28 =	vmax.f32 v29, $0.0e+00  }
0x1e2: {  	s31 =	simm.s32 $0x7E80;
	s29 =	simm.s32 $0xFD20;
	s28 =	simm.s32 $0x10D20;
	[tilespmem:v63+s17+$0x0] =	vst.idx.add.f32.msk $0xffff, v61;
	(erf) = vpow2.f32 v27;
	v33 =	vpop (erf);
	v34 =	vcvt.f32.s32 v9;
	v32 =	vmin.f32 v28, $4.095500000e+03  }
.LBB2_11:
0x1e3: {  	v35 =	vld [tilespmem:s31+$0xFFFFFFD0];
	s30 =	sadd.s32 $0x10, s30;
	v9 =	vmul.f32 $1.780869600e+02, v23;
	v25 =	vmin.f32 v25, $4.095500000e+03;
	s26 =	simm.f32 $0.0e+00;
	(erf) = vpow2.f32 v13  }
0x1e4: {  	v13 =	vsub.f32 v16, v8;
	v23 =	vld [tilespmem:s31+$0x60];
	p1 =	slt.u32 s30, $0x7F0;
	v36 =	vtrunc.f32 v25;
	(erf) = vpow2.f32 v15  }
0x1e5: {  	v27 =	vtrunc.f32 v18;
	v11 =	vmul.f32 $1.442695020e+00, v11;
	v15 =	vld [tilespmem:s31+$0xFFFFFF80];
	v9 =	vsub.f32 v9, v7  }
0x1e6: {  	v10 =	vmul.f32 $1.780869600e+02, v10;
	v29 =	vsub.f32 v30, v8;
	v25 =	vmul.f32 $1.780869600e+02, v16;
	v28 =	vld [tilespmem:s31+$0x50]  }
0x1e7: {  	v13 =	vmul.f32 $1.442695020e+00, v13;
	v9 =	vmax.f32 v9, $0.0e+00;
	[tilespmem:v21+s16+$0x0] =	vst.idx.add.f32.msk $0xffff, v3;
	(erf) = vpow2.f32 v11  }
0x1e8: {  	v10 =	vsub.f32 v10, v7;
	v11 =	vsub.f32 v25, v7;
	v18 =	vld [tilespmem:s31+$0xFFFFFFC0];
	v9 =	vmin.f32 v9, $4.095500000e+03;
	v16 =	vpop (erf)  }
0x1e9: {  	v37 =	vld [tilespmem:s31+$0x40];
	v9 =	vtrunc.f32 v9;
	v25 =	vxor.u32 $0x80000000, v16;
	(erf) = vpow2.f32 v13  }
0x1ea: {  	v10 =	vmax.f32 v10, $0.0e+00;
	v13 =	vmul.f32 $1.442695020e+00, v29;
	v11 =	vmax.f32 v11, $0.0e+00;
	[tilespmem:v34+s16+$0x0] =	vst.idx.add.f32.msk $0xffff, v3  }
0x1eb: {  	v10 =	vmin.f32 v10, $4.095500000e+03;
	v29 =	vcvt.f32.s32 v27;
	v11 =	vmin.f32 v11, $4.095500000e+03;
	[tilespmem:v24+s16+$0x0] =	vst.idx.add.f32.msk $0xffff, v3;
	v16 =	vpop (erf)  }
0x1ec: {  	v11 =	vtrunc.f32 v11;
	v38 =	vld [tilespmem:s31+$0xFFFFFFB0];
	v27 =	vxor.u32 $0x80000000, v16;
	v16 =	vtrunc.f32 v32;
	v32 =	vpop (erf)  }
0x1ed: {  	[tilespmem:v34+s17+$0x0] =	vst.idx.add.f32.msk $0xffff, v26;
	v26 =	vcvt.f32.s32 v16;
	v16 =	vtrunc.f32 v10;
	v32 =	vxor.u32 $0x80000000, v32;
	v34 =	vpop (erf)  }
0x1ee: {  	v39 =	vcvt.f32.s32 v11;
	v10 =	vld [tilespmem:s31+$0x30];
	v34 =	vxor.u32 $0x80000000, v34;
	v40 =	vcvt.f32.s32 v16  }
0x1ef: {  	v11 =	vmul.f32 $1.780869600e+02, v30;
	v41 =	vld [tilespmem:s31+$0x70];
	(erf) = vpow2.f32 v13  }
0x1f0: {  	v33 =	vxor.u32 $0x80000000, v33;
	v12 =	vtrunc.f32 v12;
	v30 =	vcvt.f32.s32 v9;
	[tilespmem:v24+s17+$0x0] =	vst.idx.add.f32.msk $0xffff, v31;
	v9 =	vpop (erf)  }
0x1f1: {  	v42 =	vsub.f32 v11, v7;
	v31 =	vsub.f32 v38, v8;
	v13 =	vld [tilespmem:s31+$0x20];
	v43 =	vxor.u32 $0x80000000, v9  }
0x1f2: {  	v12 =	vcvt.f32.s32 v12;
	v36 =	vcvt.f32.s32 v36;
	v9 =	vimm.f32 $0.0e+00;
	v16 =	vld [tilespmem:s31+$0x10];
	v44 =	vpop (erf)  }
0x1f3: {  	v42 =	vmax.f32 v42, $0.0e+00;
	v24 =	vld [tilespmem:s31+$0x0];
	v11 =	vsub.f32 v10, v8;
	(erf) = vpow2.f32 v22  }
0x1f4: {  	v45 =	vsub.f32 v41, v8;
	v22 =	vmul.f32 $1.780869600e+02, v41;
	v41 =	vmin.f32 v42, $4.095500000e+03;
	[tilespmem:v20+s16+$0x0] =	vst.idx.add.f32.msk $0xffff, v3  }
0x1f5: {  	v17 =	vcvt.f32.s32 v17;
	v42 =	vsub.f32 v23, v8;
	v41 =	vtrunc.f32 v41;
	[tilespmem:v39+s16+$0x0] =	vst.idx.add.f32.msk $0xffff, v3  }
0x1f6: {  	v46 =	vsub.f32 v13, v8;
	v47 =	vmul.f32 $1.780869600e+02, v13;
	v13 =	vmul.f32 $1.442695020e+00, v45;
	[tilespmem:v20+s17+$0x0] =	vst.idx.add.f32.msk $0xffff, v19  }
0x1f7: {  	v19 =	vsub.f32 v15, v8;
	v20 =	vmul.f32 $1.780869600e+02, v15;
	v41 =	vcvt.f32.s32 v41;
	v45 =	vld [tilespmem:s31+$0xFFFFFFE0]  }
0x1f8: {  	v48 =	vsub.f32 v37, v8;
	v37 =	vmul.f32 $1.780869600e+02, v37;
	v47 =	vsub.f32 v47, v7;
	[tilespmem:v21+s17+$0x0] =	vst.idx.add.f32.msk $0xffff, v33;
	v21 =	vpop (erf)  }
0x1f9: {  	v33 =	vsub.f32 v35, v8;
	v35 =	vmul.f32 $1.780869600e+02, v35;
	v15 =	vmul.f32 $1.442695020e+00, v46;
	[tilespmem:v40+s16+$0x0] =	vst.idx.add.f32.msk $0xffff, v3  }
0x1fa: {  	v48 =	vmul.f32 $1.442695020e+00, v48;
	v44 =	vxor.u32 $0x80000000, v44;
	v19 =	vmul.f32 $1.442695020e+00, v19;
	v46 =	vld [tilespmem:s31+$0xFFFFFFF0]  }
0x1fb: {  	v37 =	vsub.f32 v37, v7;
	v20 =	vsub.f32 v20, v7;
	v21 =	vxor.u32 $0x80000000, v21;
	[tilespmem:v12+s16+$0x0] =	vst.idx.add.f32.msk $0xffff, v3  }
0x1fc: {  	v33 =	vmul.f32 $1.442695020e+00, v33;
	v49 =	vsub.f32 v45, v8;
	(erf) = vpow2.f32 v48;
	[tilespmem:v12+s17+$0x0] =	vst.idx.add.f32.msk $0xffff, v14;
	v14 =	vpop (erf)  }
0x1fd: {  	v35 =	vsub.f32 v35, v7;
	v45 =	vmul.f32 $1.780869600e+02, v45;
	v12 =	vmax.f32 v37, $0.0e+00;
	[tilespmem:v40+s17+$0x0] =	vst.idx.add.f32.msk $0xffff, v43  }
0x1fe: {  	v37 =	vsub.f32 v18, v8;
	v40 =	vsub.f32 v28, v8;
	(erf) = vpow2.f32 v19;
	[tilespmem:v39+s17+$0x0] =	vst.idx.add.f32.msk $0xffff, v44  }
0x1ff: {  	v12 =	vmin.f32 v12, $4.095500000e+03;
	v19 =	vmax.f32 v20, $0.0e+00;
	(erf) = vpow2.f32 v33;
	[tilespmem:v30+s16+$0x0] =	vst.idx.add.f32.msk $0xffff, v3  }
0x200: {  	v14 =	vxor.u32 $0x80000000, v14;
	v20 =	vmul.f32 $1.442695020e+00, v37;
	v33 =	vsub.f32 v45, v7;
	[tilespmem:v41+s16+$0x0] =	vst.idx.add.f32.msk $0xffff, v3  }
0x201: {  	v37 =	vmul.f32 $1.442695020e+00, v31;
	v31 =	vmul.f32 $1.442695020e+00, v49;
	v19 =	vmin.f32 v19, $4.095500000e+03;
	[tilespmem:v29+s16+$0x0] =	vst.idx.add.f32.msk $0xffff, v3  }
0x202: {  	v39 =	vsub.f32 v46, v8;
	v43 =	vmul.f32 $1.442695020e+00, v40;
	v19 =	vtrunc.f32 v19;
	[tilespmem:v41+s17+$0x0] =	vst.idx.add.f32.msk $0xffff, v21  }
0x203: {  	v33 =	vmax.f32 v33, $0.0e+00;
	v21 =	vmul.f32 $1.780869600e+02, v38;
	v38 =	vmul.f32 $1.780869600e+02, v46;
	[tilespmem:v26+s16+$0x0] =	vst.idx.add.f32.msk $0xffff, v3  }
0x204: {  	v28 =	vmul.f32 $1.780869600e+02, v28;
	v41 =	vmax.f32 v47, $0.0e+00;
	(erf) = vpow2.f32 v43;
	[tilespmem:v36+s16+$0x0] =	vst.idx.add.f32.msk $0xffff, v3  }
0x205: {  	v23 =	vmul.f32 $1.780869600e+02, v23;
	v33 =	vmin.f32 v33, $4.095500000e+03;
	v38 =	vsub.f32 v38, v7;
	v40 =	vpop (erf);
	[tilespmem:v29+s17+$0x0] =	vst.idx.add.f32.msk $0xffff, v34  }
0x206: {  	v28 =	vsub.f32 v28, v7;
	v21 =	vsub.f32 v21, v7;
	(erf) = vpow2.f32 v20;
	[tilespmem:v36+s17+$0x0] =	vst.idx.add.f32.msk $0xffff, v32  }
0x207: {  	v29 =	vmul.f32 $1.442695020e+00, v42;
	v20 =	vmul.f32 $1.780869600e+02, v18;
	v18 =	vmin.f32 v41, $4.095500000e+03;
	v32 =	vpop (erf);
	[tilespmem:v17+s16+$0x0] =	vst.idx.add.f32.msk $0xffff, v3  }
0x208: {  	v23 =	vsub.f32 v23, v7;
	v28 =	vmax.f32 v28, $0.0e+00;
	v33 =	vtrunc.f32 v33;
	v34 =	vpop (erf);
	[tilespmem:v26+s17+$0x0] =	vst.idx.add.f32.msk $0xffff, v25  }
0x209: {  	v19 =	vcvt.f32.s32 v19;
	v25 =	vmin.f32 v28, $4.095500000e+03;
	(erf) = vpow2.f32 v29;
	[tilespmem:v30+s17+$0x0] =	vst.idx.add.f32.msk $0xffff, v14  }
0x20a: {  	v28 =	vmax.f32 v23, $0.0e+00;
	v14 =	vmul.f32 $1.442695020e+00, v39;
	v25 =	vtrunc.f32 v25;
	[tilespmem:v17+s17+$0x0] =	vst.idx.add.f32.msk $0xffff, v27  }
0x20b: {  	v27 =	vxor.u32 $0x80000000, v34;
	v17 =	vmax.f32 v38, $0.0e+00;
	v25 =	vcvt.f32.s32 v25  }
0x20c: {  	v23 =	vmax.f32 v35, $0.0e+00;
	v29 =	vsub.f32 v24, v8;
	(erf) = vpow2.f32 v14  }
0x20d: {  	v21 =	vmax.f32 v21, $0.0e+00;
	v20 =	vsub.f32 v20, v7;
	v14 =	vxor.u32 $0x80000000, v40;
	v26 =	vpop (erf)  }
0x20e: {  	v23 =	vmin.f32 v23, $4.095500000e+03;
	v17 =	vmin.f32 v17, $4.095500000e+03;
	v30 =	vxor.u32 $0x80000000, v26  }
0x20f: {  	v21 =	vmin.f32 v21, $4.095500000e+03;
	v26 =	vtrunc.f32 v23;
	[tilespmem:v19+s16+$0x0] =	vst.idx.add.f32.msk $0xffff, v3;
	v34 =	vpop (erf);
	(erf) = vpow2.f32 v31  }
0x210: {  	v35 =	vtrunc.f32 v17;
	v31 =	vxor.u32 $0x80000000, v32;
	v32 =	vcvt.f32.s32 v26;
	v23 =	vld [tilespmem:s31+$0xFFFFFF90]  }
0x211: {  	v17 =	vtrunc.f32 v21;
	v21 =	vmin.f32 v28, $4.095500000e+03;
	v26 =	vxor.u32 $0x80000000, v34;
	[tilespmem:v19+s17+$0x0] =	vst.idx.add.f32.msk $0xffff, v31  }
0x212: {  	v22 =	vsub.f32 v22, v7;
	v28 =	vmul.f32 $1.442695020e+00, v29;
	v29 =	vmul.f32 $1.780869600e+02, v24;
	[tilespmem:v25+s16+$0x0] =	vst.idx.add.f32.msk $0xffff, v3;
	v19 =	vpop (erf)  }
0x213: {  	v24 =	vcvt.f32.s32 v35;
	v21 =	vtrunc.f32 v21;
	[tilespmem:v25+s17+$0x0] =	vst.idx.add.f32.msk $0xffff, v30;
	v19 =	vxor.u32 $0x80000000, v19  }
.Ltmp4:
0x214: {  	v31 =	vmax.f32 v20, $0.0e+00;
	v20 =	vcvt.f32.s32 v21;
	v25 =	vmax.f32 v22, $0.0e+00;
	(pc) =	sbr.rel @p1 .LBB2_11-.Ltmp4, $4  }
0x215: {  	v29 =	vsub.f32 v29, v7;
	v22 =	vsub.f32 v23, v8;
	v30 =	vld [tilespmem:s31+$0xFFFFFFA0];
	v34 =	vpop (erf);
	(erf) = vpow2.f32 v28  }
0x216: {  	v21 =	vcvt.f32.s32 v33;
	v28 =	vmin.f32 v31, $4.095500000e+03;
	[tilespmem:v32+s16+$0x0] =	vst.idx.add.f32.msk $0xffff, v3;
	v31 =	vxor.u32 $0x80000000, v34  }
0x217: {  	v28 =	vtrunc.f32 v28;
	v22 =	vmul.f32 $1.442695020e+00, v22;
	[tilespmem:v32+s17+$0x0] =	vst.idx.add.f32.msk $0xffff, v27;
	v27 =	vmax.f32 v29, $0.0e+00  }
0x218: {  	s31 =	sadd.s32 $0x100, s31;
	v34 =	vcvt.f32.s32 v28;
	v32 =	vmin.f32 v27, $4.095500000e+03;
	(erf) = vpow2.f32 v37;
	v33 =	vpop (erf)  }
0x219: {  	v27 =	vmul.f32 $1.780869600e+02, v16;
	_ =	sdelay $0x1  }
0x21a: {  	(erf) = vpow2.f32 v13;
	v10 =	vmul.f32 $1.780869600e+02, v10;
	v27 =	vsub.f32 v27, v7  }
0x21b: {  	v13 =	vsub.f32 v16, v8;
	v11 =	vmul.f32 $1.442695020e+00, v11;
	v12 =	vtrunc.f32 v12  }
0x21c: {  	[tilespmem:v21+s16+$0x0] =	vst.idx.add.f32.msk $0xffff, v3;
	v16 =	vxor.u32 $0x80000000, v33;
	(erf) = vpow2.f32 v15;
	v15 =	vmax.f32 v27, $0.0e+00  }
0x21d: {  	v12 =	vcvt.f32.s32 v12;
	[tilespmem:v21+s17+$0x0] =	vst.idx.add.f32.msk $0xffff, v16;
	v16 =	vtrunc.f32 v18;
	v15 =	vmin.f32 v15, $4.095500000e+03  }
0x21e: {  	v8 =	vsub.f32 v30, v8;
	(erf) = vpow2.f32 v11;
	v15 =	vtrunc.f32 v15  }
0x21f: {  	v10 =	vsub.f32 v10, v7;
	v11 =	vcvt.f32.s32 v15;
	v15 =	vmul.f32 $1.780869600e+02, v23  }
0x220: {  	[tilespmem:v24+s16+$0x0] =	vst.idx.add.f32.msk $0xffff, v3;
	v13 =	vmul.f32 $1.442695020e+00, v13;
	v16 =	vcvt.f32.s32 v16  }
0x221: {  	[tilespmem:v20+s16+$0x0] =	vst.idx.add.f32.msk $0xffff, v3;
	v8 =	vmul.f32 $1.442695020e+00, v8;
	v10 =	vmax.f32 v10, $0.0e+00;
	v15 =	vsub.f32 v15, v7  }
0x222: {  	[tilespmem:v34+s16+$0x0] =	vst.idx.add.f32.msk $0xffff, v3;
	(erf) = vpow2.f32 v13;
	v13 =	vmul.f32 $1.780869600e+02, v30;
	v10 =	vmin.f32 v10, $4.095500000e+03  }
0x223: {  	[tilespmem:v24+s17+$0x0] =	vst.idx.add.f32.msk $0xffff, v31;
	v10 =	vtrunc.f32 v10  }
0x224: {  	[tilespmem:v20+s17+$0x0] =	vst.idx.add.f32.msk $0xffff, v19;
	v10 =	vcvt.f32.s32 v10;
	v7 =	vsub.f32 v13, v7  }
0x225: {  	[tilespmem:v12+s16+$0x0] =	vst.idx.add.f32.msk $0xffff, v3;
	v23 =	vtrunc.f32 v32;
	v13 =	vmax.f32 v15, $0.0e+00;
	v15 =	vpop (erf);
	(erf) = vpow2.f32 v8  }
0x226: {  	[tilespmem:v12+s17+$0x0] =	vst.idx.add.f32.msk $0xffff, v14;
	v14 =	vcvt.f32.s32 v23;
	v7 =	vmax.f32 v7, $0.0e+00;
	v13 =	vmin.f32 v13, $4.095500000e+03;
	v8 =	vpop (erf)  }
0x227: {  	[tilespmem:v34+s17+$0x0] =	vst.idx.add.f32.msk $0xffff, v26;
	v7 =	vmin.f32 v7, $4.095500000e+03;
	v13 =	vtrunc.f32 v13;
	v19 =	vpop (erf)  }
0x228: {  	[tilespmem:v16+s16+$0x0] =	vst.idx.add.f32.msk $0xffff, v3;
	v7 =	vtrunc.f32 v7;
	v13 =	vcvt.f32.s32 v13;
	v18 =	vpop (erf)  }
0x229: {  	v21 =	vmin.f32 v25, $4.095500000e+03;
	[tilespmem:v11+s16+$0x0] =	vst.idx.add.f32.msk $0xffff, v3;
	v7 =	vcvt.f32.s32 v7;
	v20 =	vpop (erf)  }
0x22a: {  	v12 =	vtrunc.f32 v21;
	[tilespmem:v10+s16+$0x0] =	vst.idx.add.f32.msk $0xffff, v3;
	v20 =	vxor.u32 $0x80000000, v20  }
0x22b: {  	v24 =	vpop (erf);
	[tilespmem:v10+s17+$0x0] =	vst.idx.add.f32.msk $0xffff, v20;
	v10 =	vcvt.f32.s32 v12  }
0x22c: {  	[tilespmem:v14+s16+$0x0] =	vst.idx.add.f32.msk $0xffff, v3;
	(erf) = vpow2.f32 v22;
	v21 =	vxor.u32 $0x80000000, v24  }
0x22d: {  	v12 =	vcvt.f32.s32 v17;
	[tilespmem:v11+s17+$0x0] =	vst.idx.add.f32.msk $0xffff, v21  }
0x22e: {  	[tilespmem:v13+s16+$0x0] =	vst.idx.add.f32.msk $0xffff, v3;
	v11 =	vpop (erf)  }
0x22f: {  	[tilespmem:v7+s16+$0x0] =	vst.idx.add.f32.msk $0xffff, v3;
	v11 =	vxor.u32 $0x80000000, v11  }
0x230: {  	[tilespmem:v7+s17+$0x0] =	vst.idx.add.f32.msk $0xffff, v11  }
0x231: {  	v7 =	vxor.u32 $0x80000000, v18;
	[tilespmem:v10+s16+$0x0] =	vst.idx.add.f32.msk $0xffff, v3  }
0x232: {  	[tilespmem:v16+s17+$0x0] =	vst.idx.add.f32.msk $0xffff, v7  }
0x233: {  	v11 =	vxor.u32 $0x80000000, v19;
	[tilespmem:v12+s16+$0x0] =	vst.idx.add.f32.msk $0xffff, v3  }
0x234: {  	v7 =	vxor.u32 $0x80000000, v15;
	[tilespmem:v10+s17+$0x0] =	vst.idx.add.f32.msk $0xffff, v11  }
0x235: {  	v10 =	vpop (erf);
	[tilespmem:v14+s17+$0x0] =	vst.idx.add.f32.msk $0xffff, v7;
	v7 =	vxor.u32 $0x80000000, v8  }
0x236: {  	v10 =	vxor.u32 $0x80000000, v10;
	[tilespmem:v12+s17+$0x0] =	vst.idx.add.f32.msk $0xffff, v7  }
0x237: {  	[tilespmem:v13+s17+$0x0] =	vst.idx.add.f32.msk $0xffff, v10  }
0x238: {  	v19 =	vld [tilespmem:s29+$0xFFFFFFE0]  }
0x239: {  	v23 =	vld [tilespmem:s28+$0xFFFFFFE0];
	[tilespmem:s29+$0xFFFFFFE0] =	vst v0  }
0x23a: {  	[tilespmem:s28+$0xFFFFFFE0] =	vst v0  }
0x23b: {  	v27 =	vld [tilespmem:s29+$0xFFFFFFF0];
	_ =	sdelay $0x2  }
0x23c: {  	(xrf2) =	vadd.scan.msk.f32 $0xffff, v19  }
0x23d: {  	v29 =	vld [tilespmem:s28+$0xFFFFFFF0];
	[tilespmem:s29+$0xFFFFFFF0] =	vst v0  }
0x23e: {  	[tilespmem:s28+$0xFFFFFFF0] =	vst v0;
	(xrf2) =	vadd.scan.msk.f32 $0xffff, v27  }
0x23f: {  	v24 =	vld [tilespmem:s29+$0x0];
	_ =	sdelay $0x4  }
0x240: {  	v30 =	vld [tilespmem:s28+$0x0];
	[tilespmem:s29+$0x0] =	vst v0;
	(xrf2) =	vadd.scan.msk.f32 $0xffff, v24  }
0x241: {  	[tilespmem:s28+$0x0] =	vst v0  }
0x242: {  	v31 =	vld [tilespmem:s29+$0x10];
	v12, _, _ =	vpop (xrf2)  }
0x243: {  	(v2sf) =	vpush v12, $0xF  }
0x244: {  	v17 =	vld [tilespmem:s28+$0x10];
	[tilespmem:s29+$0x10] =	vst v0;
	v26, _, _ =	vpop (xrf2)  }
0x245: {  	s2 =	simm.s32 $0xFD60;
	[tilespmem:s28+$0x10] =	vst v0;
	(v2sf) =	vpush v26, $0xF  }
0x246: {  	s3 =	simm.s32 $0x0;
	s4 =	simm.s32 $0x10D60;
	v16 =	vld [tilespmem:s2+$0xFFFFFFE0]  }
0x247: {  	s3 =	scvt.s32.f32 s3;
	v10 =	vld [tilespmem:s4+$0xFFFFFFE0];
	[tilespmem:s2+$0xFFFFFFE0] =	vst v0;
	(xrf2) =	vadd.scan.msk.f32 $0xffff, v31  }
0x248: {  	[tilespmem:s4+$0xFFFFFFE0] =	vst v0  }
0x249: {  	s3 =	smul.f32 $3.593750000e-01, s3;
	v13 =	vld [tilespmem:s2+$0xFFFFFFF0]  }
0x24a: {  	v8 =	vld [tilespmem:s4+$0xFFFFFFF0];
	[tilespmem:s2+$0xFFFFFFF0] =	vst v0;
	v21, _, _ =	vpop (xrf2)  }
0x24b: {  	s3 =	sadd.f32 $-2.300000000e+01, s3;
	[tilespmem:s4+$0xFFFFFFF0] =	vst v0;
	(xrf2) =	vadd.scan.msk.f32 $0xffff, v16;
	(v2sf) =	vpush v21, $0xF  }
0x24c: {  	v18 =	vld [tilespmem:s2+$0x0]  }
0x24d: {  	v14 =	vadd.f32 s3, v4;
	s28 =	sadd.f32 $1.796875000e-01, s3  }
0x24e: {  	s29 =	sadd.f32 $8.984375000e-02, s3;
	(xrf2) =	vadd.scan.msk.f32 $0xffff, v13  }
0x24f: {  	v14 =	vmul.f32 $1.442695020e+00, v14;
	v15 =	vadd.f32 s28, v4  }
0x250: {  	s3 =	sadd.f32 $2.695312500e-01, s3;
	v25 =	vadd.f32 s29, v4  }
0x251: {  	(erf) = vpow2.f32 v14;
	v11 =	vld [tilespmem:s4+$0x0];
	v14 =	vmul.f32 $1.442695020e+00, v15;
	[tilespmem:s2+$0x0] =	vst v0;
	(xrf2) =	vadd.scan.msk.f32 $0xffff, v18;
	v28, _, _ =	vpop (xrf2)  }
0x252: {  	v54 =	vadd.f32 s3, v4;
	v25 =	vmul.f32 $1.442695020e+00, v25;
	[tilespmem:s4+$0x0] =	vst v0;
	v7 =	vld [tilespmem:s4+$0x10];
	(v2sf) =	vpush v28, $0xF;
	s19 =	spop (v2sf)  }
0x253: {  	(erf) = vpow2.f32 v14;
	v20 =	vld [tilespmem:s2+$0x10];
	[tilespmem:s2+$0x10] =	vst v0;
	s2 =	sadd.f32 s19, s26  }
0x254: {  	s10 =	ssub.f32 $-7.680000000e+02, s26;
	(erf) = vpow2.f32 v25;
	v25 =	vmul.f32 $1.442695020e+00, v54;
	s29 =	spop (v2sf)  }
0x255: {  	[tilespmem:s4+$0x10] =	vst v0;
	v22, _, _ =	vpop (xrf2);
	s26 =	simm.s32 $0xFDA0;
	s29 =	sadd.f32 s29, s2  }
0x256: {  	v55 =	vsub.f32 s10, v12;
	(v2sf) =	vpush v22, $0xF;
	v15 =	vld [tilespmem:s26+$0xFFFFFFE0]  }
0x257: {  	s19 =	ssub.f32 $-7.680000000e+02, s29  }
0x258: {  	s28 =	simm.s32 $0x10DA0;
	(erf) = vpow2.f32 v25;
	v56 =	vmul.f32 $5.631029140e-03, v55;
	v25, _, _ =	vpop (xrf2)  }
0x259: {  	v14 =	vld [tilespmem:s28+$0xFFFFFFE0];
	(xrf2) =	vadd.scan.msk.f32 $0xffff, v20;
	[tilespmem:s26+$0xFFFFFFE0] =	vst v0;
	(v2sf) =	vpush v25, $0xF;
	s2 =	ssub.f32 $-7.680000000e+02, s2;
	v57 =	vsub.f32 s19, v21  }
0x25a: {  	s30 =	simm.s32 $0x1;
	v35 =	vpop (erf);
	v32 =	vsub.f32 v56, v19;
	[tilespmem:s28+$0xFFFFFFE0] =	vst v0;
	s10 =	spop (v2sf)  }
0x25b: {  	s4 =	sadd.f32 s10, s29;
	v58 =	vsub.f32 s2, v26;
	v26, _, _ =	vpop (xrf2);
	v21 =	vld [tilespmem:s26+$0xFFFFFFF0];
	(xrf2) =	vadd.scan.msk.f32 $0xffff, v15;
	s19 =	scvt.s32.f32 s30;
	v33 =	vmul.f32 $5.631029140e-03, v57  }
0x25c: {  	v32 =	vmul.f32 v32, v35;
	v12 =	vld [tilespmem:s28+$0xFFFFFFF0];
	[tilespmem:s26+$0xFFFFFFF0] =	vst v0;
	(v2sf) =	vpush v26, $0xF  }
0x25d: {  	s29 =	ssub.f32 $-7.680000000e+02, s4;
	[tilespmem:s28+$0xFFFFFFF0] =	vst v0;
	v34 =	vmul.f32 $5.631029140e-03, v58;
	s3 =	smul.f32 $3.593750000e-01, s19;
	v33 =	vsub.f32 v33, v24  }
0x25e: {  	v59 =	vpop (erf);
	v32 =	vadd.f32 v32, v23;
	v24 =	vld [tilespmem:s26+$0x0]  }
0x25f: {  	v28 =	vsub.f32 s29, v28;
	v34 =	vsub.f32 v34, v27;
	s2 =	sadd.f32 $-2.300000000e+01, s3;
	v33 =	vmul.f32 v33, v59  }
0x260: {  	v60 =	vpop (erf);
	v38 =	vand.u32 $0x7FFFFFFF, v32;
	(xrf2) =	vadd.scan.msk.f32 $0xffff, v21  }
0x261: {  	v19 =	vld [tilespmem:s28+$0x0];
	[tilespmem:s26+$0x0] =	vst v0;
	v36 =	vmul.f32 $5.631029140e-03, v28;
	v34 =	vmul.f32 v34, v60;
	s10 =	spop (v2sf);
	s29 =	sadd.f32 $1.796875000e-01, s2;
	v30 =	vadd.f32 v33, v30  }
0x262: {  	v9 =	vadd.f32 v38, v9;
	[tilespmem:s28+$0x0] =	vst v0;
	v37 =	vadd.f32 s2, v4;
	s3 =	sadd.f32 s10, s4  }
0x263: {  	v28, _, _ =	vpop (xrf2);
	v36 =	vsub.f32 v36, v31;
	v27 =	vld [tilespmem:s26+$0x10];
	s19 =	sadd.f32 $8.984375000e-02, s2;
	v34 =	vadd.f32 v34, v29;
	(xrf2) =	vadd.scan.msk.f32 $0xffff, v24  }
0x264: {  	v62 =	vpop (erf);
	s2 =	sadd.f32 $2.695312500e-01, s2;
	(v2sf) =	vpush v28, $0xF;
	v61 =	vmul.f32 $1.442695020e+00, v37;
	v63 =	vadd.f32 s29, v4  }
0x265: {  	v23 =	vld [tilespmem:s28+$0x10];
	[tilespmem:s26+$0x10] =	vst v0;
	s10 =	spop (v2sf);
	s31 =	ssub.f32 $-7.680000000e+02, s3;
	v32 =	vmul.f32 v36, v62;
	v33 =	vadd.f32 s19, v4;
	v31 =	vand.u32 $0x7FFFFFFF, v30;
	v30, _, _ =	vpop (xrf2)  }
0x266: {  	s30 =	simm.s32 $0x3;
	[tilespmem:s28+$0x10] =	vst v0;
	s29 =	simm.s32 $0x2;
	s4 =	sadd.f32 s10, s3;
	(erf) = vpow2.f32 v61;
	v29 =	vmul.f32 $1.442695020e+00, v63;
	(v2sf) =	vpush v30, $0xF  }
.LBB2_13:
0x267: {  	s26 =	sadd.s32 $0x40, s26  }
0x268: {  	v35 =	vsub.f32 s31, v22;
	v33 =	vmul.f32 $1.442695020e+00, v33;
	s10 =	spop (v2sf);
	v37 =	vand.u32 $0x7FFFFFFF, v34;
	v36 =	vmovc v27;
	v22 =	vmovc v30;
	s19 =	smov.u32 s30;
	s3 =	sadd.s32 $0x1, s30  }
0x269: {  	p1 =	sne.s32 s30, $0x3F;
	s28 =	sadd.s32 $0x40, s28;
	v30 =	vadd.f32 s2, v4;
	v27 =	vld [tilespmem:s26+$0xFFFFFFE0];
	s10 =	sadd.f32 s10, s4;
	(erf) = vpow2.f32 v29;
	v9 =	vadd.f32 v37, v9  }
0x26a: {  	v32 =	vadd.f32 v32, v17;
	v17 =	vmov v7;
	s2 =	ssub.f32 $-7.680000000e+02, s4;
	v29 =	vld [tilespmem:s28+$0xFFFFFFE0];
	v34, _, _ =	vpop (xrf2);
	(xrf2) =	vadd.scan.msk.f32 $0xffff, v36;
	(erf) = vpow2.f32 v33  }
0x26b: {  	v7 =	vmovc v23;
	v30 =	vmul.f32 $1.442695020e+00, v30;
	[tilespmem:s26+$0xFFFFFFE0] =	vst v0;
	(v2sf) =	vpush v34, $0xF;
	s4 =	ssub.f32 $-7.680000000e+02, s10;
	s30 =	spop (v2sf);
	v9 =	vadd.f32 v31, v9  }
0x26c: {  	v23 =	vmul.f32 $5.631029140e-03, v35;
	v32 =	vand.u32 $0x7FFFFFFF, v32;
	v31 =	vsub.f32 s2, v25;
	v25 =	vmovc v34;
	[tilespmem:s28+$0xFFFFFFE0] =	vst v0;
	v37 =	vld [tilespmem:s28+$0xFFFFFFF0];
	s31 =	sadd.f32 s30, s10  }
0x26d: {  	v33 =	vld [tilespmem:s26+$0xFFFFFFF0];
	[tilespmem:s26+$0xFFFFFFF0] =	vst v0;
	v34 =	vsub.f32 s4, v26;
	v26, _, _ =	vpop (xrf2);
	(erf) = vpow2.f32 v30;
	v9 =	vadd.f32 v32, v9  }
0x26e: {  	s2 =	scvt.s32.f32 s29;
	s29 =	smov.u32 s19;
	v31 =	vmul.f32 $5.631029140e-03, v31;
	[tilespmem:s28+$0xFFFFFFF0] =	vst v0;
	v30 =	vld [tilespmem:s28+$0x0];
	(xrf2) =	vadd.scan.msk.f32 $0xffff, v27;
	(v2sf) =	vpush v26, $0xF;
	s4 =	ssub.f32 $-7.680000000e+02, s31  }
0x26f: {  	v32 =	vsub.f32 v23, v16;
	v16 =	vmov v15;
	v35 =	vld [tilespmem:s26+$0x0];
	v34 =	vmul.f32 $5.631029140e-03, v34;
	v38 =	vpop (erf)  }
0x270: {  	s2 =	smul.f32 $3.593750000e-01, s2;
	v15 =	vmovc v27;
	v31 =	vsub.f32 v31, v13;
	v13 =	vmov v21;
	[tilespmem:s26+$0x0] =	vst v0;
	v39 =	vsub.f32 s4, v28  }
0x271: {  	v32 =	vmul.f32 v32, v38;
	[tilespmem:s28+$0x0] =	vst v0;
	v23 =	vld [tilespmem:s28+$0x10];
	v38 =	vsub.f32 v34, v18;
	v18 =	vmov v24  }
0x272: {  	s2 =	sadd.f32 $-2.300000000e+01, s2;
	v27 =	vld [tilespmem:s26+$0x10];
	(xrf2) =	vadd.scan.msk.f32 $0xffff, v33;
	v24 =	vmul.f32 $5.631029140e-03, v39;
	v28 =	vpop (erf);
	v21 =	vmov v33  }
0x273: {  	v40 =	vadd.f32 v32, v10;
	v10 =	vmov v14;
	[tilespmem:s26+$0x10] =	vst v0;
	v33 =	vmul.f32 v38, v28;
	s4 =	spop (v2sf);
	v34 =	vpop (erf)  }
0x274: {  	s10 =	sadd.f32 $1.796875000e-01, s2;
	v38 =	vadd.f32 s2, v4;
	[tilespmem:s28+$0x10] =	vst v0;
	v28, _, _ =	vpop (xrf2);
	v34 =	vmul.f32 v31, v34;
	v41 =	vsub.f32 v24, v20  }
.Ltmp5:
0x275: {  	v14 =	vmovc v29;
	v39 =	vand.u32 $0x7FFFFFFF, v40;
	s4 =	sadd.f32 s4, s31;
	(xrf2) =	vadd.scan.msk.f32 $0xffff, v35;
	v33 =	vadd.f32 v33, v11;
	v11 =	vmov v19;
	(pc) =	sbr.rel @p1 .LBB2_13-.Ltmp5, $4  }
0x276: {  	s19 =	sadd.f32 $8.984375000e-02, s2;
	v29 =	vmul.f32 $1.442695020e+00, v38;
	v19 =	vmov v30;
	s30 =	spop (v2sf);
	(v2sf) =	vpush v28, $0xF;
	v32 =	vpop (erf)  }
0x277: {  	v20 =	vmovc v36;
	v38 =	vadd.f32 s10, v4;
	s31 =	ssub.f32 $-7.680000000e+02, s4;
	v24 =	vmovc v35;
	v31 =	vand.u32 $0x7FFFFFFF, v33;
	v32 =	vmul.f32 v41, v32  }
0x278: {  	s2 =	sadd.f32 $2.695312500e-01, s2;
	v34 =	vadd.f32 v34, v8;
	v33 =	vadd.f32 s19, v4;
	v30, _, _ =	vpop (xrf2);
	(erf) = vpow2.f32 v29  }
0x279: {  	v9 =	vadd.f32 v39, v9;
	v8 =	vmovc v12;
	v12 =	vmovc v37;
	s4 =	sadd.f32 s30, s4;
	s30 =	smov.u32 s3;
	v29 =	vmul.f32 $1.442695020e+00, v38;
	(v2sf) =	vpush v30, $0xF  }
0x27a: {  	_ =	sdelay $0x1  }
0x27b: {  	v35, _, _ =	vpop (xrf2)  }
0x27c: {  	(v2sf) =	vpush v35, $0xF;
	_ =	sdelay $0x1  }
0x27d: {  	s3 =	spop (v2sf);
	s10 =	scvt.s32.f32 s29;
	v36, _, _ =	vpop (xrf2)  }
0x27e: {  	s3 =	sadd.f32 s3, s4;
	(v2sf) =	vpush v36, $0xF  }
0x27f: {  	v33 =	vmul.f32 $1.442695020e+00, v33;
	v34 =	vand.u32 $0x7FFFFFFF, v34;
	v37 =	vadd.f32 s2, v4;
	s29 =	ssub.f32 $-7.680000000e+02, s4;
	s10 =	smul.f32 $3.593750000e-01, s10  }
0x280: {  	v22 =	vsub.f32 s31, v22;
	v17 =	vadd.f32 v32, v17;
	(erf) = vpow2.f32 v29;
	s30 =	ssub.f32 $-7.680000000e+02, s3  }
0x281: {  	v9 =	vadd.f32 v34, v9;
	(erf) = vpow2.f32 v33;
	v29 =	vmul.f32 $1.442695020e+00, v37;
	s19 =	spop (v2sf);
	s10 =	sadd.f32 $-2.300000000e+01, s10  }
0x282: {  	(xrf2) =	vadd.scan.msk.f32 $0xffff, v27;
	v22 =	vmul.f32 $5.631029140e-03, v22;
	v17 =	vand.u32 $0x7FFFFFFF, v17;
	v25 =	vsub.f32 s29, v25;
	s3 =	sadd.f32 s19, s3  }
0x283: {  	v9 =	vadd.f32 v31, v9;
	(erf) = vpow2.f32 v29;
	s19 =	sadd.f32 $1.796875000e-01, s10;
	v38 =	vadd.f32 s10, v4  }
0x284: {  	v16 =	vsub.f32 v22, v16;
	v26 =	vsub.f32 s30, v26;
	v25 =	vmul.f32 $5.631029140e-03, v25;
	s26 =	sadd.f32 $8.984375000e-02, s10  }
0x285: {  	v9 =	vadd.f32 v17, v9;
	s31 =	ssub.f32 $-7.680000000e+02, s3;
	v40 =	vadd.f32 s19, v4;
	v22 =	vmul.f32 $1.442695020e+00, v38;
	s28 =	spop (v2sf)  }
0x286: {  	v26 =	vmul.f32 $5.631029140e-03, v26;
	v13 =	vsub.f32 v25, v13;
	v41 =	vadd.f32 s26, v4;
	s2 =	sadd.f32 s28, s3  }
0x287: {  	s30 =	sadd.f32 $2.695312500e-01, s10;
	v39 =	vpop (erf);
	v28 =	vsub.f32 s31, v28;
	v43 =	vmul.f32 $1.442695020e+00, v40;
	(erf) = vpow2.f32 v22;
	s29 =	spop (v2sf)  }
0x288: {  	v16 =	vmul.f32 v16, v39;
	v18 =	vsub.f32 v26, v18;
	v45 =	vmul.f32 $1.442695020e+00, v41;
	s3 =	sadd.f32 s29, s2  }
0x289: {  	v47 =	vadd.f32 s30, v4;
	v42 =	vmul.f32 $5.631029140e-03, v28;
	v44 =	vpop (erf);
	(erf) = vpow2.f32 v43;
	s2 =	ssub.f32 $-7.680000000e+02, s2  }
0x28a: {  	v10 =	vadd.f32 v16, v10;
	v17 =	vmul.f32 v18, v44;
	v46 =	vpop (erf);
	(erf) = vpow2.f32 v45;
	s31 =	spop (v2sf)  }
0x28b: {  	v18 =	vmul.f32 $1.442695020e+00, v47;
	v13 =	vmul.f32 v13, v46;
	v50 =	vsub.f32 s2, v30;
	s19 =	sadd.f32 s31, s3  }
0x28c: {  	v48 =	vsub.f32 v42, v20;
	v49, _, _ =	vpop (xrf2);
	v10 =	vand.u32 $0x7FFFFFFF, v10;
	v11 =	vadd.f32 v17, v11;
	s26 =	ssub.f32 $-7.680000000e+02, s3  }
0x28d: {  	(v2sf) =	vpush v49, $0xF;
	v9 =	vadd.f32 v10, v9;
	v20 =	vmul.f32 $5.631029140e-03, v50;
	s28 =	ssub.f32 $-7.680000000e+02, s19;
	s29 =	spop (v2sf)  }
0x28e: {  	v51 =	vpop (erf);
	v8 =	vadd.f32 v13, v8;
	(erf) = vpow2.f32 v18;
	v52 =	vsub.f32 s26, v35;
	s30 =	sadd.f32 s29, s19  }
0x28f: {  	v13 =	vmul.f32 v48, v51;
	v11 =	vand.u32 $0x7FFFFFFF, v11;
	v15 =	vsub.f32 v20, v15  }
0x290: {  	v8 =	vand.u32 $0x7FFFFFFF, v8;
	v56 =	vpop (erf);
	v54 =	vmul.f32 $5.631029140e-03, v52;
	v53 =	vsub.f32 s28, v36;
	s2 =	ssub.f32 $-7.680000000e+02, s30  }
0x291: {  	v7 =	vadd.f32 v13, v7;
	v8 =	vadd.f32 v8, v9;
	v10 =	vmul.f32 v15, v56  }
0x292: {  	v59 =	vpop (erf);
	v57 =	vsub.f32 v54, v21;
	v55 =	vmul.f32 $5.631029140e-03, v53;
	v58 =	vsub.f32 s2, v49  }
0x293: {  	v7 =	vand.u32 $0x7FFFFFFF, v7;
	v8 =	vadd.f32 v11, v8;
	v60 =	vpop (erf);
	v10 =	vadd.f32 v10, v14  }
0x294: {  	v11 =	vmul.f32 v57, v60;
	v9 =	vsub.f32 v55, v24;
	v16 =	vmul.f32 $5.631029140e-03, v58  }
0x295: {  	v7 =	vadd.f32 v7, v8;
	v10 =	vand.u32 $0x7FFFFFFF, v10  }
0x296: {  	v11 =	vadd.f32 v11, v12;
	v8 =	vmul.f32 v9, v59;
	v61 =	vsub.f32 v16, v27  }
0x297: {  	v62 =	vpop (erf);
	v7 =	vadd.f32 v10, v7  }
0x298: {  	v63 =	vand.u32 $0x7FFFFFFF, v11;
	v8 =	vadd.f32 v8, v19;
	v9 =	vmul.f32 v61, v62  }
0x299: {  	v7 =	vadd.f32 v63, v7  }
0x29a: {  	v8 =	vand.u32 $0x7FFFFFFF, v8;
	v9 =	vadd.f32 v9, v23  }
0x29b: {  	s22 =	sadd.s32 $0x1, s22;
	s2 =	simm.f32 $5.274261350e-04;
	v7 =	vadd.f32 v8, v7  }
0x29c: {  	s2 =	simm.s32 @!p0 $0x39FA232D;
	p0 =	sne.s32 s22, s7;
	v8 =	vand.u32 $0x7FFFFFFF, v9  }
.Ltmp6:
0x29d: {  	v7 =	vadd.f32 v8, v7;
	(pc) =	sbr.rel @p0 .LBB2_4-.Ltmp6, $3  }
0x29e: {  	_ = 	snop  }
0x29f: {  	v7 =	vmul.f32 s2, v7;
	_ =	sdelay $0x1  }
0x2a0: {  	s31 =	spop (v2sf);
	v5 =	vadd.f32 v7, v5  }
0x2a1: {  	_ =	swait.ge [sflag:s15], $0x7D00  }
0x2a2: {  	s20 =	sadd.s32 $0x1, s20;
	[sflag:s15] =	ssyncset.done $0x0  }
0x2a3: {  	p0 =	sne.s32 s20, s9;
	[sflag:s15] =	ssyncadd.s32 $0xFFFF8300  }
.Ltmp7:
0x2a4: {  	s2 =	simm.s32 $0x11D80;
	[tilespmem:$0x11D80] =	vst v5;
	(pc) =	sbr.rel @p0 .LBB2_1-.Ltmp7, $4  }
0x2a5: {  	[hbm4b:s8+s5] =	stream.linear.scatter [tilespmem:s2], [sflag:$0x3], $0x10, $0x38;
	[tilespmem:$0x11E00] =	vst v63  }
0x2a6: {  	_ =	swait.ge [sflag:s11], $0x10  }
0x2a7: {  	[sflag:s11] =	ssyncset.done $0x0  }
0x2a8: {  	[sflag:s11] =	ssyncadd.s32 $0xFFFFFFF0  }
0x2a9: {  	_ =	sfence.sel $0x180000  }
0x2aa: {  	[bflag:$0x0] =	sbarrier.arrive $0xFFFF  }
0x2ab: {  	_ =	strace $0x90000047  }
0x2ac: {  	s0 =	stileid.u32;
	[bflag:$0x2] =	sbarrier.arrive $0xFFFF  }
0x2ad: {  	p0 =	sne.s32 s0, $0x0;
	s0 =	rddreg [dreg:$0x4]  }
0x2ae: {  	s0 =	sadd.s32 @!p0 $0x100000, s0  }
0x2af: {  	[sflag:s0] =	ssyncadd.tile.s32 @!p0 $0x1;
	_ =	shalt  }
.Lfunc_end2:
_tile_overlayer_lowered:
.L_overlay_start_2:
0x2b0: {  	(tag) =	ssettag $0x2  }
0x2b1: {  	s0 =	rddreg [dreg:$0x0];
	s2 =	stileid.u32  }
0x2b2: {  	s1 =	rddreg [dreg:$0x1];
	p0 =	sne.s32 s2, $0x0  }
0x2b3: {  	s3 =	rddreg [dreg:$0x2];
	[bflag:$0x3] =	sbarrier.arrive $0xFFFF;
	s2 =	simm.s32 @!p0 $0x1C03  }
0x2b4: {  	[timem:s3], [sflag:s2] =	dma.local @!p0 [hbm:s0], s1  }
0x2b5: {  	s0 =	simm.s32 @!p0 $0x3  }
0x2b6: {  	_ =	swait.ge @!p0 [sflag:s0], s1  }
0x2b7: {  	s1 =	ssub.s32 @!p0 $0x0, s1;
	[sflag:s0] =	ssyncset.done @!p0 $0x0  }
0x2b8: {  	[sflag:s0] =	ssyncadd.s32 @!p0 s1  }
0x2b9: {  	[bflag:$0x3] =	sbarrier.arrive $0xFFFF  }
0x2ba: {  	_ =	shalt  }

</sc_bundles>
